<compile_context>
chip_gen: v7x
topology: tpu7x:2x2x1
jax: 0.10.2.dev20260603
libtpu: 0.0.44.dev20260713+nightly
codegen_flags: <defaults>
</compile_context>

<pallas_src>
import functools
import math

import jax
import jax.numpy as jnp
from jax import lax
from jax.experimental import pallas as pl
from jax.experimental.pallas import tpu as pltpu
from jax.experimental.pallas import tpu_sc as plsc

N = 10000
D = 128
E = 320000
S = 100
ES = 1600
H = 4
DH = D // H
FF = 512
NC2 = 2

NCORES = 2
NSUB = 16
NW = NCORES * NSUB
CH = 128
GRP = 8
GROUPS = 10
CPW = GRP * GROUPS
EPAD = NW * CPW * CH
SUB = 64
SGRP = 8
NBODY = EPAD // (NW * SUB * SGRP)
NBUF = 4
NP = 10240
NZCH = NP // CH
ZPT = NZCH // NSUB
LBN = 2560

BN = 1000
GRID_N = N // BN

_EPS = 1e-6


def _lnorm(z, g, b):
    mu = jnp.mean(z, axis=-1, keepdims=True)
    var = jnp.mean((z - mu) ** 2, axis=-1, keepdims=True)
    return (z - mu) / jnp.sqrt(var + _EPS) * g + b


def _dot(a, b):
    return jnp.dot(a, b, preferred_element_type=jnp.float32)


def _ln_body(x_ref, g_ref, b_ref, o_ref):
    o_ref[...] = _lnorm(x_ref[...], g_ref[...], b_ref[...])


def _stage_ln(x, g, b):
    return pl.pallas_call(
        _ln_body,
        grid=(NP // LBN,),
        in_specs=[
            pl.BlockSpec((LBN, D), lambda i: (i, 0)),
            pl.BlockSpec((1, D), lambda i: (0, 0)),
            pl.BlockSpec((1, D), lambda i: (0, 0)),
        ],
        out_specs=pl.BlockSpec((LBN, D), lambda i: (i, 0)),
        out_shape=jax.ShapeDtypeStruct((NP, D), jnp.float32),
    )(x, g, b)


def _sc_body(h_hbm, src_hbm, dst_hbm, zr_hbm,
             out_hbm, cnt_hbm,
             src_v, dst_v, r0, r1, r2, r3,
             cnt_v, acc_sh, g0, g1, g2, g3, s0, s1, s2, s3):
    cid = lax.axis_index("c")
    sid = lax.axis_index("s")
    wid = cid * NSUB + sid
    rows = (r0, r1, r2, r3)
    gsem = (g0, g1, g2, g3)
    ssem = (s0, s1, s2, s3)

    def zcnt(i, carry):
        cnt_v[pl.ds(pl.multiple_of(i * 16, 8), 16)] = jnp.zeros(
            (16,), jnp.float32)
        return carry

    lax.fori_loop(0, NP // 16, zcnt, 0)

    pltpu.sync_copy(zr_hbm, r0)
    for k in range(NP // NSUB // SUB):
        start = pl.multiple_of(sid * (NP // NSUB) + k * SUB, 8)
        pltpu.sync_copy(r0, acc_sh.at[pl.ds(start, SUB)])

    plsc.subcore_barrier()

    ones16 = jnp.ones((16,), jnp.float32)

    def body(g, carry):
        base = pl.multiple_of(g * 2 * SGRP, 8)
        pltpu.sync_copy(src_hbm.at[wid, pl.ds(base, 2 * SGRP)], src_v)
        pltpu.sync_copy(dst_hbm.at[wid, pl.ds(base, 2 * SGRP)], dst_v)
        for u in range(NBUF - 1):
            pltpu.async_copy(h_hbm.at[src_v.at[u]], rows[u], gsem[u])
        for u in range(2 * SGRP):
            b = u % NBUF
            pltpu.make_async_copy(h_hbm.at[src_v.at[u]], rows[b],
                                  gsem[b]).wait()
            for k in range(SUB // 16):
                idx = dst_v[u, pl.ds(k * 16, 16)]
                plsc.addupdate_scatter(cnt_v, [idx], ones16)
            un = u + NBUF - 1
            if un < 2 * SGRP:
                pltpu.async_copy(h_hbm.at[src_v.at[un]], rows[un % NBUF],
                                 gsem[un % NBUF])
            pltpu.sync_copy(rows[b], acc_sh.at[dst_v.at[u]], add=True)
        return carry

    lax.fori_loop(0, NBODY // 2, body, 0)
    plsc.subcore_barrier()

    for k in range(NP // NSUB // SUB):
        start = pl.multiple_of(sid * (NP // NSUB) + k * SUB, 8)
        pltpu.sync_copy(acc_sh.at[pl.ds(start, SUB)], r0)
        pltpu.sync_copy(r0, out_hbm.at[cid, pl.ds(start, SUB)])

    pltpu.sync_copy(cnt_v, cnt_hbm.at[wid])


def _stage_sc(h, src3d, dst3d):
    zrows = jnp.zeros((SUB, D), jnp.float32)
    mesh = plsc.VectorSubcoreMesh(
        core_axis_name="c", subcore_axis_name="s",
        num_cores=NCORES, num_subcores=NSUB)
    f = pl.kernel(
        _sc_body,
        compiler_params=pltpu.CompilerParams(needs_layout_passes=False),
        out_type=(
            pltpu.HBM((NCORES, NP, D), jnp.float32),
            pltpu.HBM((NW, NP), jnp.float32),
        ),
        mesh=mesh,
        scratch_types=[
            pltpu.VMEM((2 * SGRP, SUB), jnp.int32),
            pltpu.VMEM((2 * SGRP, SUB), jnp.int32),
            pltpu.VMEM((SUB, D), jnp.float32),
            pltpu.VMEM((SUB, D), jnp.float32),
            pltpu.VMEM((SUB, D), jnp.float32),
            pltpu.VMEM((SUB, D), jnp.float32),
            pltpu.VMEM((NP,), jnp.float32),
            pltpu.VMEM_SHARED((NP, D), jnp.float32),
            pltpu.SemaphoreType.DMA,
            pltpu.SemaphoreType.DMA,
            pltpu.SemaphoreType.DMA,
            pltpu.SemaphoreType.DMA,
            pltpu.SemaphoreType.DMA,
            pltpu.SemaphoreType.DMA,
            pltpu.SemaphoreType.DMA,
            pltpu.SemaphoreType.DMA,
        ],
    )
    return f(h, src3d, dst3d, zrows)


def _cnt_body(c_ref, one_ref, o_ref):
    o_ref[...] = lax.dot_general(c_ref[...], one_ref[...],
                                 (((0,), (0,)), ((), ())),
                                 preferred_element_type=jnp.float32)


def _stage_cnt(cnt):
    ones_w = jnp.ones((NW, 1), jnp.float32)
    return pl.pallas_call(
        _cnt_body,
        grid=(NP // LBN,),
        in_specs=[
            pl.BlockSpec((NW, LBN), lambda i: (0, i)),
            pl.BlockSpec((NW, 1), lambda i: (0, 0)),
        ],
        out_specs=pl.BlockSpec((LBN, 1), lambda i: (i, 0)),
        out_shape=jax.ShapeDtypeStruct((NP, 1), jnp.float32),
    )(cnt, ones_w)


def _mid_body(h_ref, p_ref, c_ref, seg_ref, wl_ref, wr_ref, b_ref,
              g_ref, be_ref, pooled_ref, pcnt_ref):
    i = pl.program_id(0)
    h = h_ref[...]
    p = p_ref[...]
    agg = p[0] + p[1]
    cnt = jnp.maximum(c_ref[...], 1.0)
    aggm = agg / cnt
    y = _dot(h, wl_ref[...]) + _dot(aggm, wr_ref[...]) + b_ref[...]
    y = jnp.maximum(y, 0.0)
    yn = _lnorm(y, g_ref[...], be_ref[...])

    segrow = seg_ref[0]
    rows = lax.broadcasted_iota(jnp.int32, (D, BN), 0)
    oh = (rows == segrow).astype(jnp.float32)
    pooledb = _dot(oh, yn)
    pcntb = jnp.sum(oh, axis=1, keepdims=True)

    @pl.when(i == 0)
    def _():
        pooled_ref[...] = jnp.zeros_like(pooled_ref)
        pcnt_ref[...] = jnp.zeros_like(pcnt_ref)

    pooled_ref[...] += pooledb
    pcnt_ref[...] += pcntb


def _stage_mid(h, part, cnt, seg3d, W1l, W1r, b1, g, be):
    return pl.pallas_call(
        _mid_body,
        grid=(GRID_N,),
        in_specs=[
            pl.BlockSpec((BN, D), lambda i: (i, 0)),
            pl.BlockSpec((NCORES, BN, D), lambda i: (0, i, 0)),
            pl.BlockSpec((BN, 1), lambda i: (i, 0)),
            pl.BlockSpec((1, 1, BN), lambda i: (i, 0, 0)),
            pl.BlockSpec((D, D), lambda i: (0, 0)),
            pl.BlockSpec((D, D), lambda i: (0, 0)),
            pl.BlockSpec((1, D), lambda i: (0, 0)),
            pl.BlockSpec((1, D), lambda i: (0, 0)),
            pl.BlockSpec((1, D), lambda i: (0, 0)),
        ],
        out_specs=[
            pl.BlockSpec((D, D), lambda i: (0, 0)),
            pl.BlockSpec((D, 1), lambda i: (0, 0)),
        ],
        out_shape=[
            jax.ShapeDtypeStruct((D, D), jnp.float32),
            jax.ShapeDtypeStruct((D, 1), jnp.float32),
        ],
    )(h, part, cnt, seg3d, W1l, W1r, b1, g, be)


def _head_body(pooled_ref, pcnt_ref, es_ref,
               g2i_ref, b2i_ref, w2l_ref, w2r_ref, b2_ref, g2o_ref, b2o_ref,
               pew_ref, peb_ref, cls_ref, pos_ref, preg_ref, preb_ref,
               lag_ref, lab_ref, wqkv_ref, bqkv_ref, wo_ref, bo_ref,
               lmg_ref, lmb_ref, wf1_ref, bf1_ref, wf2_ref, bf2_ref,
               lfg_ref, lfb_ref, hw_ref, hb_ref, out_ref):
    cnt = jnp.maximum(pcnt_ref[...], 1.0)
    fea = pooled_ref[...] / cnt
    g = _lnorm(fea, g2i_ref[...], b2i_ref[...])

    es = es_ref[...]
    rows = lax.broadcasted_iota(jnp.int32, (D, ES), 0)
    od = (rows == es[1:2, :]).astype(jnp.float32)
    osrc = (rows == es[0:1, :]).astype(jnp.float32)
    adj = lax.dot_general(od, osrc, (((1,), (1,)), ((), ())),
                          preferred_element_type=jnp.float32)
    deg = jnp.sum(od, axis=1, keepdims=True)
    agg2 = _dot(adj, g) / jnp.maximum(deg, 1.0)
    g2 = _dot(g, w2l_ref[...]) + _dot(agg2, w2r_ref[...]) + b2_ref[...]
    g2 = jnp.maximum(g2, 0.0)
    gg = _lnorm(g2, g2o_ref[...], b2o_ref[...])

    proj = _dot(gg, pew_ref[...]) + peb_ref[...]
    t = jnp.concatenate([cls_ref[...], proj[0:S, :]], axis=0)
    t = t + pos_ref[...]
    t = _lnorm(t, preg_ref[...], preb_ref[...])

    a = _lnorm(t, lag_ref[...], lab_ref[...])
    qkv = _dot(a, wqkv_ref[...]) + bqkv_ref[...]
    heads = []
    scale = 1.0 / math.sqrt(DH)
    for hh in range(H):
        qh = qkv[:, hh * DH:(hh + 1) * DH]
        kh = qkv[:, D + hh * DH:D + (hh + 1) * DH]
        vh = qkv[:, 2 * D + hh * DH:2 * D + (hh + 1) * DH]
        lg = lax.dot_general(qh, kh, (((1,), (1,)), ((), ())),
                             preferred_element_type=jnp.float32) * scale
        m = jnp.max(lg, axis=-1, keepdims=True)
        e = jnp.exp(lg - m)
        att = e / jnp.sum(e, axis=-1, keepdims=True)
        heads.append(_dot(att, vh))
    o = jnp.concatenate(heads, axis=1)
    t = t + _dot(o, wo_ref[...]) + bo_ref[...]
    mm = _lnorm(t, lmg_ref[...], lmb_ref[...])
    ff = _dot(jax.nn.gelu(_dot(mm, wf1_ref[...]) + bf1_ref[...]),
              wf2_ref[...]) + bf2_ref[...]
    t = t + ff
    t = _lnorm(t, lfg_ref[...], lfb_ref[...])
    out_ref[...] = _dot(t[0:1, :], hw_ref[...]) + hb_ref[...]


def _stage_head(pooled, pcnt, es, *ws):
    return pl.pallas_call(
        _head_body,
        out_shape=jax.ShapeDtypeStruct((1, NC2), jnp.float32),
    )(pooled, pcnt, es, *ws)


def kernel(x, edge_patch, superpixel_attri, edge_superpixel, ln_in1_g,
           ln_in1_b, W1l, W1r, b1, ln_out1_g, ln_out1_b, ln_in2_g, ln_in2_b,
           W2l, W2r, b2, ln_out2_g, ln_out2_b, pe_W, pe_b, cls, pos, pre_g,
           pre_b, lnA_g, lnA_b, Wqkv, bqkv, Wo, bo, lnM_g, lnM_b, Wf1, bf1,
           Wf2, bf2, lnF_g, lnF_b, head_W, head_b):
    r = lambda v: v.reshape(1, -1)
    pad = N + jnp.arange(EPAD - E, dtype=jnp.int32) % (NP - N)
    src3d = jnp.concatenate([edge_patch[0], pad]).reshape(
        NW, NBODY * SGRP, SUB)
    dst3d = jnp.concatenate([edge_patch[1], pad]).reshape(
        NW, NBODY * SGRP, SUB)
    seg3d = superpixel_attri.reshape(GRID_N, 1, BN)
    x_pad = jnp.pad(x, ((0, NP - N), (0, 0)))

    h = _stage_ln(x_pad, r(ln_in1_g), r(ln_in1_b))
    part, cnt = _stage_sc(h, src3d, dst3d)
    cnt_col = _stage_cnt(cnt)
    pooled, pcnt = _stage_mid(h, part, cnt_col, seg3d, W1l, W1r, r(b1),
                              r(ln_out1_g), r(ln_out1_b))
    out = _stage_head(
        pooled, pcnt, edge_superpixel,
        r(ln_in2_g), r(ln_in2_b), W2l, W2r, r(b2), r(ln_out2_g), r(ln_out2_b),
        pe_W, r(pe_b), cls.reshape(1, D), pos.reshape(S + 1, D),
        r(pre_g), r(pre_b), r(lnA_g), r(lnA_b), Wqkv, r(bqkv), Wo, r(bo),
        r(lnM_g), r(lnM_b), Wf1, r(bf1), Wf2, r(bf2), r(lnF_g), r(lnF_b),
        head_W, r(head_b))
    return out

# --- scband reference (transcript-rebuilt; emitter-appended) ---
"""Pipeline reference for scband-superpixel-vit-52329881534581 (READ-ONLY COPY).

The authoritative reference and input builder live on the scoring server;
editing this copy changes nothing except your own understanding.
"""

import jax, jax.numpy as jnp
import numpy as np

N = 10000   # patch nodes
E = 320000  # patch edges
D = 128     # feature dim / embed_dim
S = 100     # superpixels == num_patches
ES = 1600   # superpixel edges
H = 4       # heads
DH = D // H
FF = 512    # mlp hidden (mlp_ratio=4)
NC = 2      # num classes


def _ln(x, g, b, eps=1e-6):
    mu = jnp.mean(x, axis=-1, keepdims=True)
    var = jnp.var(x, axis=-1, keepdims=True)
    return (x - mu) / jnp.sqrt(var + eps) * g + b


def _sage(x, edge_index, Wl, Wr, b):
    # PyG SAGEConv: W_l @ x + W_r @ mean_{j in N(i)} x_j
    src = edge_index[0]
    dst = edge_index[1]
    msg = jnp.take(x, src, axis=0)
    agg = jax.ops.segment_sum(msg, dst, num_segments=x.shape[0])
    cnt = jax.ops.segment_sum(jnp.ones((edge_index.shape[1],), x.dtype), dst, num_segments=x.shape[0])
    agg = agg / jnp.clip(cnt, 1.0)[:, None]
    return x @ Wl + agg @ Wr + b


def setup_inputs(seed: int = 0) -> dict:
    key = jax.random.key(seed)
    ks = jax.random.split(key, 48)
    inp = {}
    inp['x'] = jax.random.normal(ks[0], (N, D), jnp.float32)
    inp['edge_patch'] = jax.random.randint(ks[1], (2, E), 0, N, dtype=jnp.int32)
    inp['superpixel_attri'] = jnp.sort(jax.random.randint(ks[2], (N,), 0, S, dtype=jnp.int32))
    inp['edge_superpixel'] = jax.random.randint(ks[3], (2, ES), 0, S, dtype=jnp.int32)
    i = 4
    def nrm(shape, scale=0.02):
        nonlocal i
        v = jax.random.normal(ks[i], shape, jnp.float32) * scale
        i += 1
        return v
    # Intra_GCN params
    inp['ln_in1_g'] = jnp.ones((D,)); inp['ln_in1_b'] = jnp.zeros((D,))
    inp['W1l'] = nrm((D, D)); inp['W1r'] = nrm((D, D)); inp['b1'] = jnp.zeros((D,))
    inp['ln_out1_g'] = jnp.ones((D,)); inp['ln_out1_b'] = jnp.zeros((D,))
    # Inter_GCN params
    inp['ln_in2_g'] = jnp.ones((D,)); inp['ln_in2_b'] = jnp.zeros((D,))
    inp['W2l'] = nrm((D, D)); inp['W2r'] = nrm((D, D)); inp['b2'] = jnp.zeros((D,))
    inp['ln_out2_g'] = jnp.ones((D,)); inp['ln_out2_b'] = jnp.zeros((D,))
    # ViT params (depth=1, pre_norm=True, class_token=True)
    inp['pe_W'] = nrm((D, D)); inp['pe_b'] = jnp.zeros((D,))
    inp['cls'] = nrm((1, 1, D))
    inp['pos'] = nrm((1, S + 1, D))
    inp['pre_g'] = jnp.ones((D,)); inp['pre_b'] = jnp.zeros((D,))
    inp['lnA_g'] = jnp.ones((D,)); inp['lnA_b'] = jnp.zeros((D,))
    inp['Wqkv'] = nrm((D, 3 * D)); inp['bqkv'] = jnp.zeros((3 * D,))
    inp['Wo'] = nrm((D, D)); inp['bo'] = jnp.zeros((D,))
    inp['lnM_g'] = jnp.ones((D,)); inp['lnM_b'] = jnp.zeros((D,))
    inp['Wf1'] = nrm((D, FF)); inp['bf1'] = jnp.zeros((FF,))
    inp['Wf2'] = nrm((FF, D)); inp['bf2'] = jnp.zeros((D,))
    inp['lnF_g'] = jnp.ones((D,)); inp['lnF_b'] = jnp.zeros((D,))
    inp['head_W'] = jnp.zeros((D, NC)); inp['head_b'] = jnp.zeros((NC,))
    return inp


def _forward(d):
    # ---- Intra_GCN on patch graph ----
    h = _ln(d['x'], d['ln_in1_g'], d['ln_in1_b'])
    h = _sage(h, d['edge_patch'], d['W1l'], d['W1r'], d['b1'])
    h = jax.nn.relu(h)
    h = _ln(h, d['ln_out1_g'], d['ln_out1_b'])
    # dropout = identity (eval)
    seg = d['superpixel_attri']
    ssum = jax.ops.segment_sum(h, seg, num_segments=S)
    scnt = jax.ops.segment_sum(jnp.ones((h.shape[0],), h.dtype), seg, num_segments=S)
    fea = ssum / jnp.clip(scnt, 1.0)[:, None]  # global_mean_pool -> [S, D]
    # ---- Inter_GCN on superpixel graph ----
    g = _ln(fea, d['ln_in2_g'], d['ln_in2_b'])
    g = _sage(g, d['edge_superpixel'], d['W2l'], d['W2r'], d['b2'])
    g = jax.nn.relu(g)
    g = _ln(g, d['ln_out2_g'], d['ln_out2_b'])
    # ---- ViT over superpixel tokens ----
    t = (g @ d['pe_W'] + d['pe_b'])[None]  # [1, S, D]
    cls = jnp.broadcast_to(d['cls'], (1, 1, D))
    t = jnp.concatenate([cls, t], axis=1) + d['pos']  # [1, S+1, D]
    t = _ln(t, d['pre_g'], d['pre_b'])
    # transformer block
    a = _ln(t, d['lnA_g'], d['lnA_b'])
    qkv = a @ d['Wqkv'] + d['bqkv']
    q, k, v = jnp.split(qkv, 3, axis=-1)
    def hd(z):
        return z.reshape(1, S + 1, H, DH).transpose(0, 2, 1, 3)
    q, k, v = hd(q), hd(k), hd(v)
    att = jax.nn.softmax((q @ k.transpose(0, 1, 3, 2)) / jnp.sqrt(jnp.float32(DH)), axis=-1)
    o = (att @ v).transpose(0, 2, 1, 3).reshape(1, S + 1, D)
    t = t + (o @ d['Wo'] + d['bo'])
    m = _ln(t, d['lnM_g'], d['lnM_b'])
    m = jax.nn.gelu(m @ d['Wf1'] + d['bf1']) @ d['Wf2'] + d['bf2']
    t = t + m
    t = _ln(t, d['lnF_g'], d['lnF_b'])
    return t[:, 0] @ d['head_W'] + d['head_b']  # [1, NC]


def reference(x, edge_patch, superpixel_attri, edge_superpixel,
              ln_in1_g, ln_in1_b, W1l, W1r, b1, ln_out1_g, ln_out1_b,
              ln_in2_g, ln_in2_b, W2l, W2r, b2, ln_out2_g, ln_out2_b,
              pe_W, pe_b, cls, pos, pre_g, pre_b,
              lnA_g, lnA_b, Wqkv, bqkv, Wo, bo,
              lnM_g, lnM_b, Wf1, bf1, Wf2, bf2, lnF_g, lnF_b,
              head_W, head_b):
    inp = {
        'x': x, 'edge_patch': edge_patch,
        'superpixel_attri': superpixel_attri, 'edge_superpixel': edge_superpixel,
        'ln_in1_g': ln_in1_g, 'ln_in1_b': ln_in1_b,
        'W1l': W1l, 'W1r': W1r, 'b1': b1,
        'ln_out1_g': ln_out1_g, 'ln_out1_b': ln_out1_b,
        'ln_in2_g': ln_in2_g, 'ln_in2_b': ln_in2_b,
        'W2l': W2l, 'W2r': W2r, 'b2': b2,
        'ln_out2_g': ln_out2_g, 'ln_out2_b': ln_out2_b,
        'pe_W': pe_W, 'pe_b': pe_b, 'cls': cls, 'pos': pos,
        'pre_g': pre_g, 'pre_b': pre_b,
        'lnA_g': lnA_g, 'lnA_b': lnA_b,
        'Wqkv': Wqkv, 'bqkv': bqkv, 'Wo': Wo, 'bo': bo,
        'lnM_g': lnM_g, 'lnM_b': lnM_b,
        'Wf1': Wf1, 'bf1': bf1, 'Wf2': Wf2, 'bf2': bf2,
        'lnF_g': lnF_g, 'lnF_b': lnF_b,
        'head_W': head_W, 'head_b': head_b,
    }
    return _forward(inp)

if __name__ == "__main__":
    import jax
    _d = setup_inputs()
    print(jax.jit(kernel)(*tuple(_d.values())))

</pallas_src>

<mosaic_0001>
#map = affine_map<(d0, d1) -> (0, 0)>
#map1 = affine_map<(d0, d1) -> (0, 0, 0)>
module attributes {stable_mosaic.version = 14 : i64} {
  func.func @_sc_body(%arg0: i32, %arg1: i32, %arg2: memref<10240x128xf32, #tpu.memory_space<hbm>>, %arg3: memref<32x160x64xi32, #tpu.memory_space<hbm>>, %arg4: memref<32x160x64xi32, #tpu.memory_space<hbm>>, %arg5: memref<64x128xf32, #tpu.memory_space<hbm>>, %arg6: memref<2x10240x128xf32, #tpu.memory_space<hbm>>, %arg7: memref<32x10240xf32, #tpu.memory_space<hbm>>, %arg8: memref<16x64xi32, #tpu.memory_space<vmem>>, %arg9: memref<16x64xi32, #tpu.memory_space<vmem>>, %arg10: memref<64x128xf32, #tpu.memory_space<vmem>>, %arg11: memref<64x128xf32, #tpu.memory_space<vmem>>, %arg12: memref<64x128xf32, #tpu.memory_space<vmem>>, %arg13: memref<64x128xf32, #tpu.memory_space<vmem>>, %arg14: memref<10240xf32, #tpu.memory_space<vmem>>, %arg15: memref<10240x128xf32, #tpu.memory_space<vmem_shared>>, %arg16: memref<!tpu.dma_semaphore, #tpu.memory_space<semaphore_mem>>, %arg17: memref<!tpu.dma_semaphore, #tpu.memory_space<semaphore_mem>>, %arg18: memref<!tpu.dma_semaphore, #tpu.memory_space<semaphore_mem>>, %arg19: memref<!tpu.dma_semaphore, #tpu.memory_space<semaphore_mem>>, %arg20: memref<!tpu.dma_semaphore, #tpu.memory_space<semaphore_mem>>, %arg21: memref<!tpu.dma_semaphore, #tpu.memory_space<semaphore_mem>>, %arg22: memref<!tpu.dma_semaphore, #tpu.memory_space<semaphore_mem>>, %arg23: memref<!tpu.dma_semaphore, #tpu.memory_space<semaphore_mem>>) attributes {dimension_semantics = [#tpu.dimension_semantics<core_parallel>, #tpu.dimension_semantics<subcore_parallel>], iteration_bounds = array<i64: 2, 16>, scalar_prefetch = 0 : i64, scratch_operands = 16 : i64, tpu.core_type = #tpu.core_type<sc_vector_subcore>, window_params = [{transform_indices = #map}, {transform_indices = #map1}, {transform_indices = #map1}, {transform_indices = #map}, {transform_indices = #map1}, {transform_indices = #map}]} {
    %mul3A = arith.constant 16 : i32
    %mul3A_0 = arith.muli %arg0, %mul3A : i32
    %add3A = arith.addi %mul3A_0, %arg1 : i32
    %scan3A = arith.constant 0 : i32
    %scan3A_1 = arith.constant 0 : i32
    %scan3A_2 = arith.constant 640 : i32
    %scan3A_3 = arith.addi %scan3A_1, %scan3A_2 : i32
    %scan3A_4 = arith.constant 1 : i32
    scf.for %scan3A_113 = %scan3A_1 to %scan3A_3 step %scan3A_4  : i32 {
      %broadcast_in_dim3A_114 = arith.constant 0.000000e+00 : f32
      %broadcast_in_dim3A_115 = vector.broadcast %broadcast_in_dim3A_114 : f32 to vector<16xf32>
      %mul3A_116 = arith.constant 16 : i32
      %mul3A_117 = arith.muli %scan3A_113, %mul3A_116 : i32
      %multiple_of3A_118 = tpu.assume_multiple %mul3A_117, 8 : i32
      %swap3A = arith.index_cast %multiple_of3A_118 : i32 to index
      %swap3A_119 = tpu.vector_load %arg14[%swap3A] {strides = array<i32>} : memref<10240xf32, #tpu.memory_space<vmem>>, vector<16xf32>,
      tpu.vector_store %arg14[%swap3A], %broadcast_in_dim3A_115 {strides = array<i32>} : memref<10240xf32, #tpu.memory_space<vmem>>, vector<16xf32>,
    }
    %scan3A_5 = arith.constant 640 : i32
    "tpu.region"() ({
      %run_scoped3A = tpu.sem_alloc : memref<!tpu.dma_semaphore, #tpu.memory_space<semaphore_mem>>
      tpu.enqueue_dma source(%arg5 : memref<64x128xf32, #tpu.memory_space<hbm>>) target(%arg10 : memref<64x128xf32, #tpu.memory_space<vmem>>) target_semaphore(%run_scoped3A : memref<!tpu.dma_semaphore, #tpu.memory_space<semaphore_mem>>)
      tpu.wait_dma2 semaphore(%run_scoped3A : memref<!tpu.dma_semaphore, #tpu.memory_space<semaphore_mem>>) src(%arg5 : memref<64x128xf32, #tpu.memory_space<hbm>>) dst(%arg10 : memref<64x128xf32, #tpu.memory_space<vmem>>)
      tpu.yield
    }) : () -> ()
    %mul3A_6 = arith.constant 640 : i32
    %mul3A_7 = arith.muli %arg1, %mul3A_6 : i32
    %add3A_8 = arith.constant 0 : i32
    %add3A_9 = arith.addi %mul3A_7, %add3A_8 : i32
    %multiple_of3A = tpu.assume_multiple %add3A_9, 8 : i32
    "tpu.region"() ({
      %run_scoped3A = tpu.sem_alloc : memref<!tpu.dma_semaphore, #tpu.memory_space<semaphore_mem>>
      %dma_start3A = arith.constant 0 : i32
      %dma_start3A_113 = tpu.memref_slice %arg15[%multiple_of3A, %dma_start3A] : memref<10240x128xf32, #tpu.memory_space<vmem_shared>> -> memref<64x128xf32, #tpu.memory_space<vmem_shared>>
      %dma_start3A_114 = arith.constant 0 : i32
      %dma_start3A_115 = tpu.memref_slice %arg15[%multiple_of3A, %dma_start3A_114] : memref<10240x128xf32, #tpu.memory_space<vmem_shared>> -> memref<64x128xf32, #tpu.memory_space<vmem_shared>>
      tpu.enqueue_dma source(%arg10 : memref<64x128xf32, #tpu.memory_space<vmem>>) target(%dma_start3A_115 : memref<64x128xf32, #tpu.memory_space<vmem_shared>>) target_semaphore(%run_scoped3A : memref<!tpu.dma_semaphore, #tpu.memory_space<semaphore_mem>>)
      %dma_wait3A = arith.constant 0 : i32
      %dma_wait3A_116 = tpu.memref_slice %arg15[%multiple_of3A, %dma_wait3A] : memref<10240x128xf32, #tpu.memory_space<vmem_shared>> -> memref<64x128xf32, #tpu.memory_space<vmem_shared>>
      %dma_wait3A_117 = arith.constant 0 : i32
      %dma_wait3A_118 = tpu.memref_slice %arg15[%multiple_of3A, %dma_wait3A_117] : memref<10240x128xf32, #tpu.memory_space<vmem_shared>> -> memref<64x128xf32, #tpu.memory_space<vmem_shared>>
      tpu.wait_dma2 semaphore(%run_scoped3A : memref<!tpu.dma_semaphore, #tpu.memory_space<semaphore_mem>>) src(%arg10 : memref<64x128xf32, #tpu.memory_space<vmem>>) dst(%dma_wait3A_118 : memref<64x128xf32, #tpu.memory_space<vmem_shared>>)
      tpu.yield
    }) : () -> ()
    %mul3A_10 = arith.constant 640 : i32
    %mul3A_11 = arith.muli %arg1, %mul3A_10 : i32
    %add3A_12 = arith.constant 64 : i32
    %add3A_13 = arith.addi %mul3A_11, %add3A_12 : i32
    %multiple_of3A_14 = tpu.assume_multiple %add3A_13, 8 : i32
    "tpu.region"() ({
      %run_scoped3A = tpu.sem_alloc : memref<!tpu.dma_semaphore, #tpu.memory_space<semaphore_mem>>
      %dma_start3A = arith.constant 0 : i32
      %dma_start3A_113 = tpu.memref_slice %arg15[%multiple_of3A_14, %dma_start3A] : memref<10240x128xf32, #tpu.memory_space<vmem_shared>> -> memref<64x128xf32, #tpu.memory_space<vmem_shared>>
      %dma_start3A_114 = arith.constant 0 : i32
      %dma_start3A_115 = tpu.memref_slice %arg15[%multiple_of3A_14, %dma_start3A_114] : memref<10240x128xf32, #tpu.memory_space<vmem_shared>> -> memref<64x128xf32, #tpu.memory_space<vmem_shared>>
      tpu.enqueue_dma source(%arg10 : memref<64x128xf32, #tpu.memory_space<vmem>>) target(%dma_start3A_115 : memref<64x128xf32, #tpu.memory_space<vmem_shared>>) target_semaphore(%run_scoped3A : memref<!tpu.dma_semaphore, #tpu.memory_space<semaphore_mem>>)
      %dma_wait3A = arith.constant 0 : i32
      %dma_wait3A_116 = tpu.memref_slice %arg15[%multiple_of3A_14, %dma_wait3A] : memref<10240x128xf32, #tpu.memory_space<vmem_shared>> -> memref<64x128xf32, #tpu.memory_space<vmem_shared>>
      %dma_wait3A_117 = arith.constant 0 : i32
      %dma_wait3A_118 = tpu.memref_slice %arg15[%multiple_of3A_14, %dma_wait3A_117] : memref<10240x128xf32, #tpu.memory_space<vmem_shared>> -> memref<64x128xf32, #tpu.memory_space<vmem_shared>>
      tpu.wait_dma2 semaphore(%run_scoped3A : memref<!tpu.dma_semaphore, #tpu.memory_space<semaphore_mem>>) src(%arg10 : memref<64x128xf32, #tpu.memory_space<vmem>>) dst(%dma_wait3A_118 : memref<64x128xf32, #tpu.memory_space<vmem_shared>>)
      tpu.yield
    }) : () -> ()
    %mul3A_15 = arith.constant 640 : i32
    %mul3A_16 = arith.muli %arg1, %mul3A_15 : i32
    %add3A_17 = arith.constant 128 : i32
    %add3A_18 = arith.addi %mul3A_16, %add3A_17 : i32
    %multiple_of3A_19 = tpu.assume_multiple %add3A_18, 8 : i32
    "tpu.region"() ({
      %run_scoped3A = tpu.sem_alloc : memref<!tpu.dma_semaphore, #tpu.memory_space<semaphore_mem>>
      %dma_start3A = arith.constant 0 : i32
      %dma_start3A_113 = tpu.memref_slice %arg15[%multiple_of3A_19, %dma_start3A] : memref<10240x128xf32, #tpu.memory_space<vmem_shared>> -> memref<64x128xf32, #tpu.memory_space<vmem_shared>>
      %dma_start3A_114 = arith.constant 0 : i32
      %dma_start3A_115 = tpu.memref_slice %arg15[%multiple_of3A_19, %dma_start3A_114] : memref<10240x128xf32, #tpu.memory_space<vmem_shared>> -> memref<64x128xf32, #tpu.memory_space<vmem_shared>>
      tpu.enqueue_dma source(%arg10 : memref<64x128xf32, #tpu.memory_space<vmem>>) target(%dma_start3A_115 : memref<64x128xf32, #tpu.memory_space<vmem_shared>>) target_semaphore(%run_scoped3A : memref<!tpu.dma_semaphore, #tpu.memory_space<semaphore_mem>>)
      %dma_wait3A = arith.constant 0 : i32
      %dma_wait3A_116 = tpu.memref_slice %arg15[%multiple_of3A_19, %dma_wait3A] : memref<10240x128xf32, #tpu.memory_space<vmem_shared>> -> memref<64x128xf32, #tpu.memory_space<vmem_shared>>
      %dma_wait3A_117 = arith.constant 0 : i32
      %dma_wait3A_118 = tpu.memref_slice %arg15[%multiple_of3A_19, %dma_wait3A_117] : memref<10240x128xf32, #tpu.memory_space<vmem_shared>> -> memref<64x128xf32, #tpu.memory_space<vmem_shared>>
      tpu.wait_dma2 semaphore(%run_scoped3A : memref<!tpu.dma_semaphore, #tpu.memory_space<semaphore_mem>>) src(%arg10 : memref<64x128xf32, #tpu.memory_space<vmem>>) dst(%dma_wait3A_118 : memref<64x128xf32, #tpu.memory_space<vmem_shared>>)
      tpu.yield
    }) : () -> ()
    %mul3A_20 = arith.constant 640 : i32
    %mul3A_21 = arith.muli %arg1, %mul3A_20 : i32
    %add3A_22 = arith.constant 192 : i32
    %add3A_23 = arith.addi %mul3A_21, %add3A_22 : i32
    %multiple_of3A_24 = tpu.assume_multiple %add3A_23, 8 : i32
    "tpu.region"() ({
      %run_scoped3A = tpu.sem_alloc : memref<!tpu.dma_semaphore, #tpu.memory_space<semaphore_mem>>
      %dma_start3A = arith.constant 0 : i32
      %dma_start3A_113 = tpu.memref_slice %arg15[%multiple_of3A_24, %dma_start3A] : memref<10240x128xf32, #tpu.memory_space<vmem_shared>> -> memref<64x128xf32, #tpu.memory_space<vmem_shared>>
      %dma_start3A_114 = arith.constant 0 : i32
      %dma_start3A_115 = tpu.memref_slice %arg15[%multiple_of3A_24, %dma_start3A_114] : memref<10240x128xf32, #tpu.memory_space<vmem_shared>> -> memref<64x128xf32, #tpu.memory_space<vmem_shared>>
      tpu.enqueue_dma source(%arg10 : memref<64x128xf32, #tpu.memory_space<vmem>>) target(%dma_start3A_115 : memref<64x128xf32, #tpu.memory_space<vmem_shared>>) target_semaphore(%run_scoped3A : memref<!tpu.dma_semaphore, #tpu.memory_space<semaphore_mem>>)
      %dma_wait3A = arith.constant 0 : i32
      %dma_wait3A_116 = tpu.memref_slice %arg15[%multiple_of3A_24, %dma_wait3A] : memref<10240x128xf32, #tpu.memory_space<vmem_shared>> -> memref<64x128xf32, #tpu.memory_space<vmem_shared>>
      %dma_wait3A_117 = arith.constant 0 : i32
      %dma_wait3A_118 = tpu.memref_slice %arg15[%multiple_of3A_24, %dma_wait3A_117] : memref<10240x128xf32, #tpu.memory_space<vmem_shared>> -> memref<64x128xf32, #tpu.memory_space<vmem_shared>>
      tpu.wait_dma2 semaphore(%run_scoped3A : memref<!tpu.dma_semaphore, #tpu.memory_space<semaphore_mem>>) src(%arg10 : memref<64x128xf32, #tpu.memory_space<vmem>>) dst(%dma_wait3A_118 : memref<64x128xf32, #tpu.memory_space<vmem_shared>>)
      tpu.yield
    }) : () -> ()
    %mul3A_25 = arith.constant 640 : i32
    %mul3A_26 = arith.muli %arg1, %mul3A_25 : i32
    %add3A_27 = arith.constant 256 : i32
    %add3A_28 = arith.addi %mul3A_26, %add3A_27 : i32
    %multiple_of3A_29 = tpu.assume_multiple %add3A_28, 8 : i32
    "tpu.region"() ({
      %run_scoped3A = tpu.sem_alloc : memref<!tpu.dma_semaphore, #tpu.memory_space<semaphore_mem>>
      %dma_start3A = arith.constant 0 : i32
      %dma_start3A_113 = tpu.memref_slice %arg15[%multiple_of3A_29, %dma_start3A] : memref<10240x128xf32, #tpu.memory_space<vmem_shared>> -> memref<64x128xf32, #tpu.memory_space<vmem_shared>>
      %dma_start3A_114 = arith.constant 0 : i32
      %dma_start3A_115 = tpu.memref_slice %arg15[%multiple_of3A_29, %dma_start3A_114] : memref<10240x128xf32, #tpu.memory_space<vmem_shared>> -> memref<64x128xf32, #tpu.memory_space<vmem_shared>>
      tpu.enqueue_dma source(%arg10 : memref<64x128xf32, #tpu.memory_space<vmem>>) target(%dma_start3A_115 : memref<64x128xf32, #tpu.memory_space<vmem_shared>>) target_semaphore(%run_scoped3A : memref<!tpu.dma_semaphore, #tpu.memory_space<semaphore_mem>>)
      %dma_wait3A = arith.constant 0 : i32
      %dma_wait3A_116 = tpu.memref_slice %arg15[%multiple_of3A_29, %dma_wait3A] : memref<10240x128xf32, #tpu.memory_space<vmem_shared>> -> memref<64x128xf32, #tpu.memory_space<vmem_shared>>
      %dma_wait3A_117 = arith.constant 0 : i32
      %dma_wait3A_118 = tpu.memref_slice %arg15[%multiple_of3A_29, %dma_wait3A_117] : memref<10240x128xf32, #tpu.memory_space<vmem_shared>> -> memref<64x128xf32, #tpu.memory_space<vmem_shared>>
      tpu.wait_dma2 semaphore(%run_scoped3A : memref<!tpu.dma_semaphore, #tpu.memory_space<semaphore_mem>>) src(%arg10 : memref<64x128xf32, #tpu.memory_space<vmem>>) dst(%dma_wait3A_118 : memref<64x128xf32, #tpu.memory_space<vmem_shared>>)
      tpu.yield
    }) : () -> ()
    %mul3A_30 = arith.constant 640 : i32
    %mul3A_31 = arith.muli %arg1, %mul3A_30 : i32
    %add3A_32 = arith.constant 320 : i32
    %add3A_33 = arith.addi %mul3A_31, %add3A_32 : i32
    %multiple_of3A_34 = tpu.assume_multiple %add3A_33, 8 : i32
    "tpu.region"() ({
      %run_scoped3A = tpu.sem_alloc : memref<!tpu.dma_semaphore, #tpu.memory_space<semaphore_mem>>
      %dma_start3A = arith.constant 0 : i32
      %dma_start3A_113 = tpu.memref_slice %arg15[%multiple_of3A_34, %dma_start3A] : memref<10240x128xf32, #tpu.memory_space<vmem_shared>> -> memref<64x128xf32, #tpu.memory_space<vmem_shared>>
      %dma_start3A_114 = arith.constant 0 : i32
      %dma_start3A_115 = tpu.memref_slice %arg15[%multiple_of3A_34, %dma_start3A_114] : memref<10240x128xf32, #tpu.memory_space<vmem_shared>> -> memref<64x128xf32, #tpu.memory_space<vmem_shared>>
      tpu.enqueue_dma source(%arg10 : memref<64x128xf32, #tpu.memory_space<vmem>>) target(%dma_start3A_115 : memref<64x128xf32, #tpu.memory_space<vmem_shared>>) target_semaphore(%run_scoped3A : memref<!tpu.dma_semaphore, #tpu.memory_space<semaphore_mem>>)
      %dma_wait3A = arith.constant 0 : i32
      %dma_wait3A_116 = tpu.memref_slice %arg15[%multiple_of3A_34, %dma_wait3A] : memref<10240x128xf32, #tpu.memory_space<vmem_shared>> -> memref<64x128xf32, #tpu.memory_space<vmem_shared>>
      %dma_wait3A_117 = arith.constant 0 : i32
      %dma_wait3A_118 = tpu.memref_slice %arg15[%multiple_of3A_34, %dma_wait3A_117] : memref<10240x128xf32, #tpu.memory_space<vmem_shared>> -> memref<64x128xf32, #tpu.memory_space<vmem_shared>>
      tpu.wait_dma2 semaphore(%run_scoped3A : memref<!tpu.dma_semaphore, #tpu.memory_space<semaphore_mem>>) src(%arg10 : memref<64x128xf32, #tpu.memory_space<vmem>>) dst(%dma_wait3A_118 : memref<64x128xf32, #tpu.memory_space<vmem_shared>>)
      tpu.yield
    }) : () -> ()
    %mul3A_35 = arith.constant 640 : i32
    %mul3A_36 = arith.muli %arg1, %mul3A_35 : i32
    %add3A_37 = arith.constant 384 : i32
    %add3A_38 = arith.addi %mul3A_36, %add3A_37 : i32
    %multiple_of3A_39 = tpu.assume_multiple %add3A_38, 8 : i32
    "tpu.region"() ({
      %run_scoped3A = tpu.sem_alloc : memref<!tpu.dma_semaphore, #tpu.memory_space<semaphore_mem>>
      %dma_start3A = arith.constant 0 : i32
      %dma_start3A_113 = tpu.memref_slice %arg15[%multiple_of3A_39, %dma_start3A] : memref<10240x128xf32, #tpu.memory_space<vmem_shared>> -> memref<64x128xf32, #tpu.memory_space<vmem_shared>>
      %dma_start3A_114 = arith.constant 0 : i32
      %dma_start3A_115 = tpu.memref_slice %arg15[%multiple_of3A_39, %dma_start3A_114] : memref<10240x128xf32, #tpu.memory_space<vmem_shared>> -> memref<64x128xf32, #tpu.memory_space<vmem_shared>>
      tpu.enqueue_dma source(%arg10 : memref<64x128xf32, #tpu.memory_space<vmem>>) target(%dma_start3A_115 : memref<64x128xf32, #tpu.memory_space<vmem_shared>>) target_semaphore(%run_scoped3A : memref<!tpu.dma_semaphore, #tpu.memory_space<semaphore_mem>>)
      %dma_wait3A = arith.constant 0 : i32
      %dma_wait3A_116 = tpu.memref_slice %arg15[%multiple_of3A_39, %dma_wait3A] : memref<10240x128xf32, #tpu.memory_space<vmem_shared>> -> memref<64x128xf32, #tpu.memory_space<vmem_shared>>
      %dma_wait3A_117 = arith.constant 0 : i32
      %dma_wait3A_118 = tpu.memref_slice %arg15[%multiple_of3A_39, %dma_wait3A_117] : memref<10240x128xf32, #tpu.memory_space<vmem_shared>> -> memref<64x128xf32, #tpu.memory_space<vmem_shared>>
      tpu.wait_dma2 semaphore(%run_scoped3A : memref<!tpu.dma_semaphore, #tpu.memory_space<semaphore_mem>>) src(%arg10 : memref<64x128xf32, #tpu.memory_space<vmem>>) dst(%dma_wait3A_118 : memref<64x128xf32, #tpu.memory_space<vmem_shared>>)
      tpu.yield
    }) : () -> ()
    %mul3A_40 = arith.constant 640 : i32
    %mul3A_41 = arith.muli %arg1, %mul3A_40 : i32
    %add3A_42 = arith.constant 448 : i32
    %add3A_43 = arith.addi %mul3A_41, %add3A_42 : i32
    %multiple_of3A_44 = tpu.assume_multiple %add3A_43, 8 : i32
    "tpu.region"() ({
      %run_scoped3A = tpu.sem_alloc : memref<!tpu.dma_semaphore, #tpu.memory_space<semaphore_mem>>
      %dma_start3A = arith.constant 0 : i32
      %dma_start3A_113 = tpu.memref_slice %arg15[%multiple_of3A_44, %dma_start3A] : memref<10240x128xf32, #tpu.memory_space<vmem_shared>> -> memref<64x128xf32, #tpu.memory_space<vmem_shared>>
      %dma_start3A_114 = arith.constant 0 : i32
      %dma_start3A_115 = tpu.memref_slice %arg15[%multiple_of3A_44, %dma_start3A_114] : memref<10240x128xf32, #tpu.memory_space<vmem_shared>> -> memref<64x128xf32, #tpu.memory_space<vmem_shared>>
      tpu.enqueue_dma source(%arg10 : memref<64x128xf32, #tpu.memory_space<vmem>>) target(%dma_start3A_115 : memref<64x128xf32, #tpu.memory_space<vmem_shared>>) target_semaphore(%run_scoped3A : memref<!tpu.dma_semaphore, #tpu.memory_space<semaphore_mem>>)
      %dma_wait3A = arith.constant 0 : i32
      %dma_wait3A_116 = tpu.memref_slice %arg15[%multiple_of3A_44, %dma_wait3A] : memref<10240x128xf32, #tpu.memory_space<vmem_shared>> -> memref<64x128xf32, #tpu.memory_space<vmem_shared>>
      %dma_wait3A_117 = arith.constant 0 : i32
      %dma_wait3A_118 = tpu.memref_slice %arg15[%multiple_of3A_44, %dma_wait3A_117] : memref<10240x128xf32, #tpu.memory_space<vmem_shared>> -> memref<64x128xf32, #tpu.memory_space<vmem_shared>>
      tpu.wait_dma2 semaphore(%run_scoped3A : memref<!tpu.dma_semaphore, #tpu.memory_space<semaphore_mem>>) src(%arg10 : memref<64x128xf32, #tpu.memory_space<vmem>>) dst(%dma_wait3A_118 : memref<64x128xf32, #tpu.memory_space<vmem_shared>>)
      tpu.yield
    }) : () -> ()
    %mul3A_45 = arith.constant 640 : i32
    %mul3A_46 = arith.muli %arg1, %mul3A_45 : i32
    %add3A_47 = arith.constant 512 : i32
    %add3A_48 = arith.addi %mul3A_46, %add3A_47 : i32
    %multiple_of3A_49 = tpu.assume_multiple %add3A_48, 8 : i32
    "tpu.region"() ({
      %run_scoped3A = tpu.sem_alloc : memref<!tpu.dma_semaphore, #tpu.memory_space<semaphore_mem>>
      %dma_start3A = arith.constant 0 : i32
      %dma_start3A_113 = tpu.memref_slice %arg15[%multiple_of3A_49, %dma_start3A] : memref<10240x128xf32, #tpu.memory_space<vmem_shared>> -> memref<64x128xf32, #tpu.memory_space<vmem_shared>>
      %dma_start3A_114 = arith.constant 0 : i32
      %dma_start3A_115 = tpu.memref_slice %arg15[%multiple_of3A_49, %dma_start3A_114] : memref<10240x128xf32, #tpu.memory_space<vmem_shared>> -> memref<64x128xf32, #tpu.memory_space<vmem_shared>>
      tpu.enqueue_dma source(%arg10 : memref<64x128xf32, #tpu.memory_space<vmem>>) target(%dma_start3A_115 : memref<64x128xf32, #tpu.memory_space<vmem_shared>>) target_semaphore(%run_scoped3A : memref<!tpu.dma_semaphore, #tpu.memory_space<semaphore_mem>>)
      %dma_wait3A = arith.constant 0 : i32
      %dma_wait3A_116 = tpu.memref_slice %arg15[%multiple_of3A_49, %dma_wait3A] : memref<10240x128xf32, #tpu.memory_space<vmem_shared>> -> memref<64x128xf32, #tpu.memory_space<vmem_shared>>
      %dma_wait3A_117 = arith.constant 0 : i32
      %dma_wait3A_118 = tpu.memref_slice %arg15[%multiple_of3A_49, %dma_wait3A_117] : memref<10240x128xf32, #tpu.memory_space<vmem_shared>> -> memref<64x128xf32, #tpu.memory_space<vmem_shared>>
      tpu.wait_dma2 semaphore(%run_scoped3A : memref<!tpu.dma_semaphore, #tpu.memory_space<semaphore_mem>>) src(%arg10 : memref<64x128xf32, #tpu.memory_space<vmem>>) dst(%dma_wait3A_118 : memref<64x128xf32, #tpu.memory_space<vmem_shared>>)
      tpu.yield
    }) : () -> ()
    %mul3A_50 = arith.constant 640 : i32
    %mul3A_51 = arith.muli %arg1, %mul3A_50 : i32
    %add3A_52 = arith.constant 576 : i32
    %add3A_53 = arith.addi %mul3A_51, %add3A_52 : i32
    %multiple_of3A_54 = tpu.assume_multiple %add3A_53, 8 : i32
    "tpu.region"() ({
      %run_scoped3A = tpu.sem_alloc : memref<!tpu.dma_semaphore, #tpu.memory_space<semaphore_mem>>
      %dma_start3A = arith.constant 0 : i32
      %dma_start3A_113 = tpu.memref_slice %arg15[%multiple_of3A_54, %dma_start3A] : memref<10240x128xf32, #tpu.memory_space<vmem_shared>> -> memref<64x128xf32, #tpu.memory_space<vmem_shared>>
      %dma_start3A_114 = arith.constant 0 : i32
      %dma_start3A_115 = tpu.memref_slice %arg15[%multiple_of3A_54, %dma_start3A_114] : memref<10240x128xf32, #tpu.memory_space<vmem_shared>> -> memref<64x128xf32, #tpu.memory_space<vmem_shared>>
      tpu.enqueue_dma source(%arg10 : memref<64x128xf32, #tpu.memory_space<vmem>>) target(%dma_start3A_115 : memref<64x128xf32, #tpu.memory_space<vmem_shared>>) target_semaphore(%run_scoped3A : memref<!tpu.dma_semaphore, #tpu.memory_space<semaphore_mem>>)
      %dma_wait3A = arith.constant 0 : i32
      %dma_wait3A_116 = tpu.memref_slice %arg15[%multiple_of3A_54, %dma_wait3A] : memref<10240x128xf32, #tpu.memory_space<vmem_shared>> -> memref<64x128xf32, #tpu.memory_space<vmem_shared>>
      %dma_wait3A_117 = arith.constant 0 : i32
      %dma_wait3A_118 = tpu.memref_slice %arg15[%multiple_of3A_54, %dma_wait3A_117] : memref<10240x128xf32, #tpu.memory_space<vmem_shared>> -> memref<64x128xf32, #tpu.memory_space<vmem_shared>>
      tpu.wait_dma2 semaphore(%run_scoped3A : memref<!tpu.dma_semaphore, #tpu.memory_space<semaphore_mem>>) src(%arg10 : memref<64x128xf32, #tpu.memory_space<vmem>>) dst(%dma_wait3A_118 : memref<64x128xf32, #tpu.memory_space<vmem_shared>>)
      tpu.yield
    }) : () -> ()
    %barrier3A = arith.constant 0 : index
    tpu.barrier barrier_id(%barrier3A)
    %broadcast_in_dim3A = arith.constant 1.000000e+00 : f32
    %broadcast_in_dim3A_55 = vector.broadcast %broadcast_in_dim3A : f32 to vector<16xf32>
    %scan3A_56 = arith.constant 0 : i32
    %scan3A_57 = arith.constant 0 : i32
    %scan3A_58 = arith.constant 10 : i32
    %scan3A_59 = arith.addi %scan3A_57, %scan3A_58 : i32
    %scan3A_60 = arith.constant 1 : i32
    scf.for %scan3A_113 = %scan3A_57 to %scan3A_59 step %scan3A_60  : i32 {
      %mul3A_114 = arith.constant 2 : i32
      %mul3A_115 = arith.muli %scan3A_113, %mul3A_114 : i32
      %mul3A_116 = arith.constant 8 : i32
      %mul3A_117 = arith.muli %mul3A_115, %mul3A_116 : i32
      %multiple_of3A_118 = tpu.assume_multiple %mul3A_117, 8 : i32
      "tpu.region"() ({
        %run_scoped3A_611 = tpu.sem_alloc : memref<!tpu.dma_semaphore, #tpu.memory_space<semaphore_mem>>
        %dma_start3A_612 = arith.constant 0 : i32
        %dma_start3A_613 = tpu.memref_slice %arg3[%add3A, %multiple_of3A_118, %dma_start3A_612] : memref<32x160x64xi32, #tpu.memory_space<hbm>> -> memref<1x16x64xi32, #tpu.memory_space<hbm>>
        %dma_start3A_614 = tpu.memref_squeeze %dma_start3A_613 : memref<1x16x64xi32, #tpu.memory_space<hbm>> -> memref<16x64xi32, #tpu.memory_space<hbm>>
        %dma_start3A_615 = arith.constant 0 : i32
        %dma_start3A_616 = tpu.memref_slice %arg3[%add3A, %multiple_of3A_118, %dma_start3A_615] : memref<32x160x64xi32, #tpu.memory_space<hbm>> -> memref<1x16x64xi32, #tpu.memory_space<hbm>>
        %dma_start3A_617 = tpu.memref_squeeze %dma_start3A_616 : memref<1x16x64xi32, #tpu.memory_space<hbm>> -> memref<16x64xi32, #tpu.memory_space<hbm>>
        tpu.enqueue_dma source(%dma_start3A_617 : memref<16x64xi32, #tpu.memory_space<hbm>>) target(%arg8 : memref<16x64xi32, #tpu.memory_space<vmem>>) target_semaphore(%run_scoped3A_611 : memref<!tpu.dma_semaphore, #tpu.memory_space<semaphore_mem>>)
        %dma_wait3A_618 = arith.constant 0 : i32
        %dma_wait3A_619 = tpu.memref_slice %arg3[%add3A, %multiple_of3A_118, %dma_wait3A_618] : memref<32x160x64xi32, #tpu.memory_space<hbm>> -> memref<1x16x64xi32, #tpu.memory_space<hbm>>
        %dma_wait3A_620 = tpu.memref_squeeze %dma_wait3A_619 : memref<1x16x64xi32, #tpu.memory_space<hbm>> -> memref<16x64xi32, #tpu.memory_space<hbm>>
        %dma_wait3A_621 = arith.constant 0 : i32
        %dma_wait3A_622 = tpu.memref_slice %arg3[%add3A, %multiple_of3A_118, %dma_wait3A_621] : memref<32x160x64xi32, #tpu.memory_space<hbm>> -> memref<1x16x64xi32, #tpu.memory_space<hbm>>
        %dma_wait3A_623 = tpu.memref_squeeze %dma_wait3A_622 : memref<1x16x64xi32, #tpu.memory_space<hbm>> -> memref<16x64xi32, #tpu.memory_space<hbm>>
        tpu.wait_dma2 semaphore(%run_scoped3A_611 : memref<!tpu.dma_semaphore, #tpu.memory_space<semaphore_mem>>) src(%dma_wait3A_623 : memref<16x64xi32, #tpu.memory_space<hbm>>) dst(%arg8 : memref<16x64xi32, #tpu.memory_space<vmem>>)
        tpu.yield
      }) : () -> ()
      "tpu.region"() ({
        %run_scoped3A_611 = tpu.sem_alloc : memref<!tpu.dma_semaphore, #tpu.memory_space<semaphore_mem>>
        %dma_start3A_612 = arith.constant 0 : i32
        %dma_start3A_613 = tpu.memref_slice %arg4[%add3A, %multiple_of3A_118, %dma_start3A_612] : memref<32x160x64xi32, #tpu.memory_space<hbm>> -> memref<1x16x64xi32, #tpu.memory_space<hbm>>
        %dma_start3A_614 = tpu.memref_squeeze %dma_start3A_613 : memref<1x16x64xi32, #tpu.memory_space<hbm>> -> memref<16x64xi32, #tpu.memory_space<hbm>>
        %dma_start3A_615 = arith.constant 0 : i32
        %dma_start3A_616 = tpu.memref_slice %arg4[%add3A, %multiple_of3A_118, %dma_start3A_615] : memref<32x160x64xi32, #tpu.memory_space<hbm>> -> memref<1x16x64xi32, #tpu.memory_space<hbm>>
        %dma_start3A_617 = tpu.memref_squeeze %dma_start3A_616 : memref<1x16x64xi32, #tpu.memory_space<hbm>> -> memref<16x64xi32, #tpu.memory_space<hbm>>
        tpu.enqueue_dma source(%dma_start3A_617 : memref<16x64xi32, #tpu.memory_space<hbm>>) target(%arg9 : memref<16x64xi32, #tpu.memory_space<vmem>>) target_semaphore(%run_scoped3A_611 : memref<!tpu.dma_semaphore, #tpu.memory_space<semaphore_mem>>)
        %dma_wait3A_618 = arith.constant 0 : i32
        %dma_wait3A_619 = tpu.memref_slice %arg4[%add3A, %multiple_of3A_118, %dma_wait3A_618] : memref<32x160x64xi32, #tpu.memory_space<hbm>> -> memref<1x16x64xi32, #tpu.memory_space<hbm>>
        %dma_wait3A_620 = tpu.memref_squeeze %dma_wait3A_619 : memref<1x16x64xi32, #tpu.memory_space<hbm>> -> memref<16x64xi32, #tpu.memory_space<hbm>>
        %dma_wait3A_621 = arith.constant 0 : i32
        %dma_wait3A_622 = tpu.memref_slice %arg4[%add3A, %multiple_of3A_118, %dma_wait3A_621] : memref<32x160x64xi32, #tpu.memory_space<hbm>> -> memref<1x16x64xi32, #tpu.memory_space<hbm>>
        %dma_wait3A_623 = tpu.memref_squeeze %dma_wait3A_622 : memref<1x16x64xi32, #tpu.memory_space<hbm>> -> memref<16x64xi32, #tpu.memory_space<hbm>>
        tpu.wait_dma2 semaphore(%run_scoped3A_611 : memref<!tpu.dma_semaphore, #tpu.memory_space<semaphore_mem>>) src(%dma_wait3A_623 : memref<16x64xi32, #tpu.memory_space<hbm>>) dst(%arg9 : memref<16x64xi32, #tpu.memory_space<vmem>>)
        tpu.yield
      }) : () -> ()
      %dma_start3A = arith.constant 0 : i32
      %dma_start3A_119 = arith.constant 0 : i32
      %dma_start3A_120 = tpu.memref_slice %arg8[%dma_start3A, %dma_start3A_119] : memref<16x64xi32, #tpu.memory_space<vmem>> -> memref<1x64xi32, #tpu.memory_space<vmem>>
      %dma_start3A_121 = tpu.memref_squeeze %dma_start3A_120 : memref<1x64xi32, #tpu.memory_space<vmem>> -> memref<64xi32, #tpu.memory_space<vmem>>
      %dma_start3A_122 = arith.constant 0 : i32
      %dma_start3A_123 = arith.constant 0 : i32
      %dma_start3A_124 = tpu.memref_slice %arg2[%dma_start3A_122, %dma_start3A_123] : memref<10240x128xf32, #tpu.memory_space<hbm>> -> memref<10240x128xf32, #tpu.memory_space<hbm>>
      tpu.enqueue_indirect_dma source(%dma_start3A_124 : memref<10240x128xf32, #tpu.memory_space<hbm>>) target(%arg10 : memref<64x128xf32, #tpu.memory_space<vmem>>) offsets(%dma_start3A_121 : memref<64xi32, #tpu.memory_space<vmem>>) semaphore(%arg16 : memref<!tpu.dma_semaphore, #tpu.memory_space<semaphore_mem>>)
      %dma_start3A_125 = arith.constant 1 : i32
      %dma_start3A_126 = arith.constant 0 : i32
      %dma_start3A_127 = tpu.memref_slice %arg8[%dma_start3A_125, %dma_start3A_126] : memref<16x64xi32, #tpu.memory_space<vmem>> -> memref<1x64xi32, #tpu.memory_space<vmem>>
      %dma_start3A_128 = tpu.memref_squeeze %dma_start3A_127 : memref<1x64xi32, #tpu.memory_space<vmem>> -> memref<64xi32, #tpu.memory_space<vmem>>
      %dma_start3A_129 = arith.constant 0 : i32
      %dma_start3A_130 = arith.constant 0 : i32
      %dma_start3A_131 = tpu.memref_slice %arg2[%dma_start3A_129, %dma_start3A_130] : memref<10240x128xf32, #tpu.memory_space<hbm>> -> memref<10240x128xf32, #tpu.memory_space<hbm>>
      tpu.enqueue_indirect_dma source(%dma_start3A_131 : memref<10240x128xf32, #tpu.memory_space<hbm>>) target(%arg11 : memref<64x128xf32, #tpu.memory_space<vmem>>) offsets(%dma_start3A_128 : memref<64xi32, #tpu.memory_space<vmem>>) semaphore(%arg17 : memref<!tpu.dma_semaphore, #tpu.memory_space<semaphore_mem>>)
      %dma_start3A_132 = arith.constant 2 : i32
      %dma_start3A_133 = arith.constant 0 : i32
      %dma_start3A_134 = tpu.memref_slice %arg8[%dma_start3A_132, %dma_start3A_133] : memref<16x64xi32, #tpu.memory_space<vmem>> -> memref<1x64xi32, #tpu.memory_space<vmem>>
      %dma_start3A_135 = tpu.memref_squeeze %dma_start3A_134 : memref<1x64xi32, #tpu.memory_space<vmem>> -> memref<64xi32, #tpu.memory_space<vmem>>
      %dma_start3A_136 = arith.constant 0 : i32
      %dma_start3A_137 = arith.constant 0 : i32
      %dma_start3A_138 = tpu.memref_slice %arg2[%dma_start3A_136, %dma_start3A_137] : memref<10240x128xf32, #tpu.memory_space<hbm>> -> memref<10240x128xf32, #tpu.memory_space<hbm>>
      tpu.enqueue_indirect_dma source(%dma_start3A_138 : memref<10240x128xf32, #tpu.memory_space<hbm>>) target(%arg12 : memref<64x128xf32, #tpu.memory_space<vmem>>) offsets(%dma_start3A_135 : memref<64xi32, #tpu.memory_space<vmem>>) semaphore(%arg18 : memref<!tpu.dma_semaphore, #tpu.memory_space<semaphore_mem>>)
      %dma_wait3A = arith.constant 0 : i32
      %dma_wait3A_139 = arith.constant 0 : i32
      %dma_wait3A_140 = tpu.memref_slice %arg8[%dma_wait3A, %dma_wait3A_139] : memref<16x64xi32, #tpu.memory_space<vmem>> -> memref<1x64xi32, #tpu.memory_space<vmem>>
      %dma_wait3A_141 = tpu.memref_squeeze %dma_wait3A_140 : memref<1x64xi32, #tpu.memory_space<vmem>> -> memref<64xi32, #tpu.memory_space<vmem>>
      %dma_wait3A_142 = arith.constant 0 : i32
      %dma_wait3A_143 = arith.constant 0 : i32
      %dma_wait3A_144 = tpu.memref_slice %arg2[%dma_wait3A_142, %dma_wait3A_143] : memref<10240x128xf32, #tpu.memory_space<hbm>> -> memref<10240x128xf32, #tpu.memory_space<hbm>>
      tpu.wait_indirect_dma semaphore(%arg16 : memref<!tpu.dma_semaphore, #tpu.memory_space<semaphore_mem>>) src(%dma_wait3A_144 : memref<10240x128xf32, #tpu.memory_space<hbm>>) dst(%arg10 : memref<64x128xf32, #tpu.memory_space<vmem>>)
      %get3A = arith.constant 0 : i32
      %get3A_145 = arith.index_cast %get3A : i32 to index
      %get3A_146 = arith.constant 0 : index
      %get3A_147 = tpu.vector_load %arg9[%get3A_145, %get3A_146] {strides = array<i32>} : memref<16x64xi32, #tpu.memory_space<vmem>>, vector<16xi32>,
      tpu.vector_store_idx %arg14[%get3A_147], %broadcast_in_dim3A_55 {add = true} : memref<10240xf32, #tpu.memory_space<vmem>>[vector<16xi32>], vector<16xf32>,
      %get3A_148 = arith.constant 0 : i32
      %get3A_149 = arith.index_cast %get3A_148 : i32 to index
      %get3A_150 = arith.constant 16 : index
      %get3A_151 = tpu.vector_load %arg9[%get3A_149, %get3A_150] {strides = array<i32>} : memref<16x64xi32, #tpu.memory_space<vmem>>, vector<16xi32>,
      tpu.vector_store_idx %arg14[%get3A_151], %broadcast_in_dim3A_55 {add = true} : memref<10240xf32, #tpu.memory_space<vmem>>[vector<16xi32>], vector<16xf32>,
      %get3A_152 = arith.constant 0 : i32
      %get3A_153 = arith.index_cast %get3A_152 : i32 to index
      %get3A_154 = arith.constant 32 : index
      %get3A_155 = tpu.vector_load %arg9[%get3A_153, %get3A_154] {strides = array<i32>} : memref<16x64xi32, #tpu.memory_space<vmem>>, vector<16xi32>,
      tpu.vector_store_idx %arg14[%get3A_155], %broadcast_in_dim3A_55 {add = true} : memref<10240xf32, #tpu.memory_space<vmem>>[vector<16xi32>], vector<16xf32>,
      %get3A_156 = arith.constant 0 : i32
      %get3A_157 = arith.index_cast %get3A_156 : i32 to index
      %get3A_158 = arith.constant 48 : index
      %get3A_159 = tpu.vector_load %arg9[%get3A_157, %get3A_158] {strides = array<i32>} : memref<16x64xi32, #tpu.memory_space<vmem>>, vector<16xi32>,
      tpu.vector_store_idx %arg14[%get3A_159], %broadcast_in_dim3A_55 {add = true} : memref<10240xf32, #tpu.memory_space<vmem>>[vector<16xi32>], vector<16xf32>,
      %dma_start3A_160 = arith.constant 3 : i32
      %dma_start3A_161 = arith.constant 0 : i32
      %dma_start3A_162 = tpu.memref_slice %arg8[%dma_start3A_160, %dma_start3A_161] : memref<16x64xi32, #tpu.memory_space<vmem>> -> memref<1x64xi32, #tpu.memory_space<vmem>>
      %dma_start3A_163 = tpu.memref_squeeze %dma_start3A_162 : memref<1x64xi32, #tpu.memory_space<vmem>> -> memref<64xi32, #tpu.memory_space<vmem>>
      %dma_start3A_164 = arith.constant 0 : i32
      %dma_start3A_165 = arith.constant 0 : i32
      %dma_start3A_166 = tpu.memref_slice %arg2[%dma_start3A_164, %dma_start3A_165] : memref<10240x128xf32, #tpu.memory_space<hbm>> -> memref<10240x128xf32, #tpu.memory_space<hbm>>
      tpu.enqueue_indirect_dma source(%dma_start3A_166 : memref<10240x128xf32, #tpu.memory_space<hbm>>) target(%arg13 : memref<64x128xf32, #tpu.memory_space<vmem>>) offsets(%dma_start3A_163 : memref<64xi32, #tpu.memory_space<vmem>>) semaphore(%arg19 : memref<!tpu.dma_semaphore, #tpu.memory_space<semaphore_mem>>)
      %run_scoped3A = arith.constant 0 : i32
      "tpu.region"() ({
        %run_scoped3A_611 = tpu.sem_alloc : memref<!tpu.dma_semaphore, #tpu.memory_space<semaphore_mem>>
        %dma_start3A_612 = arith.constant 0 : i32
        %dma_start3A_613 = tpu.memref_slice %arg9[%run_scoped3A, %dma_start3A_612] : memref<16x64xi32, #tpu.memory_space<vmem>> -> memref<1x64xi32, #tpu.memory_space<vmem>>
        %dma_start3A_614 = tpu.memref_squeeze %dma_start3A_613 : memref<1x64xi32, #tpu.memory_space<vmem>> -> memref<64xi32, #tpu.memory_space<vmem>>
        %dma_start3A_615 = arith.constant 0 : i32
        %dma_start3A_616 = arith.constant 0 : i32
        %dma_start3A_617 = tpu.memref_slice %arg15[%dma_start3A_615, %dma_start3A_616] : memref<10240x128xf32, #tpu.memory_space<vmem_shared>> -> memref<10240x128xf32, #tpu.memory_space<vmem_shared>>
        tpu.enqueue_indirect_dma source(%arg10 : memref<64x128xf32, #tpu.memory_space<vmem>>) target(%dma_start3A_617 : memref<10240x128xf32, #tpu.memory_space<vmem_shared>>) offsets(%dma_start3A_614 : memref<64xi32, #tpu.memory_space<vmem>>) semaphore(%run_scoped3A_611 : memref<!tpu.dma_semaphore, #tpu.memory_space<semaphore_mem>>) {add = true}
        %dma_wait3A_618 = arith.constant 0 : i32
        %dma_wait3A_619 = tpu.memref_slice %arg9[%run_scoped3A, %dma_wait3A_618] : memref<16x64xi32, #tpu.memory_space<vmem>> -> memref<1x64xi32, #tpu.memory_space<vmem>>
        %dma_wait3A_620 = tpu.memref_squeeze %dma_wait3A_619 : memref<1x64xi32, #tpu.memory_space<vmem>> -> memref<64xi32, #tpu.memory_space<vmem>>
        %dma_wait3A_621 = arith.constant 0 : i32
        %dma_wait3A_622 = arith.constant 0 : i32
        %dma_wait3A_623 = tpu.memref_slice %arg15[%dma_wait3A_621, %dma_wait3A_622] : memref<10240x128xf32, #tpu.memory_space<vmem_shared>> -> memref<10240x128xf32, #tpu.memory_space<vmem_shared>>
        tpu.wait_indirect_dma semaphore(%run_scoped3A_611 : memref<!tpu.dma_semaphore, #tpu.memory_space<semaphore_mem>>) src(%arg10 : memref<64x128xf32, #tpu.memory_space<vmem>>) dst(%dma_wait3A_623 : memref<10240x128xf32, #tpu.memory_space<vmem_shared>>)
        tpu.yield
      }) : () -> ()
      %dma_wait3A_167 = arith.constant 1 : i32
      %dma_wait3A_168 = arith.constant 0 : i32
      %dma_wait3A_169 = tpu.memref_slice %arg8[%dma_wait3A_167, %dma_wait3A_168] : memref<16x64xi32, #tpu.memory_space<vmem>> -> memref<1x64xi32, #tpu.memory_space<vmem>>
      %dma_wait3A_170 = tpu.memref_squeeze %dma_wait3A_169 : memref<1x64xi32, #tpu.memory_space<vmem>> -> memref<64xi32, #tpu.memory_space<vmem>>
      %dma_wait3A_171 = arith.constant 0 : i32
      %dma_wait3A_172 = arith.constant 0 : i32
      %dma_wait3A_173 = tpu.memref_slice %arg2[%dma_wait3A_171, %dma_wait3A_172] : memref<10240x128xf32, #tpu.memory_space<hbm>> -> memref<10240x128xf32, #tpu.memory_space<hbm>>
      tpu.wait_indirect_dma semaphore(%arg17 : memref<!tpu.dma_semaphore, #tpu.memory_space<semaphore_mem>>) src(%dma_wait3A_173 : memref<10240x128xf32, #tpu.memory_space<hbm>>) dst(%arg11 : memref<64x128xf32, #tpu.memory_space<vmem>>)
      %get3A_174 = arith.constant 1 : i32
      %get3A_175 = arith.index_cast %get3A_174 : i32 to index
      %get3A_176 = arith.constant 0 : index
      %get3A_177 = tpu.vector_load %arg9[%get3A_175, %get3A_176] {strides = array<i32>} : memref<16x64xi32, #tpu.memory_space<vmem>>, vector<16xi32>,
      tpu.vector_store_idx %arg14[%get3A_177], %broadcast_in_dim3A_55 {add = true} : memref<10240xf32, #tpu.memory_space<vmem>>[vector<16xi32>], vector<16xf32>,
      %get3A_178 = arith.constant 1 : i32
      %get3A_179 = arith.index_cast %get3A_178 : i32 to index
      %get3A_180 = arith.constant 16 : index
      %get3A_181 = tpu.vector_load %arg9[%get3A_179, %get3A_180] {strides = array<i32>} : memref<16x64xi32, #tpu.memory_space<vmem>>, vector<16xi32>,
      tpu.vector_store_idx %arg14[%get3A_181], %broadcast_in_dim3A_55 {add = true} : memref<10240xf32, #tpu.memory_space<vmem>>[vector<16xi32>], vector<16xf32>,
      %get3A_182 = arith.constant 1 : i32
      %get3A_183 = arith.index_cast %get3A_182 : i32 to index
      %get3A_184 = arith.constant 32 : index
      %get3A_185 = tpu.vector_load %arg9[%get3A_183, %get3A_184] {strides = array<i32>} : memref<16x64xi32, #tpu.memory_space<vmem>>, vector<16xi32>,
      tpu.vector_store_idx %arg14[%get3A_185], %broadcast_in_dim3A_55 {add = true} : memref<10240xf32, #tpu.memory_space<vmem>>[vector<16xi32>], vector<16xf32>,
      %get3A_186 = arith.constant 1 : i32
      %get3A_187 = arith.index_cast %get3A_186 : i32 to index
      %get3A_188 = arith.constant 48 : index
      %get3A_189 = tpu.vector_load %arg9[%get3A_187, %get3A_188] {strides = array<i32>} : memref<16x64xi32, #tpu.memory_space<vmem>>, vector<16xi32>,
      tpu.vector_store_idx %arg14[%get3A_189], %broadcast_in_dim3A_55 {add = true} : memref<10240xf32, #tpu.memory_space<vmem>>[vector<16xi32>], vector<16xf32>,
      %dma_start3A_190 = arith.constant 4 : i32
      %dma_start3A_191 = arith.constant 0 : i32
      %dma_start3A_192 = tpu.memref_slice %arg8[%dma_start3A_190, %dma_start3A_191] : memref<16x64xi32, #tpu.memory_space<vmem>> -> memref<1x64xi32, #tpu.memory_space<vmem>>
      %dma_start3A_193 = tpu.memref_squeeze %dma_start3A_192 : memref<1x64xi32, #tpu.memory_space<vmem>> -> memref<64xi32, #tpu.memory_space<vmem>>
      %dma_start3A_194 = arith.constant 0 : i32
      %dma_start3A_195 = arith.constant 0 : i32
      %dma_start3A_196 = tpu.memref_slice %arg2[%dma_start3A_194, %dma_start3A_195] : memref<10240x128xf32, #tpu.memory_space<hbm>> -> memref<10240x128xf32, #tpu.memory_space<hbm>>
      tpu.enqueue_indirect_dma source(%dma_start3A_196 : memref<10240x128xf32, #tpu.memory_space<hbm>>) target(%arg10 : memref<64x128xf32, #tpu.memory_space<vmem>>) offsets(%dma_start3A_193 : memref<64xi32, #tpu.memory_space<vmem>>) semaphore(%arg16 : memref<!tpu.dma_semaphore, #tpu.memory_space<semaphore_mem>>)
      %run_scoped3A_197 = arith.constant 1 : i32
      "tpu.region"() ({
        %run_scoped3A_611 = tpu.sem_alloc : memref<!tpu.dma_semaphore, #tpu.memory_space<semaphore_mem>>
        %dma_start3A_612 = arith.constant 0 : i32
        %dma_start3A_613 = tpu.memref_slice %arg9[%run_scoped3A_197, %dma_start3A_612] : memref<16x64xi32, #tpu.memory_space<vmem>> -> memref<1x64xi32, #tpu.memory_space<vmem>>
        %dma_start3A_614 = tpu.memref_squeeze %dma_start3A_613 : memref<1x64xi32, #tpu.memory_space<vmem>> -> memref<64xi32, #tpu.memory_space<vmem>>
        %dma_start3A_615 = arith.constant 0 : i32
        %dma_start3A_616 = arith.constant 0 : i32
        %dma_start3A_617 = tpu.memref_slice %arg15[%dma_start3A_615, %dma_start3A_616] : memref<10240x128xf32, #tpu.memory_space<vmem_shared>> -> memref<10240x128xf32, #tpu.memory_space<vmem_shared>>
        tpu.enqueue_indirect_dma source(%arg11 : memref<64x128xf32, #tpu.memory_space<vmem>>) target(%dma_start3A_617 : memref<10240x128xf32, #tpu.memory_space<vmem_shared>>) offsets(%dma_start3A_614 : memref<64xi32, #tpu.memory_space<vmem>>) semaphore(%run_scoped3A_611 : memref<!tpu.dma_semaphore, #tpu.memory_space<semaphore_mem>>) {add = true}
        %dma_wait3A_618 = arith.constant 0 : i32
        %dma_wait3A_619 = tpu.memref_slice %arg9[%run_scoped3A_197, %dma_wait3A_618] : memref<16x64xi32, #tpu.memory_space<vmem>> -> memref<1x64xi32, #tpu.memory_space<vmem>>
        %dma_wait3A_620 = tpu.memref_squeeze %dma_wait3A_619 : memref<1x64xi32, #tpu.memory_space<vmem>> -> memref<64xi32, #tpu.memory_space<vmem>>
        %dma_wait3A_621 = arith.constant 0 : i32
        %dma_wait3A_622 = arith.constant 0 : i32
        %dma_wait3A_623 = tpu.memref_slice %arg15[%dma_wait3A_621, %dma_wait3A_622] : memref<10240x128xf32, #tpu.memory_space<vmem_shared>> -> memref<10240x128xf32, #tpu.memory_space<vmem_shared>>
        tpu.wait_indirect_dma semaphore(%run_scoped3A_611 : memref<!tpu.dma_semaphore, #tpu.memory_space<semaphore_mem>>) src(%arg11 : memref<64x128xf32, #tpu.memory_space<vmem>>) dst(%dma_wait3A_623 : memref<10240x128xf32, #tpu.memory_space<vmem_shared>>)
        tpu.yield
      }) : () -> ()
      %dma_wait3A_198 = arith.constant 2 : i32
      %dma_wait3A_199 = arith.constant 0 : i32
      %dma_wait3A_200 = tpu.memref_slice %arg8[%dma_wait3A_198, %dma_wait3A_199] : memref<16x64xi32, #tpu.memory_space<vmem>> -> memref<1x64xi32, #tpu.memory_space<vmem>>
      %dma_wait3A_201 = tpu.memref_squeeze %dma_wait3A_200 : memref<1x64xi32, #tpu.memory_space<vmem>> -> memref<64xi32, #tpu.memory_space<vmem>>
      %dma_wait3A_202 = arith.constant 0 : i32
      %dma_wait3A_203 = arith.constant 0 : i32
      %dma_wait3A_204 = tpu.memref_slice %arg2[%dma_wait3A_202, %dma_wait3A_203] : memref<10240x128xf32, #tpu.memory_space<hbm>> -> memref<10240x128xf32, #tpu.memory_space<hbm>>
      tpu.wait_indirect_dma semaphore(%arg18 : memref<!tpu.dma_semaphore, #tpu.memory_space<semaphore_mem>>) src(%dma_wait3A_204 : memref<10240x128xf32, #tpu.memory_space<hbm>>) dst(%arg12 : memref<64x128xf32, #tpu.memory_space<vmem>>)
      %get3A_205 = arith.constant 2 : i32
      %get3A_206 = arith.index_cast %get3A_205 : i32 to index
      %get3A_207 = arith.constant 0 : index
      %get3A_208 = tpu.vector_load %arg9[%get3A_206, %get3A_207] {strides = array<i32>} : memref<16x64xi32, #tpu.memory_space<vmem>>, vector<16xi32>,
      tpu.vector_store_idx %arg14[%get3A_208], %broadcast_in_dim3A_55 {add = true} : memref<10240xf32, #tpu.memory_space<vmem>>[vector<16xi32>], vector<16xf32>,
      %get3A_209 = arith.constant 2 : i32
      %get3A_210 = arith.index_cast %get3A_209 : i32 to index
      %get3A_211 = arith.constant 16 : index
      %get3A_212 = tpu.vector_load %arg9[%get3A_210, %get3A_211] {strides = array<i32>} : memref<16x64xi32, #tpu.memory_space<vmem>>, vector<16xi32>,
      tpu.vector_store_idx %arg14[%get3A_212], %broadcast_in_dim3A_55 {add = true} : memref<10240xf32, #tpu.memory_space<vmem>>[vector<16xi32>], vector<16xf32>,
      %get3A_213 = arith.constant 2 : i32
      %get3A_214 = arith.index_cast %get3A_213 : i32 to index
      %get3A_215 = arith.constant 32 : index
      %get3A_216 = tpu.vector_load %arg9[%get3A_214, %get3A_215] {strides = array<i32>} : memref<16x64xi32, #tpu.memory_space<vmem>>, vector<16xi32>,
      tpu.vector_store_idx %arg14[%get3A_216], %broadcast_in_dim3A_55 {add = true} : memref<10240xf32, #tpu.memory_space<vmem>>[vector<16xi32>], vector<16xf32>,
      %get3A_217 = arith.constant 2 : i32
      %get3A_218 = arith.index_cast %get3A_217 : i32 to index
      %get3A_219 = arith.constant 48 : index
      %get3A_220 = tpu.vector_load %arg9[%get3A_218, %get3A_219] {strides = array<i32>} : memref<16x64xi32, #tpu.memory_space<vmem>>, vector<16xi32>,
      tpu.vector_store_idx %arg14[%get3A_220], %broadcast_in_dim3A_55 {add = true} : memref<10240xf32, #tpu.memory_space<vmem>>[vector<16xi32>], vector<16xf32>,
      %dma_start3A_221 = arith.constant 5 : i32
      %dma_start3A_222 = arith.constant 0 : i32
      %dma_start3A_223 = tpu.memref_slice %arg8[%dma_start3A_221, %dma_start3A_222] : memref<16x64xi32, #tpu.memory_space<vmem>> -> memref<1x64xi32, #tpu.memory_space<vmem>>
      %dma_start3A_224 = tpu.memref_squeeze %dma_start3A_223 : memref<1x64xi32, #tpu.memory_space<vmem>> -> memref<64xi32, #tpu.memory_space<vmem>>
      %dma_start3A_225 = arith.constant 0 : i32
      %dma_start3A_226 = arith.constant 0 : i32
      %dma_start3A_227 = tpu.memref_slice %arg2[%dma_start3A_225, %dma_start3A_226] : memref<10240x128xf32, #tpu.memory_space<hbm>> -> memref<10240x128xf32, #tpu.memory_space<hbm>>
      tpu.enqueue_indirect_dma source(%dma_start3A_227 : memref<10240x128xf32, #tpu.memory_space<hbm>>) target(%arg11 : memref<64x128xf32, #tpu.memory_space<vmem>>) offsets(%dma_start3A_224 : memref<64xi32, #tpu.memory_space<vmem>>) semaphore(%arg17 : memref<!tpu.dma_semaphore, #tpu.memory_space<semaphore_mem>>)
      %run_scoped3A_228 = arith.constant 2 : i32
      "tpu.region"() ({
        %run_scoped3A_611 = tpu.sem_alloc : memref<!tpu.dma_semaphore, #tpu.memory_space<semaphore_mem>>
        %dma_start3A_612 = arith.constant 0 : i32
        %dma_start3A_613 = tpu.memref_slice %arg9[%run_scoped3A_228, %dma_start3A_612] : memref<16x64xi32, #tpu.memory_space<vmem>> -> memref<1x64xi32, #tpu.memory_space<vmem>>
        %dma_start3A_614 = tpu.memref_squeeze %dma_start3A_613 : memref<1x64xi32, #tpu.memory_space<vmem>> -> memref<64xi32, #tpu.memory_space<vmem>>
        %dma_start3A_615 = arith.constant 0 : i32
        %dma_start3A_616 = arith.constant 0 : i32
        %dma_start3A_617 = tpu.memref_slice %arg15[%dma_start3A_615, %dma_start3A_616] : memref<10240x128xf32, #tpu.memory_space<vmem_shared>> -> memref<10240x128xf32, #tpu.memory_space<vmem_shared>>
        tpu.enqueue_indirect_dma source(%arg12 : memref<64x128xf32, #tpu.memory_space<vmem>>) target(%dma_start3A_617 : memref<10240x128xf32, #tpu.memory_space<vmem_shared>>) offsets(%dma_start3A_614 : memref<64xi32, #tpu.memory_space<vmem>>) semaphore(%run_scoped3A_611 : memref<!tpu.dma_semaphore, #tpu.memory_space<semaphore_mem>>) {add = true}
        %dma_wait3A_618 = arith.constant 0 : i32
        %dma_wait3A_619 = tpu.memref_slice %arg9[%run_scoped3A_228, %dma_wait3A_618] : memref<16x64xi32, #tpu.memory_space<vmem>> -> memref<1x64xi32, #tpu.memory_space<vmem>>
        %dma_wait3A_620 = tpu.memref_squeeze %dma_wait3A_619 : memref<1x64xi32, #tpu.memory_space<vmem>> -> memref<64xi32, #tpu.memory_space<vmem>>
        %dma_wait3A_621 = arith.constant 0 : i32
        %dma_wait3A_622 = arith.constant 0 : i32
        %dma_wait3A_623 = tpu.memref_slice %arg15[%dma_wait3A_621, %dma_wait3A_622] : memref<10240x128xf32, #tpu.memory_space<vmem_shared>> -> memref<10240x128xf32, #tpu.memory_space<vmem_shared>>
        tpu.wait_indirect_dma semaphore(%run_scoped3A_611 : memref<!tpu.dma_semaphore, #tpu.memory_space<semaphore_mem>>) src(%arg12 : memref<64x128xf32, #tpu.memory_space<vmem>>) dst(%dma_wait3A_623 : memref<10240x128xf32, #tpu.memory_space<vmem_shared>>)
        tpu.yield
      }) : () -> ()
      %dma_wait3A_229 = arith.constant 3 : i32
      %dma_wait3A_230 = arith.constant 0 : i32
      %dma_wait3A_231 = tpu.memref_slice %arg8[%dma_wait3A_229, %dma_wait3A_230] : memref<16x64xi32, #tpu.memory_space<vmem>> -> memref<1x64xi32, #tpu.memory_space<vmem>>
      %dma_wait3A_232 = tpu.memref_squeeze %dma_wait3A_231 : memref<1x64xi32, #tpu.memory_space<vmem>> -> memref<64xi32, #tpu.memory_space<vmem>>
      %dma_wait3A_233 = arith.constant 0 : i32
      %dma_wait3A_234 = arith.constant 0 : i32
      %dma_wait3A_235 = tpu.memref_slice %arg2[%dma_wait3A_233, %dma_wait3A_234] : memref<10240x128xf32, #tpu.memory_space<hbm>> -> memref<10240x128xf32, #tpu.memory_space<hbm>>
      tpu.wait_indirect_dma semaphore(%arg19 : memref<!tpu.dma_semaphore, #tpu.memory_space<semaphore_mem>>) src(%dma_wait3A_235 : memref<10240x128xf32, #tpu.memory_space<hbm>>) dst(%arg13 : memref<64x128xf32, #tpu.memory_space<vmem>>)
      %get3A_236 = arith.constant 3 : i32
      %get3A_237 = arith.index_cast %get3A_236 : i32 to index
      %get3A_238 = arith.constant 0 : index
      %get3A_239 = tpu.vector_load %arg9[%get3A_237, %get3A_238] {strides = array<i32>} : memref<16x64xi32, #tpu.memory_space<vmem>>, vector<16xi32>,
      tpu.vector_store_idx %arg14[%get3A_239], %broadcast_in_dim3A_55 {add = true} : memref<10240xf32, #tpu.memory_space<vmem>>[vector<16xi32>], vector<16xf32>,
      %get3A_240 = arith.constant 3 : i32
      %get3A_241 = arith.index_cast %get3A_240 : i32 to index
      %get3A_242 = arith.constant 16 : index
      %get3A_243 = tpu.vector_load %arg9[%get3A_241, %get3A_242] {strides = array<i32>} : memref<16x64xi32, #tpu.memory_space<vmem>>, vector<16xi32>,
      tpu.vector_store_idx %arg14[%get3A_243], %broadcast_in_dim3A_55 {add = true} : memref<10240xf32, #tpu.memory_space<vmem>>[vector<16xi32>], vector<16xf32>,
      %get3A_244 = arith.constant 3 : i32
      %get3A_245 = arith.index_cast %get3A_244 : i32 to index
      %get3A_246 = arith.constant 32 : index
      %get3A_247 = tpu.vector_load %arg9[%get3A_245, %get3A_246] {strides = array<i32>} : memref<16x64xi32, #tpu.memory_space<vmem>>, vector<16xi32>,
      tpu.vector_store_idx %arg14[%get3A_247], %broadcast_in_dim3A_55 {add = true} : memref<10240xf32, #tpu.memory_space<vmem>>[vector<16xi32>], vector<16xf32>,
      %get3A_248 = arith.constant 3 : i32
      %get3A_249 = arith.index_cast %get3A_248 : i32 to index
      %get3A_250 = arith.constant 48 : index
      %get3A_251 = tpu.vector_load %arg9[%get3A_249, %get3A_250] {strides = array<i32>} : memref<16x64xi32, #tpu.memory_space<vmem>>, vector<16xi32>,
      tpu.vector_store_idx %arg14[%get3A_251], %broadcast_in_dim3A_55 {add = true} : memref<10240xf32, #tpu.memory_space<vmem>>[vector<16xi32>], vector<16xf32>,
      %dma_start3A_252 = arith.constant 6 : i32
      %dma_start3A_253 = arith.constant 0 : i32
      %dma_start3A_254 = tpu.memref_slice %arg8[%dma_start3A_252, %dma_start3A_253] : memref<16x64xi32, #tpu.memory_space<vmem>> -> memref<1x64xi32, #tpu.memory_space<vmem>>
      %dma_start3A_255 = tpu.memref_squeeze %dma_start3A_254 : memref<1x64xi32, #tpu.memory_space<vmem>> -> memref<64xi32, #tpu.memory_space<vmem>>
      %dma_start3A_256 = arith.constant 0 : i32
      %dma_start3A_257 = arith.constant 0 : i32
      %dma_start3A_258 = tpu.memref_slice %arg2[%dma_start3A_256, %dma_start3A_257] : memref<10240x128xf32, #tpu.memory_space<hbm>> -> memref<10240x128xf32, #tpu.memory_space<hbm>>
      tpu.enqueue_indirect_dma source(%dma_start3A_258 : memref<10240x128xf32, #tpu.memory_space<hbm>>) target(%arg12 : memref<64x128xf32, #tpu.memory_space<vmem>>) offsets(%dma_start3A_255 : memref<64xi32, #tpu.memory_space<vmem>>) semaphore(%arg18 : memref<!tpu.dma_semaphore, #tpu.memory_space<semaphore_mem>>)
      %run_scoped3A_259 = arith.constant 3 : i32
      "tpu.region"() ({
        %run_scoped3A_611 = tpu.sem_alloc : memref<!tpu.dma_semaphore, #tpu.memory_space<semaphore_mem>>
        %dma_start3A_612 = arith.constant 0 : i32
        %dma_start3A_613 = tpu.memref_slice %arg9[%run_scoped3A_259, %dma_start3A_612] : memref<16x64xi32, #tpu.memory_space<vmem>> -> memref<1x64xi32, #tpu.memory_space<vmem>>
        %dma_start3A_614 = tpu.memref_squeeze %dma_start3A_613 : memref<1x64xi32, #tpu.memory_space<vmem>> -> memref<64xi32, #tpu.memory_space<vmem>>
        %dma_start3A_615 = arith.constant 0 : i32
        %dma_start3A_616 = arith.constant 0 : i32
        %dma_start3A_617 = tpu.memref_slice %arg15[%dma_start3A_615, %dma_start3A_616] : memref<10240x128xf32, #tpu.memory_space<vmem_shared>> -> memref<10240x128xf32, #tpu.memory_space<vmem_shared>>
        tpu.enqueue_indirect_dma source(%arg13 : memref<64x128xf32, #tpu.memory_space<vmem>>) target(%dma_start3A_617 : memref<10240x128xf32, #tpu.memory_space<vmem_shared>>) offsets(%dma_start3A_614 : memref<64xi32, #tpu.memory_space<vmem>>) semaphore(%run_scoped3A_611 : memref<!tpu.dma_semaphore, #tpu.memory_space<semaphore_mem>>) {add = true}
        %dma_wait3A_618 = arith.constant 0 : i32
        %dma_wait3A_619 = tpu.memref_slice %arg9[%run_scoped3A_259, %dma_wait3A_618] : memref<16x64xi32, #tpu.memory_space<vmem>> -> memref<1x64xi32, #tpu.memory_space<vmem>>
        %dma_wait3A_620 = tpu.memref_squeeze %dma_wait3A_619 : memref<1x64xi32, #tpu.memory_space<vmem>> -> memref<64xi32, #tpu.memory_space<vmem>>
        %dma_wait3A_621 = arith.constant 0 : i32
        %dma_wait3A_622 = arith.constant 0 : i32
        %dma_wait3A_623 = tpu.memref_slice %arg15[%dma_wait3A_621, %dma_wait3A_622] : memref<10240x128xf32, #tpu.memory_space<vmem_shared>> -> memref<10240x128xf32, #tpu.memory_space<vmem_shared>>
        tpu.wait_indirect_dma semaphore(%run_scoped3A_611 : memref<!tpu.dma_semaphore, #tpu.memory_space<semaphore_mem>>) src(%arg13 : memref<64x128xf32, #tpu.memory_space<vmem>>) dst(%dma_wait3A_623 : memref<10240x128xf32, #tpu.memory_space<vmem_shared>>)
        tpu.yield
      }) : () -> ()
      %dma_wait3A_260 = arith.constant 4 : i32
      %dma_wait3A_261 = arith.constant 0 : i32
      %dma_wait3A_262 = tpu.memref_slice %arg8[%dma_wait3A_260, %dma_wait3A_261] : memref<16x64xi32, #tpu.memory_space<vmem>> -> memref<1x64xi32, #tpu.memory_space<vmem>>
      %dma_wait3A_263 = tpu.memref_squeeze %dma_wait3A_262 : memref<1x64xi32, #tpu.memory_space<vmem>> -> memref<64xi32, #tpu.memory_space<vmem>>
      %dma_wait3A_264 = arith.constant 0 : i32
      %dma_wait3A_265 = arith.constant 0 : i32
      %dma_wait3A_266 = tpu.memref_slice %arg2[%dma_wait3A_264, %dma_wait3A_265] : memref<10240x128xf32, #tpu.memory_space<hbm>> -> memref<10240x128xf32, #tpu.memory_space<hbm>>
      tpu.wait_indirect_dma semaphore(%arg16 : memref<!tpu.dma_semaphore, #tpu.memory_space<semaphore_mem>>) src(%dma_wait3A_266 : memref<10240x128xf32, #tpu.memory_space<hbm>>) dst(%arg10 : memref<64x128xf32, #tpu.memory_space<vmem>>)
      %get3A_267 = arith.constant 4 : i32
      %get3A_268 = arith.index_cast %get3A_267 : i32 to index
      %get3A_269 = arith.constant 0 : index
      %get3A_270 = tpu.vector_load %arg9[%get3A_268, %get3A_269] {strides = array<i32>} : memref<16x64xi32, #tpu.memory_space<vmem>>, vector<16xi32>,
      tpu.vector_store_idx %arg14[%get3A_270], %broadcast_in_dim3A_55 {add = true} : memref<10240xf32, #tpu.memory_space<vmem>>[vector<16xi32>], vector<16xf32>,
      %get3A_271 = arith.constant 4 : i32
      %get3A_272 = arith.index_cast %get3A_271 : i32 to index
      %get3A_273 = arith.constant 16 : index
      %get3A_274 = tpu.vector_load %arg9[%get3A_272, %get3A_273] {strides = array<i32>} : memref<16x64xi32, #tpu.memory_space<vmem>>, vector<16xi32>,
      tpu.vector_store_idx %arg14[%get3A_274], %broadcast_in_dim3A_55 {add = true} : memref<10240xf32, #tpu.memory_space<vmem>>[vector<16xi32>], vector<16xf32>,
      %get3A_275 = arith.constant 4 : i32
      %get3A_276 = arith.index_cast %get3A_275 : i32 to index
      %get3A_277 = arith.constant 32 : index
      %get3A_278 = tpu.vector_load %arg9[%get3A_276, %get3A_277] {strides = array<i32>} : memref<16x64xi32, #tpu.memory_space<vmem>>, vector<16xi32>,
      tpu.vector_store_idx %arg14[%get3A_278], %broadcast_in_dim3A_55 {add = true} : memref<10240xf32, #tpu.memory_space<vmem>>[vector<16xi32>], vector<16xf32>,
      %get3A_279 = arith.constant 4 : i32
      %get3A_280 = arith.index_cast %get3A_279 : i32 to index
      %get3A_281 = arith.constant 48 : index
      %get3A_282 = tpu.vector_load %arg9[%get3A_280, %get3A_281] {strides = array<i32>} : memref<16x64xi32, #tpu.memory_space<vmem>>, vector<16xi32>,
      tpu.vector_store_idx %arg14[%get3A_282], %broadcast_in_dim3A_55 {add = true} : memref<10240xf32, #tpu.memory_space<vmem>>[vector<16xi32>], vector<16xf32>,
      %dma_start3A_283 = arith.constant 7 : i32
      %dma_start3A_284 = arith.constant 0 : i32
      %dma_start3A_285 = tpu.memref_slice %arg8[%dma_start3A_283, %dma_start3A_284] : memref<16x64xi32, #tpu.memory_space<vmem>> -> memref<1x64xi32, #tpu.memory_space<vmem>>
      %dma_start3A_286 = tpu.memref_squeeze %dma_start3A_285 : memref<1x64xi32, #tpu.memory_space<vmem>> -> memref<64xi32, #tpu.memory_space<vmem>>
      %dma_start3A_287 = arith.constant 0 : i32
      %dma_start3A_288 = arith.constant 0 : i32
      %dma_start3A_289 = tpu.memref_slice %arg2[%dma_start3A_287, %dma_start3A_288] : memref<10240x128xf32, #tpu.memory_space<hbm>> -> memref<10240x128xf32, #tpu.memory_space<hbm>>
      tpu.enqueue_indirect_dma source(%dma_start3A_289 : memref<10240x128xf32, #tpu.memory_space<hbm>>) target(%arg13 : memref<64x128xf32, #tpu.memory_space<vmem>>) offsets(%dma_start3A_286 : memref<64xi32, #tpu.memory_space<vmem>>) semaphore(%arg19 : memref<!tpu.dma_semaphore, #tpu.memory_space<semaphore_mem>>)
      %run_scoped3A_290 = arith.constant 4 : i32
      "tpu.region"() ({
        %run_scoped3A_611 = tpu.sem_alloc : memref<!tpu.dma_semaphore, #tpu.memory_space<semaphore_mem>>
        %dma_start3A_612 = arith.constant 0 : i32
        %dma_start3A_613 = tpu.memref_slice %arg9[%run_scoped3A_290, %dma_start3A_612] : memref<16x64xi32, #tpu.memory_space<vmem>> -> memref<1x64xi32, #tpu.memory_space<vmem>>
        %dma_start3A_614 = tpu.memref_squeeze %dma_start3A_613 : memref<1x64xi32, #tpu.memory_space<vmem>> -> memref<64xi32, #tpu.memory_space<vmem>>
        %dma_start3A_615 = arith.constant 0 : i32
        %dma_start3A_616 = arith.constant 0 : i32
        %dma_start3A_617 = tpu.memref_slice %arg15[%dma_start3A_615, %dma_start3A_616] : memref<10240x128xf32, #tpu.memory_space<vmem_shared>> -> memref<10240x128xf32, #tpu.memory_space<vmem_shared>>
        tpu.enqueue_indirect_dma source(%arg10 : memref<64x128xf32, #tpu.memory_space<vmem>>) target(%dma_start3A_617 : memref<10240x128xf32, #tpu.memory_space<vmem_shared>>) offsets(%dma_start3A_614 : memref<64xi32, #tpu.memory_space<vmem>>) semaphore(%run_scoped3A_611 : memref<!tpu.dma_semaphore, #tpu.memory_space<semaphore_mem>>) {add = true}
        %dma_wait3A_618 = arith.constant 0 : i32
        %dma_wait3A_619 = tpu.memref_slice %arg9[%run_scoped3A_290, %dma_wait3A_618] : memref<16x64xi32, #tpu.memory_space<vmem>> -> memref<1x64xi32, #tpu.memory_space<vmem>>
        %dma_wait3A_620 = tpu.memref_squeeze %dma_wait3A_619 : memref<1x64xi32, #tpu.memory_space<vmem>> -> memref<64xi32, #tpu.memory_space<vmem>>
        %dma_wait3A_621 = arith.constant 0 : i32
        %dma_wait3A_622 = arith.constant 0 : i32
        %dma_wait3A_623 = tpu.memref_slice %arg15[%dma_wait3A_621, %dma_wait3A_622] : memref<10240x128xf32, #tpu.memory_space<vmem_shared>> -> memref<10240x128xf32, #tpu.memory_space<vmem_shared>>
        tpu.wait_indirect_dma semaphore(%run_scoped3A_611 : memref<!tpu.dma_semaphore, #tpu.memory_space<semaphore_mem>>) src(%arg10 : memref<64x128xf32, #tpu.memory_space<vmem>>) dst(%dma_wait3A_623 : memref<10240x128xf32, #tpu.memory_space<vmem_shared>>)
        tpu.yield
      }) : () -> ()
      %dma_wait3A_291 = arith.constant 5 : i32
      %dma_wait3A_292 = arith.constant 0 : i32
      %dma_wait3A_293 = tpu.memref_slice %arg8[%dma_wait3A_291, %dma_wait3A_292] : memref<16x64xi32, #tpu.memory_space<vmem>> -> memref<1x64xi32, #tpu.memory_space<vmem>>
      %dma_wait3A_294 = tpu.memref_squeeze %dma_wait3A_293 : memref<1x64xi32, #tpu.memory_space<vmem>> -> memref<64xi32, #tpu.memory_space<vmem>>
      %dma_wait3A_295 = arith.constant 0 : i32
      %dma_wait3A_296 = arith.constant 0 : i32
      %dma_wait3A_297 = tpu.memref_slice %arg2[%dma_wait3A_295, %dma_wait3A_296] : memref<10240x128xf32, #tpu.memory_space<hbm>> -> memref<10240x128xf32, #tpu.memory_space<hbm>>
      tpu.wait_indirect_dma semaphore(%arg17 : memref<!tpu.dma_semaphore, #tpu.memory_space<semaphore_mem>>) src(%dma_wait3A_297 : memref<10240x128xf32, #tpu.memory_space<hbm>>) dst(%arg11 : memref<64x128xf32, #tpu.memory_space<vmem>>)
      %get3A_298 = arith.constant 5 : i32
      %get3A_299 = arith.index_cast %get3A_298 : i32 to index
      %get3A_300 = arith.constant 0 : index
      %get3A_301 = tpu.vector_load %arg9[%get3A_299, %get3A_300] {strides = array<i32>} : memref<16x64xi32, #tpu.memory_space<vmem>>, vector<16xi32>,
      tpu.vector_store_idx %arg14[%get3A_301], %broadcast_in_dim3A_55 {add = true} : memref<10240xf32, #tpu.memory_space<vmem>>[vector<16xi32>], vector<16xf32>,
      %get3A_302 = arith.constant 5 : i32
      %get3A_303 = arith.index_cast %get3A_302 : i32 to index
      %get3A_304 = arith.constant 16 : index
      %get3A_305 = tpu.vector_load %arg9[%get3A_303, %get3A_304] {strides = array<i32>} : memref<16x64xi32, #tpu.memory_space<vmem>>, vector<16xi32>,
      tpu.vector_store_idx %arg14[%get3A_305], %broadcast_in_dim3A_55 {add = true} : memref<10240xf32, #tpu.memory_space<vmem>>[vector<16xi32>], vector<16xf32>,
      %get3A_306 = arith.constant 5 : i32
      %get3A_307 = arith.index_cast %get3A_306 : i32 to index
      %get3A_308 = arith.constant 32 : index
      %get3A_309 = tpu.vector_load %arg9[%get3A_307, %get3A_308] {strides = array<i32>} : memref<16x64xi32, #tpu.memory_space<vmem>>, vector<16xi32>,
      tpu.vector_store_idx %arg14[%get3A_309], %broadcast_in_dim3A_55 {add = true} : memref<10240xf32, #tpu.memory_space<vmem>>[vector<16xi32>], vector<16xf32>,
      %get3A_310 = arith.constant 5 : i32
      %get3A_311 = arith.index_cast %get3A_310 : i32 to index
      %get3A_312 = arith.constant 48 : index
      %get3A_313 = tpu.vector_load %arg9[%get3A_311, %get3A_312] {strides = array<i32>} : memref<16x64xi32, #tpu.memory_space<vmem>>, vector<16xi32>,
      tpu.vector_store_idx %arg14[%get3A_313], %broadcast_in_dim3A_55 {add = true} : memref<10240xf32, #tpu.memory_space<vmem>>[vector<16xi32>], vector<16xf32>,
      %dma_start3A_314 = arith.constant 8 : i32
      %dma_start3A_315 = arith.constant 0 : i32
      %dma_start3A_316 = tpu.memref_slice %arg8[%dma_start3A_314, %dma_start3A_315] : memref<16x64xi32, #tpu.memory_space<vmem>> -> memref<1x64xi32, #tpu.memory_space<vmem>>
      %dma_start3A_317 = tpu.memref_squeeze %dma_start3A_316 : memref<1x64xi32, #tpu.memory_space<vmem>> -> memref<64xi32, #tpu.memory_space<vmem>>
      %dma_start3A_318 = arith.constant 0 : i32
      %dma_start3A_319 = arith.constant 0 : i32
      %dma_start3A_320 = tpu.memref_slice %arg2[%dma_start3A_318, %dma_start3A_319] : memref<10240x128xf32, #tpu.memory_space<hbm>> -> memref<10240x128xf32, #tpu.memory_space<hbm>>
      tpu.enqueue_indirect_dma source(%dma_start3A_320 : memref<10240x128xf32, #tpu.memory_space<hbm>>) target(%arg10 : memref<64x128xf32, #tpu.memory_space<vmem>>) offsets(%dma_start3A_317 : memref<64xi32, #tpu.memory_space<vmem>>) semaphore(%arg16 : memref<!tpu.dma_semaphore, #tpu.memory_space<semaphore_mem>>)
      %run_scoped3A_321 = arith.constant 5 : i32
      "tpu.region"() ({
        %run_scoped3A_611 = tpu.sem_alloc : memref<!tpu.dma_semaphore, #tpu.memory_space<semaphore_mem>>
        %dma_start3A_612 = arith.constant 0 : i32
        %dma_start3A_613 = tpu.memref_slice %arg9[%run_scoped3A_321, %dma_start3A_612] : memref<16x64xi32, #tpu.memory_space<vmem>> -> memref<1x64xi32, #tpu.memory_space<vmem>>
        %dma_start3A_614 = tpu.memref_squeeze %dma_start3A_613 : memref<1x64xi32, #tpu.memory_space<vmem>> -> memref<64xi32, #tpu.memory_space<vmem>>
        %dma_start3A_615 = arith.constant 0 : i32
        %dma_start3A_616 = arith.constant 0 : i32
        %dma_start3A_617 = tpu.memref_slice %arg15[%dma_start3A_615, %dma_start3A_616] : memref<10240x128xf32, #tpu.memory_space<vmem_shared>> -> memref<10240x128xf32, #tpu.memory_space<vmem_shared>>
        tpu.enqueue_indirect_dma source(%arg11 : memref<64x128xf32, #tpu.memory_space<vmem>>) target(%dma_start3A_617 : memref<10240x128xf32, #tpu.memory_space<vmem_shared>>) offsets(%dma_start3A_614 : memref<64xi32, #tpu.memory_space<vmem>>) semaphore(%run_scoped3A_611 : memref<!tpu.dma_semaphore, #tpu.memory_space<semaphore_mem>>) {add = true}
        %dma_wait3A_618 = arith.constant 0 : i32
        %dma_wait3A_619 = tpu.memref_slice %arg9[%run_scoped3A_321, %dma_wait3A_618] : memref<16x64xi32, #tpu.memory_space<vmem>> -> memref<1x64xi32, #tpu.memory_space<vmem>>
        %dma_wait3A_620 = tpu.memref_squeeze %dma_wait3A_619 : memref<1x64xi32, #tpu.memory_space<vmem>> -> memref<64xi32, #tpu.memory_space<vmem>>
        %dma_wait3A_621 = arith.constant 0 : i32
        %dma_wait3A_622 = arith.constant 0 : i32
        %dma_wait3A_623 = tpu.memref_slice %arg15[%dma_wait3A_621, %dma_wait3A_622] : memref<10240x128xf32, #tpu.memory_space<vmem_shared>> -> memref<10240x128xf32, #tpu.memory_space<vmem_shared>>
        tpu.wait_indirect_dma semaphore(%run_scoped3A_611 : memref<!tpu.dma_semaphore, #tpu.memory_space<semaphore_mem>>) src(%arg11 : memref<64x128xf32, #tpu.memory_space<vmem>>) dst(%dma_wait3A_623 : memref<10240x128xf32, #tpu.memory_space<vmem_shared>>)
        tpu.yield
      }) : () -> ()
      %dma_wait3A_322 = arith.constant 6 : i32
      %dma_wait3A_323 = arith.constant 0 : i32
      %dma_wait3A_324 = tpu.memref_slice %arg8[%dma_wait3A_322, %dma_wait3A_323] : memref<16x64xi32, #tpu.memory_space<vmem>> -> memref<1x64xi32, #tpu.memory_space<vmem>>
      %dma_wait3A_325 = tpu.memref_squeeze %dma_wait3A_324 : memref<1x64xi32, #tpu.memory_space<vmem>> -> memref<64xi32, #tpu.memory_space<vmem>>
      %dma_wait3A_326 = arith.constant 0 : i32
      %dma_wait3A_327 = arith.constant 0 : i32
      %dma_wait3A_328 = tpu.memref_slice %arg2[%dma_wait3A_326, %dma_wait3A_327] : memref<10240x128xf32, #tpu.memory_space<hbm>> -> memref<10240x128xf32, #tpu.memory_space<hbm>>
      tpu.wait_indirect_dma semaphore(%arg18 : memref<!tpu.dma_semaphore, #tpu.memory_space<semaphore_mem>>) src(%dma_wait3A_328 : memref<10240x128xf32, #tpu.memory_space<hbm>>) dst(%arg12 : memref<64x128xf32, #tpu.memory_space<vmem>>)
      %get3A_329 = arith.constant 6 : i32
      %get3A_330 = arith.index_cast %get3A_329 : i32 to index
      %get3A_331 = arith.constant 0 : index
      %get3A_332 = tpu.vector_load %arg9[%get3A_330, %get3A_331] {strides = array<i32>} : memref<16x64xi32, #tpu.memory_space<vmem>>, vector<16xi32>,
      tpu.vector_store_idx %arg14[%get3A_332], %broadcast_in_dim3A_55 {add = true} : memref<10240xf32, #tpu.memory_space<vmem>>[vector<16xi32>], vector<16xf32>,
      %get3A_333 = arith.constant 6 : i32
      %get3A_334 = arith.index_cast %get3A_333 : i32 to index
      %get3A_335 = arith.constant 16 : index
      %get3A_336 = tpu.vector_load %arg9[%get3A_334, %get3A_335] {strides = array<i32>} : memref<16x64xi32, #tpu.memory_space<vmem>>, vector<16xi32>,
      tpu.vector_store_idx %arg14[%get3A_336], %broadcast_in_dim3A_55 {add = true} : memref<10240xf32, #tpu.memory_space<vmem>>[vector<16xi32>], vector<16xf32>,
      %get3A_337 = arith.constant 6 : i32
      %get3A_338 = arith.index_cast %get3A_337 : i32 to index
      %get3A_339 = arith.constant 32 : index
      %get3A_340 = tpu.vector_load %arg9[%get3A_338, %get3A_339] {strides = array<i32>} : memref<16x64xi32, #tpu.memory_space<vmem>>, vector<16xi32>,
      tpu.vector_store_idx %arg14[%get3A_340], %broadcast_in_dim3A_55 {add = true} : memref<10240xf32, #tpu.memory_space<vmem>>[vector<16xi32>], vector<16xf32>,
      %get3A_341 = arith.constant 6 : i32
      %get3A_342 = arith.index_cast %get3A_341 : i32 to index
      %get3A_343 = arith.constant 48 : index
      %get3A_344 = tpu.vector_load %arg9[%get3A_342, %get3A_343] {strides = array<i32>} : memref<16x64xi32, #tpu.memory_space<vmem>>, vector<16xi32>,
      tpu.vector_store_idx %arg14[%get3A_344], %broadcast_in_dim3A_55 {add = true} : memref<10240xf32, #tpu.memory_space<vmem>>[vector<16xi32>], vector<16xf32>,
      %dma_start3A_345 = arith.constant 9 : i32
      %dma_start3A_346 = arith.constant 0 : i32
      %dma_start3A_347 = tpu.memref_slice %arg8[%dma_start3A_345, %dma_start3A_346] : memref<16x64xi32, #tpu.memory_space<vmem>> -> memref<1x64xi32, #tpu.memory_space<vmem>>
      %dma_start3A_348 = tpu.memref_squeeze %dma_start3A_347 : memref<1x64xi32, #tpu.memory_space<vmem>> -> memref<64xi32, #tpu.memory_space<vmem>>
      %dma_start3A_349 = arith.constant 0 : i32
      %dma_start3A_350 = arith.constant 0 : i32
      %dma_start3A_351 = tpu.memref_slice %arg2[%dma_start3A_349, %dma_start3A_350] : memref<10240x128xf32, #tpu.memory_space<hbm>> -> memref<10240x128xf32, #tpu.memory_space<hbm>>
      tpu.enqueue_indirect_dma source(%dma_start3A_351 : memref<10240x128xf32, #tpu.memory_space<hbm>>) target(%arg11 : memref<64x128xf32, #tpu.memory_space<vmem>>) offsets(%dma_start3A_348 : memref<64xi32, #tpu.memory_space<vmem>>) semaphore(%arg17 : memref<!tpu.dma_semaphore, #tpu.memory_space<semaphore_mem>>)
      %run_scoped3A_352 = arith.constant 6 : i32
      "tpu.region"() ({
        %run_scoped3A_611 = tpu.sem_alloc : memref<!tpu.dma_semaphore, #tpu.memory_space<semaphore_mem>>
        %dma_start3A_612 = arith.constant 0 : i32
        %dma_start3A_613 = tpu.memref_slice %arg9[%run_scoped3A_352, %dma_start3A_612] : memref<16x64xi32, #tpu.memory_space<vmem>> -> memref<1x64xi32, #tpu.memory_space<vmem>>
        %dma_start3A_614 = tpu.memref_squeeze %dma_start3A_613 : memref<1x64xi32, #tpu.memory_space<vmem>> -> memref<64xi32, #tpu.memory_space<vmem>>
        %dma_start3A_615 = arith.constant 0 : i32
        %dma_start3A_616 = arith.constant 0 : i32
        %dma_start3A_617 = tpu.memref_slice %arg15[%dma_start3A_615, %dma_start3A_616] : memref<10240x128xf32, #tpu.memory_space<vmem_shared>> -> memref<10240x128xf32, #tpu.memory_space<vmem_shared>>
        tpu.enqueue_indirect_dma source(%arg12 : memref<64x128xf32, #tpu.memory_space<vmem>>) target(%dma_start3A_617 : memref<10240x128xf32, #tpu.memory_space<vmem_shared>>) offsets(%dma_start3A_614 : memref<64xi32, #tpu.memory_space<vmem>>) semaphore(%run_scoped3A_611 : memref<!tpu.dma_semaphore, #tpu.memory_space<semaphore_mem>>) {add = true}
        %dma_wait3A_618 = arith.constant 0 : i32
        %dma_wait3A_619 = tpu.memref_slice %arg9[%run_scoped3A_352, %dma_wait3A_618] : memref<16x64xi32, #tpu.memory_space<vmem>> -> memref<1x64xi32, #tpu.memory_space<vmem>>
        %dma_wait3A_620 = tpu.memref_squeeze %dma_wait3A_619 : memref<1x64xi32, #tpu.memory_space<vmem>> -> memref<64xi32, #tpu.memory_space<vmem>>
        %dma_wait3A_621 = arith.constant 0 : i32
        %dma_wait3A_622 = arith.constant 0 : i32
        %dma_wait3A_623 = tpu.memref_slice %arg15[%dma_wait3A_621, %dma_wait3A_622] : memref<10240x128xf32, #tpu.memory_space<vmem_shared>> -> memref<10240x128xf32, #tpu.memory_space<vmem_shared>>
        tpu.wait_indirect_dma semaphore(%run_scoped3A_611 : memref<!tpu.dma_semaphore, #tpu.memory_space<semaphore_mem>>) src(%arg12 : memref<64x128xf32, #tpu.memory_space<vmem>>) dst(%dma_wait3A_623 : memref<10240x128xf32, #tpu.memory_space<vmem_shared>>)
        tpu.yield
      }) : () -> ()
      %dma_wait3A_353 = arith.constant 7 : i32
      %dma_wait3A_354 = arith.constant 0 : i32
      %dma_wait3A_355 = tpu.memref_slice %arg8[%dma_wait3A_353, %dma_wait3A_354] : memref<16x64xi32, #tpu.memory_space<vmem>> -> memref<1x64xi32, #tpu.memory_space<vmem>>
      %dma_wait3A_356 = tpu.memref_squeeze %dma_wait3A_355 : memref<1x64xi32, #tpu.memory_space<vmem>> -> memref<64xi32, #tpu.memory_space<vmem>>
      %dma_wait3A_357 = arith.constant 0 : i32
      %dma_wait3A_358 = arith.constant 0 : i32
      %dma_wait3A_359 = tpu.memref_slice %arg2[%dma_wait3A_357, %dma_wait3A_358] : memref<10240x128xf32, #tpu.memory_space<hbm>> -> memref<10240x128xf32, #tpu.memory_space<hbm>>
      tpu.wait_indirect_dma semaphore(%arg19 : memref<!tpu.dma_semaphore, #tpu.memory_space<semaphore_mem>>) src(%dma_wait3A_359 : memref<10240x128xf32, #tpu.memory_space<hbm>>) dst(%arg13 : memref<64x128xf32, #tpu.memory_space<vmem>>)
      %get3A_360 = arith.constant 7 : i32
      %get3A_361 = arith.index_cast %get3A_360 : i32 to index
      %get3A_362 = arith.constant 0 : index
      %get3A_363 = tpu.vector_load %arg9[%get3A_361, %get3A_362] {strides = array<i32>} : memref<16x64xi32, #tpu.memory_space<vmem>>, vector<16xi32>,
      tpu.vector_store_idx %arg14[%get3A_363], %broadcast_in_dim3A_55 {add = true} : memref<10240xf32, #tpu.memory_space<vmem>>[vector<16xi32>], vector<16xf32>,
      %get3A_364 = arith.constant 7 : i32
      %get3A_365 = arith.index_cast %get3A_364 : i32 to index
      %get3A_366 = arith.constant 16 : index
      %get3A_367 = tpu.vector_load %arg9[%get3A_365, %get3A_366] {strides = array<i32>} : memref<16x64xi32, #tpu.memory_space<vmem>>, vector<16xi32>,
      tpu.vector_store_idx %arg14[%get3A_367], %broadcast_in_dim3A_55 {add = true} : memref<10240xf32, #tpu.memory_space<vmem>>[vector<16xi32>], vector<16xf32>,
      %get3A_368 = arith.constant 7 : i32
      %get3A_369 = arith.index_cast %get3A_368 : i32 to index
      %get3A_370 = arith.constant 32 : index
      %get3A_371 = tpu.vector_load %arg9[%get3A_369, %get3A_370] {strides = array<i32>} : memref<16x64xi32, #tpu.memory_space<vmem>>, vector<16xi32>,
      tpu.vector_store_idx %arg14[%get3A_371], %broadcast_in_dim3A_55 {add = true} : memref<10240xf32, #tpu.memory_space<vmem>>[vector<16xi32>], vector<16xf32>,
      %get3A_372 = arith.constant 7 : i32
      %get3A_373 = arith.index_cast %get3A_372 : i32 to index
      %get3A_374 = arith.constant 48 : index
      %get3A_375 = tpu.vector_load %arg9[%get3A_373, %get3A_374] {strides = array<i32>} : memref<16x64xi32, #tpu.memory_space<vmem>>, vector<16xi32>,
      tpu.vector_store_idx %arg14[%get3A_375], %broadcast_in_dim3A_55 {add = true} : memref<10240xf32, #tpu.memory_space<vmem>>[vector<16xi32>], vector<16xf32>,
      %dma_start3A_376 = arith.constant 10 : i32
      %dma_start3A_377 = arith.constant 0 : i32
      %dma_start3A_378 = tpu.memref_slice %arg8[%dma_start3A_376, %dma_start3A_377] : memref<16x64xi32, #tpu.memory_space<vmem>> -> memref<1x64xi32, #tpu.memory_space<vmem>>
      %dma_start3A_379 = tpu.memref_squeeze %dma_start3A_378 : memref<1x64xi32, #tpu.memory_space<vmem>> -> memref<64xi32, #tpu.memory_space<vmem>>
      %dma_start3A_380 = arith.constant 0 : i32
      %dma_start3A_381 = arith.constant 0 : i32
      %dma_start3A_382 = tpu.memref_slice %arg2[%dma_start3A_380, %dma_start3A_381] : memref<10240x128xf32, #tpu.memory_space<hbm>> -> memref<10240x128xf32, #tpu.memory_space<hbm>>
      tpu.enqueue_indirect_dma source(%dma_start3A_382 : memref<10240x128xf32, #tpu.memory_space<hbm>>) target(%arg12 : memref<64x128xf32, #tpu.memory_space<vmem>>) offsets(%dma_start3A_379 : memref<64xi32, #tpu.memory_space<vmem>>) semaphore(%arg18 : memref<!tpu.dma_semaphore, #tpu.memory_space<semaphore_mem>>)
      %run_scoped3A_383 = arith.constant 7 : i32
      "tpu.region"() ({
        %run_scoped3A_611 = tpu.sem_alloc : memref<!tpu.dma_semaphore, #tpu.memory_space<semaphore_mem>>
        %dma_start3A_612 = arith.constant 0 : i32
        %dma_start3A_613 = tpu.memref_slice %arg9[%run_scoped3A_383, %dma_start3A_612] : memref<16x64xi32, #tpu.memory_space<vmem>> -> memref<1x64xi32, #tpu.memory_space<vmem>>
        %dma_start3A_614 = tpu.memref_squeeze %dma_start3A_613 : memref<1x64xi32, #tpu.memory_space<vmem>> -> memref<64xi32, #tpu.memory_space<vmem>>
        %dma_start3A_615 = arith.constant 0 : i32
        %dma_start3A_616 = arith.constant 0 : i32
        %dma_start3A_617 = tpu.memref_slice %arg15[%dma_start3A_615, %dma_start3A_616] : memref<10240x128xf32, #tpu.memory_space<vmem_shared>> -> memref<10240x128xf32, #tpu.memory_space<vmem_shared>>
        tpu.enqueue_indirect_dma source(%arg13 : memref<64x128xf32, #tpu.memory_space<vmem>>) target(%dma_start3A_617 : memref<10240x128xf32, #tpu.memory_space<vmem_shared>>) offsets(%dma_start3A_614 : memref<64xi32, #tpu.memory_space<vmem>>) semaphore(%run_scoped3A_611 : memref<!tpu.dma_semaphore, #tpu.memory_space<semaphore_mem>>) {add = true}
        %dma_wait3A_618 = arith.constant 0 : i32
        %dma_wait3A_619 = tpu.memref_slice %arg9[%run_scoped3A_383, %dma_wait3A_618] : memref<16x64xi32, #tpu.memory_space<vmem>> -> memref<1x64xi32, #tpu.memory_space<vmem>>
        %dma_wait3A_620 = tpu.memref_squeeze %dma_wait3A_619 : memref<1x64xi32, #tpu.memory_space<vmem>> -> memref<64xi32, #tpu.memory_space<vmem>>
        %dma_wait3A_621 = arith.constant 0 : i32
        %dma_wait3A_622 = arith.constant 0 : i32
        %dma_wait3A_623 = tpu.memref_slice %arg15[%dma_wait3A_621, %dma_wait3A_622] : memref<10240x128xf32, #tpu.memory_space<vmem_shared>> -> memref<10240x128xf32, #tpu.memory_space<vmem_shared>>
        tpu.wait_indirect_dma semaphore(%run_scoped3A_611 : memref<!tpu.dma_semaphore, #tpu.memory_space<semaphore_mem>>) src(%arg13 : memref<64x128xf32, #tpu.memory_space<vmem>>) dst(%dma_wait3A_623 : memref<10240x128xf32, #tpu.memory_space<vmem_shared>>)
        tpu.yield
      }) : () -> ()
      %dma_wait3A_384 = arith.constant 8 : i32
      %dma_wait3A_385 = arith.constant 0 : i32
      %dma_wait3A_386 = tpu.memref_slice %arg8[%dma_wait3A_384, %dma_wait3A_385] : memref<16x64xi32, #tpu.memory_space<vmem>> -> memref<1x64xi32, #tpu.memory_space<vmem>>
      %dma_wait3A_387 = tpu.memref_squeeze %dma_wait3A_386 : memref<1x64xi32, #tpu.memory_space<vmem>> -> memref<64xi32, #tpu.memory_space<vmem>>
      %dma_wait3A_388 = arith.constant 0 : i32
      %dma_wait3A_389 = arith.constant 0 : i32
      %dma_wait3A_390 = tpu.memref_slice %arg2[%dma_wait3A_388, %dma_wait3A_389] : memref<10240x128xf32, #tpu.memory_space<hbm>> -> memref<10240x128xf32, #tpu.memory_space<hbm>>
      tpu.wait_indirect_dma semaphore(%arg16 : memref<!tpu.dma_semaphore, #tpu.memory_space<semaphore_mem>>) src(%dma_wait3A_390 : memref<10240x128xf32, #tpu.memory_space<hbm>>) dst(%arg10 : memref<64x128xf32, #tpu.memory_space<vmem>>)
      %get3A_391 = arith.constant 8 : i32
      %get3A_392 = arith.index_cast %get3A_391 : i32 to index
      %get3A_393 = arith.constant 0 : index
      %get3A_394 = tpu.vector_load %arg9[%get3A_392, %get3A_393] {strides = array<i32>} : memref<16x64xi32, #tpu.memory_space<vmem>>, vector<16xi32>,
      tpu.vector_store_idx %arg14[%get3A_394], %broadcast_in_dim3A_55 {add = true} : memref<10240xf32, #tpu.memory_space<vmem>>[vector<16xi32>], vector<16xf32>,
      %get3A_395 = arith.constant 8 : i32
      %get3A_396 = arith.index_cast %get3A_395 : i32 to index
      %get3A_397 = arith.constant 16 : index
      %get3A_398 = tpu.vector_load %arg9[%get3A_396, %get3A_397] {strides = array<i32>} : memref<16x64xi32, #tpu.memory_space<vmem>>, vector<16xi32>,
      tpu.vector_store_idx %arg14[%get3A_398], %broadcast_in_dim3A_55 {add = true} : memref<10240xf32, #tpu.memory_space<vmem>>[vector<16xi32>], vector<16xf32>,
      %get3A_399 = arith.constant 8 : i32
      %get3A_400 = arith.index_cast %get3A_399 : i32 to index
      %get3A_401 = arith.constant 32 : index
      %get3A_402 = tpu.vector_load %arg9[%get3A_400, %get3A_401] {strides = array<i32>} : memref<16x64xi32, #tpu.memory_space<vmem>>, vector<16xi32>,
      tpu.vector_store_idx %arg14[%get3A_402], %broadcast_in_dim3A_55 {add = true} : memref<10240xf32, #tpu.memory_space<vmem>>[vector<16xi32>], vector<16xf32>,
      %get3A_403 = arith.constant 8 : i32
      %get3A_404 = arith.index_cast %get3A_403 : i32 to index
      %get3A_405 = arith.constant 48 : index
      %get3A_406 = tpu.vector_load %arg9[%get3A_404, %get3A_405] {strides = array<i32>} : memref<16x64xi32, #tpu.memory_space<vmem>>, vector<16xi32>,
      tpu.vector_store_idx %arg14[%get3A_406], %broadcast_in_dim3A_55 {add = true} : memref<10240xf32, #tpu.memory_space<vmem>>[vector<16xi32>], vector<16xf32>,
      %dma_start3A_407 = arith.constant 11 : i32
      %dma_start3A_408 = arith.constant 0 : i32
      %dma_start3A_409 = tpu.memref_slice %arg8[%dma_start3A_407, %dma_start3A_408] : memref<16x64xi32, #tpu.memory_space<vmem>> -> memref<1x64xi32, #tpu.memory_space<vmem>>
      %dma_start3A_410 = tpu.memref_squeeze %dma_start3A_409 : memref<1x64xi32, #tpu.memory_space<vmem>> -> memref<64xi32, #tpu.memory_space<vmem>>
      %dma_start3A_411 = arith.constant 0 : i32
      %dma_start3A_412 = arith.constant 0 : i32
      %dma_start3A_413 = tpu.memref_slice %arg2[%dma_start3A_411, %dma_start3A_412] : memref<10240x128xf32, #tpu.memory_space<hbm>> -> memref<10240x128xf32, #tpu.memory_space<hbm>>
      tpu.enqueue_indirect_dma source(%dma_start3A_413 : memref<10240x128xf32, #tpu.memory_space<hbm>>) target(%arg13 : memref<64x128xf32, #tpu.memory_space<vmem>>) offsets(%dma_start3A_410 : memref<64xi32, #tpu.memory_space<vmem>>) semaphore(%arg19 : memref<!tpu.dma_semaphore, #tpu.memory_space<semaphore_mem>>)
      %run_scoped3A_414 = arith.constant 8 : i32
      "tpu.region"() ({
        %run_scoped3A_611 = tpu.sem_alloc : memref<!tpu.dma_semaphore, #tpu.memory_space<semaphore_mem>>
        %dma_start3A_612 = arith.constant 0 : i32
        %dma_start3A_613 = tpu.memref_slice %arg9[%run_scoped3A_414, %dma_start3A_612] : memref<16x64xi32, #tpu.memory_space<vmem>> -> memref<1x64xi32, #tpu.memory_space<vmem>>
        %dma_start3A_614 = tpu.memref_squeeze %dma_start3A_613 : memref<1x64xi32, #tpu.memory_space<vmem>> -> memref<64xi32, #tpu.memory_space<vmem>>
        %dma_start3A_615 = arith.constant 0 : i32
        %dma_start3A_616 = arith.constant 0 : i32
        %dma_start3A_617 = tpu.memref_slice %arg15[%dma_start3A_615, %dma_start3A_616] : memref<10240x128xf32, #tpu.memory_space<vmem_shared>> -> memref<10240x128xf32, #tpu.memory_space<vmem_shared>>
        tpu.enqueue_indirect_dma source(%arg10 : memref<64x128xf32, #tpu.memory_space<vmem>>) target(%dma_start3A_617 : memref<10240x128xf32, #tpu.memory_space<vmem_shared>>) offsets(%dma_start3A_614 : memref<64xi32, #tpu.memory_space<vmem>>) semaphore(%run_scoped3A_611 : memref<!tpu.dma_semaphore, #tpu.memory_space<semaphore_mem>>) {add = true}
        %dma_wait3A_618 = arith.constant 0 : i32
        %dma_wait3A_619 = tpu.memref_slice %arg9[%run_scoped3A_414, %dma_wait3A_618] : memref<16x64xi32, #tpu.memory_space<vmem>> -> memref<1x64xi32, #tpu.memory_space<vmem>>
        %dma_wait3A_620 = tpu.memref_squeeze %dma_wait3A_619 : memref<1x64xi32, #tpu.memory_space<vmem>> -> memref<64xi32, #tpu.memory_space<vmem>>
        %dma_wait3A_621 = arith.constant 0 : i32
        %dma_wait3A_622 = arith.constant 0 : i32
        %dma_wait3A_623 = tpu.memref_slice %arg15[%dma_wait3A_621, %dma_wait3A_622] : memref<10240x128xf32, #tpu.memory_space<vmem_shared>> -> memref<10240x128xf32, #tpu.memory_space<vmem_shared>>
        tpu.wait_indirect_dma semaphore(%run_scoped3A_611 : memref<!tpu.dma_semaphore, #tpu.memory_space<semaphore_mem>>) src(%arg10 : memref<64x128xf32, #tpu.memory_space<vmem>>) dst(%dma_wait3A_623 : memref<10240x128xf32, #tpu.memory_space<vmem_shared>>)
        tpu.yield
      }) : () -> ()
      %dma_wait3A_415 = arith.constant 9 : i32
      %dma_wait3A_416 = arith.constant 0 : i32
      %dma_wait3A_417 = tpu.memref_slice %arg8[%dma_wait3A_415, %dma_wait3A_416] : memref<16x64xi32, #tpu.memory_space<vmem>> -> memref<1x64xi32, #tpu.memory_space<vmem>>
      %dma_wait3A_418 = tpu.memref_squeeze %dma_wait3A_417 : memref<1x64xi32, #tpu.memory_space<vmem>> -> memref<64xi32, #tpu.memory_space<vmem>>
      %dma_wait3A_419 = arith.constant 0 : i32
      %dma_wait3A_420 = arith.constant 0 : i32
      %dma_wait3A_421 = tpu.memref_slice %arg2[%dma_wait3A_419, %dma_wait3A_420] : memref<10240x128xf32, #tpu.memory_space<hbm>> -> memref<10240x128xf32, #tpu.memory_space<hbm>>
      tpu.wait_indirect_dma semaphore(%arg17 : memref<!tpu.dma_semaphore, #tpu.memory_space<semaphore_mem>>) src(%dma_wait3A_421 : memref<10240x128xf32, #tpu.memory_space<hbm>>) dst(%arg11 : memref<64x128xf32, #tpu.memory_space<vmem>>)
      %get3A_422 = arith.constant 9 : i32
      %get3A_423 = arith.index_cast %get3A_422 : i32 to index
      %get3A_424 = arith.constant 0 : index
      %get3A_425 = tpu.vector_load %arg9[%get3A_423, %get3A_424] {strides = array<i32>} : memref<16x64xi32, #tpu.memory_space<vmem>>, vector<16xi32>,
      tpu.vector_store_idx %arg14[%get3A_425], %broadcast_in_dim3A_55 {add = true} : memref<10240xf32, #tpu.memory_space<vmem>>[vector<16xi32>], vector<16xf32>,
      %get3A_426 = arith.constant 9 : i32
      %get3A_427 = arith.index_cast %get3A_426 : i32 to index
      %get3A_428 = arith.constant 16 : index
      %get3A_429 = tpu.vector_load %arg9[%get3A_427, %get3A_428] {strides = array<i32>} : memref<16x64xi32, #tpu.memory_space<vmem>>, vector<16xi32>,
      tpu.vector_store_idx %arg14[%get3A_429], %broadcast_in_dim3A_55 {add = true} : memref<10240xf32, #tpu.memory_space<vmem>>[vector<16xi32>], vector<16xf32>,
      %get3A_430 = arith.constant 9 : i32
      %get3A_431 = arith.index_cast %get3A_430 : i32 to index
      %get3A_432 = arith.constant 32 : index
      %get3A_433 = tpu.vector_load %arg9[%get3A_431, %get3A_432] {strides = array<i32>} : memref<16x64xi32, #tpu.memory_space<vmem>>, vector<16xi32>,
      tpu.vector_store_idx %arg14[%get3A_433], %broadcast_in_dim3A_55 {add = true} : memref<10240xf32, #tpu.memory_space<vmem>>[vector<16xi32>], vector<16xf32>,
      %get3A_434 = arith.constant 9 : i32
      %get3A_435 = arith.index_cast %get3A_434 : i32 to index
      %get3A_436 = arith.constant 48 : index
      %get3A_437 = tpu.vector_load %arg9[%get3A_435, %get3A_436] {strides = array<i32>} : memref<16x64xi32, #tpu.memory_space<vmem>>, vector<16xi32>,
      tpu.vector_store_idx %arg14[%get3A_437], %broadcast_in_dim3A_55 {add = true} : memref<10240xf32, #tpu.memory_space<vmem>>[vector<16xi32>], vector<16xf32>,
      %dma_start3A_438 = arith.constant 12 : i32
      %dma_start3A_439 = arith.constant 0 : i32
      %dma_start3A_440 = tpu.memref_slice %arg8[%dma_start3A_438, %dma_start3A_439] : memref<16x64xi32, #tpu.memory_space<vmem>> -> memref<1x64xi32, #tpu.memory_space<vmem>>
      %dma_start3A_441 = tpu.memref_squeeze %dma_start3A_440 : memref<1x64xi32, #tpu.memory_space<vmem>> -> memref<64xi32, #tpu.memory_space<vmem>>
      %dma_start3A_442 = arith.constant 0 : i32
      %dma_start3A_443 = arith.constant 0 : i32
      %dma_start3A_444 = tpu.memref_slice %arg2[%dma_start3A_442, %dma_start3A_443] : memref<10240x128xf32, #tpu.memory_space<hbm>> -> memref<10240x128xf32, #tpu.memory_space<hbm>>
      tpu.enqueue_indirect_dma source(%dma_start3A_444 : memref<10240x128xf32, #tpu.memory_space<hbm>>) target(%arg10 : memref<64x128xf32, #tpu.memory_space<vmem>>) offsets(%dma_start3A_441 : memref<64xi32, #tpu.memory_space<vmem>>) semaphore(%arg16 : memref<!tpu.dma_semaphore, #tpu.memory_space<semaphore_mem>>)
      %run_scoped3A_445 = arith.constant 9 : i32
      "tpu.region"() ({
        %run_scoped3A_611 = tpu.sem_alloc : memref<!tpu.dma_semaphore, #tpu.memory_space<semaphore_mem>>
        %dma_start3A_612 = arith.constant 0 : i32
        %dma_start3A_613 = tpu.memref_slice %arg9[%run_scoped3A_445, %dma_start3A_612] : memref<16x64xi32, #tpu.memory_space<vmem>> -> memref<1x64xi32, #tpu.memory_space<vmem>>
        %dma_start3A_614 = tpu.memref_squeeze %dma_start3A_613 : memref<1x64xi32, #tpu.memory_space<vmem>> -> memref<64xi32, #tpu.memory_space<vmem>>
        %dma_start3A_615 = arith.constant 0 : i32
        %dma_start3A_616 = arith.constant 0 : i32
        %dma_start3A_617 = tpu.memref_slice %arg15[%dma_start3A_615, %dma_start3A_616] : memref<10240x128xf32, #tpu.memory_space<vmem_shared>> -> memref<10240x128xf32, #tpu.memory_space<vmem_shared>>
        tpu.enqueue_indirect_dma source(%arg11 : memref<64x128xf32, #tpu.memory_space<vmem>>) target(%dma_start3A_617 : memref<10240x128xf32, #tpu.memory_space<vmem_shared>>) offsets(%dma_start3A_614 : memref<64xi32, #tpu.memory_space<vmem>>) semaphore(%run_scoped3A_611 : memref<!tpu.dma_semaphore, #tpu.memory_space<semaphore_mem>>) {add = true}
        %dma_wait3A_618 = arith.constant 0 : i32
        %dma_wait3A_619 = tpu.memref_slice %arg9[%run_scoped3A_445, %dma_wait3A_618] : memref<16x64xi32, #tpu.memory_space<vmem>> -> memref<1x64xi32, #tpu.memory_space<vmem>>
        %dma_wait3A_620 = tpu.memref_squeeze %dma_wait3A_619 : memref<1x64xi32, #tpu.memory_space<vmem>> -> memref<64xi32, #tpu.memory_space<vmem>>
        %dma_wait3A_621 = arith.constant 0 : i32
        %dma_wait3A_622 = arith.constant 0 : i32
        %dma_wait3A_623 = tpu.memref_slice %arg15[%dma_wait3A_621, %dma_wait3A_622] : memref<10240x128xf32, #tpu.memory_space<vmem_shared>> -> memref<10240x128xf32, #tpu.memory_space<vmem_shared>>
        tpu.wait_indirect_dma semaphore(%run_scoped3A_611 : memref<!tpu.dma_semaphore, #tpu.memory_space<semaphore_mem>>) src(%arg11 : memref<64x128xf32, #tpu.memory_space<vmem>>) dst(%dma_wait3A_623 : memref<10240x128xf32, #tpu.memory_space<vmem_shared>>)
        tpu.yield
      }) : () -> ()
      %dma_wait3A_446 = arith.constant 10 : i32
      %dma_wait3A_447 = arith.constant 0 : i32
      %dma_wait3A_448 = tpu.memref_slice %arg8[%dma_wait3A_446, %dma_wait3A_447] : memref<16x64xi32, #tpu.memory_space<vmem>> -> memref<1x64xi32, #tpu.memory_space<vmem>>
      %dma_wait3A_449 = tpu.memref_squeeze %dma_wait3A_448 : memref<1x64xi32, #tpu.memory_space<vmem>> -> memref<64xi32, #tpu.memory_space<vmem>>
      %dma_wait3A_450 = arith.constant 0 : i32
      %dma_wait3A_451 = arith.constant 0 : i32
      %dma_wait3A_452 = tpu.memref_slice %arg2[%dma_wait3A_450, %dma_wait3A_451] : memref<10240x128xf32, #tpu.memory_space<hbm>> -> memref<10240x128xf32, #tpu.memory_space<hbm>>
      tpu.wait_indirect_dma semaphore(%arg18 : memref<!tpu.dma_semaphore, #tpu.memory_space<semaphore_mem>>) src(%dma_wait3A_452 : memref<10240x128xf32, #tpu.memory_space<hbm>>) dst(%arg12 : memref<64x128xf32, #tpu.memory_space<vmem>>)
      %get3A_453 = arith.constant 10 : i32
      %get3A_454 = arith.index_cast %get3A_453 : i32 to index
      %get3A_455 = arith.constant 0 : index
      %get3A_456 = tpu.vector_load %arg9[%get3A_454, %get3A_455] {strides = array<i32>} : memref<16x64xi32, #tpu.memory_space<vmem>>, vector<16xi32>,
      tpu.vector_store_idx %arg14[%get3A_456], %broadcast_in_dim3A_55 {add = true} : memref<10240xf32, #tpu.memory_space<vmem>>[vector<16xi32>], vector<16xf32>,
      %get3A_457 = arith.constant 10 : i32
      %get3A_458 = arith.index_cast %get3A_457 : i32 to index
      %get3A_459 = arith.constant 16 : index
      %get3A_460 = tpu.vector_load %arg9[%get3A_458, %get3A_459] {strides = array<i32>} : memref<16x64xi32, #tpu.memory_space<vmem>>, vector<16xi32>,
      tpu.vector_store_idx %arg14[%get3A_460], %broadcast_in_dim3A_55 {add = true} : memref<10240xf32, #tpu.memory_space<vmem>>[vector<16xi32>], vector<16xf32>,
      %get3A_461 = arith.constant 10 : i32
      %get3A_462 = arith.index_cast %get3A_461 : i32 to index
      %get3A_463 = arith.constant 32 : index
      %get3A_464 = tpu.vector_load %arg9[%get3A_462, %get3A_463] {strides = array<i32>} : memref<16x64xi32, #tpu.memory_space<vmem>>, vector<16xi32>,
      tpu.vector_store_idx %arg14[%get3A_464], %broadcast_in_dim3A_55 {add = true} : memref<10240xf32, #tpu.memory_space<vmem>>[vector<16xi32>], vector<16xf32>,
      %get3A_465 = arith.constant 10 : i32
      %get3A_466 = arith.index_cast %get3A_465 : i32 to index
      %get3A_467 = arith.constant 48 : index
      %get3A_468 = tpu.vector_load %arg9[%get3A_466, %get3A_467] {strides = array<i32>} : memref<16x64xi32, #tpu.memory_space<vmem>>, vector<16xi32>,
      tpu.vector_store_idx %arg14[%get3A_468], %broadcast_in_dim3A_55 {add = true} : memref<10240xf32, #tpu.memory_space<vmem>>[vector<16xi32>], vector<16xf32>,
      %dma_start3A_469 = arith.constant 13 : i32
      %dma_start3A_470 = arith.constant 0 : i32
      %dma_start3A_471 = tpu.memref_slice %arg8[%dma_start3A_469, %dma_start3A_470] : memref<16x64xi32, #tpu.memory_space<vmem>> -> memref<1x64xi32, #tpu.memory_space<vmem>>
      %dma_start3A_472 = tpu.memref_squeeze %dma_start3A_471 : memref<1x64xi32, #tpu.memory_space<vmem>> -> memref<64xi32, #tpu.memory_space<vmem>>
      %dma_start3A_473 = arith.constant 0 : i32
      %dma_start3A_474 = arith.constant 0 : i32
      %dma_start3A_475 = tpu.memref_slice %arg2[%dma_start3A_473, %dma_start3A_474] : memref<10240x128xf32, #tpu.memory_space<hbm>> -> memref<10240x128xf32, #tpu.memory_space<hbm>>
      tpu.enqueue_indirect_dma source(%dma_start3A_475 : memref<10240x128xf32, #tpu.memory_space<hbm>>) target(%arg11 : memref<64x128xf32, #tpu.memory_space<vmem>>) offsets(%dma_start3A_472 : memref<64xi32, #tpu.memory_space<vmem>>) semaphore(%arg17 : memref<!tpu.dma_semaphore, #tpu.memory_space<semaphore_mem>>)
      %run_scoped3A_476 = arith.constant 10 : i32
      "tpu.region"() ({
        %run_scoped3A_611 = tpu.sem_alloc : memref<!tpu.dma_semaphore, #tpu.memory_space<semaphore_mem>>
        %dma_start3A_612 = arith.constant 0 : i32
        %dma_start3A_613 = tpu.memref_slice %arg9[%run_scoped3A_476, %dma_start3A_612] : memref<16x64xi32, #tpu.memory_space<vmem>> -> memref<1x64xi32, #tpu.memory_space<vmem>>
        %dma_start3A_614 = tpu.memref_squeeze %dma_start3A_613 : memref<1x64xi32, #tpu.memory_space<vmem>> -> memref<64xi32, #tpu.memory_space<vmem>>
        %dma_start3A_615 = arith.constant 0 : i32
        %dma_start3A_616 = arith.constant 0 : i32
        %dma_start3A_617 = tpu.memref_slice %arg15[%dma_start3A_615, %dma_start3A_616] : memref<10240x128xf32, #tpu.memory_space<vmem_shared>> -> memref<10240x128xf32, #tpu.memory_space<vmem_shared>>
        tpu.enqueue_indirect_dma source(%arg12 : memref<64x128xf32, #tpu.memory_space<vmem>>) target(%dma_start3A_617 : memref<10240x128xf32, #tpu.memory_space<vmem_shared>>) offsets(%dma_start3A_614 : memref<64xi32, #tpu.memory_space<vmem>>) semaphore(%run_scoped3A_611 : memref<!tpu.dma_semaphore, #tpu.memory_space<semaphore_mem>>) {add = true}
        %dma_wait3A_618 = arith.constant 0 : i32
        %dma_wait3A_619 = tpu.memref_slice %arg9[%run_scoped3A_476, %dma_wait3A_618] : memref<16x64xi32, #tpu.memory_space<vmem>> -> memref<1x64xi32, #tpu.memory_space<vmem>>
        %dma_wait3A_620 = tpu.memref_squeeze %dma_wait3A_619 : memref<1x64xi32, #tpu.memory_space<vmem>> -> memref<64xi32, #tpu.memory_space<vmem>>
        %dma_wait3A_621 = arith.constant 0 : i32
        %dma_wait3A_622 = arith.constant 0 : i32
        %dma_wait3A_623 = tpu.memref_slice %arg15[%dma_wait3A_621, %dma_wait3A_622] : memref<10240x128xf32, #tpu.memory_space<vmem_shared>> -> memref<10240x128xf32, #tpu.memory_space<vmem_shared>>
        tpu.wait_indirect_dma semaphore(%run_scoped3A_611 : memref<!tpu.dma_semaphore, #tpu.memory_space<semaphore_mem>>) src(%arg12 : memref<64x128xf32, #tpu.memory_space<vmem>>) dst(%dma_wait3A_623 : memref<10240x128xf32, #tpu.memory_space<vmem_shared>>)
        tpu.yield
      }) : () -> ()
      %dma_wait3A_477 = arith.constant 11 : i32
      %dma_wait3A_478 = arith.constant 0 : i32
      %dma_wait3A_479 = tpu.memref_slice %arg8[%dma_wait3A_477, %dma_wait3A_478] : memref<16x64xi32, #tpu.memory_space<vmem>> -> memref<1x64xi32, #tpu.memory_space<vmem>>
      %dma_wait3A_480 = tpu.memref_squeeze %dma_wait3A_479 : memref<1x64xi32, #tpu.memory_space<vmem>> -> memref<64xi32, #tpu.memory_space<vmem>>
      %dma_wait3A_481 = arith.constant 0 : i32
      %dma_wait3A_482 = arith.constant 0 : i32
      %dma_wait3A_483 = tpu.memref_slice %arg2[%dma_wait3A_481, %dma_wait3A_482] : memref<10240x128xf32, #tpu.memory_space<hbm>> -> memref<10240x128xf32, #tpu.memory_space<hbm>>
      tpu.wait_indirect_dma semaphore(%arg19 : memref<!tpu.dma_semaphore, #tpu.memory_space<semaphore_mem>>) src(%dma_wait3A_483 : memref<10240x128xf32, #tpu.memory_space<hbm>>) dst(%arg13 : memref<64x128xf32, #tpu.memory_space<vmem>>)
      %get3A_484 = arith.constant 11 : i32
      %get3A_485 = arith.index_cast %get3A_484 : i32 to index
      %get3A_486 = arith.constant 0 : index
      %get3A_487 = tpu.vector_load %arg9[%get3A_485, %get3A_486] {strides = array<i32>} : memref<16x64xi32, #tpu.memory_space<vmem>>, vector<16xi32>,
      tpu.vector_store_idx %arg14[%get3A_487], %broadcast_in_dim3A_55 {add = true} : memref<10240xf32, #tpu.memory_space<vmem>>[vector<16xi32>], vector<16xf32>,
      %get3A_488 = arith.constant 11 : i32
      %get3A_489 = arith.index_cast %get3A_488 : i32 to index
      %get3A_490 = arith.constant 16 : index
      %get3A_491 = tpu.vector_load %arg9[%get3A_489, %get3A_490] {strides = array<i32>} : memref<16x64xi32, #tpu.memory_space<vmem>>, vector<16xi32>,
      tpu.vector_store_idx %arg14[%get3A_491], %broadcast_in_dim3A_55 {add = true} : memref<10240xf32, #tpu.memory_space<vmem>>[vector<16xi32>], vector<16xf32>,
      %get3A_492 = arith.constant 11 : i32
      %get3A_493 = arith.index_cast %get3A_492 : i32 to index
      %get3A_494 = arith.constant 32 : index
      %get3A_495 = tpu.vector_load %arg9[%get3A_493, %get3A_494] {strides = array<i32>} : memref<16x64xi32, #tpu.memory_space<vmem>>, vector<16xi32>,
      tpu.vector_store_idx %arg14[%get3A_495], %broadcast_in_dim3A_55 {add = true} : memref<10240xf32, #tpu.memory_space<vmem>>[vector<16xi32>], vector<16xf32>,
      %get3A_496 = arith.constant 11 : i32
      %get3A_497 = arith.index_cast %get3A_496 : i32 to index
      %get3A_498 = arith.constant 48 : index
      %get3A_499 = tpu.vector_load %arg9[%get3A_497, %get3A_498] {strides = array<i32>} : memref<16x64xi32, #tpu.memory_space<vmem>>, vector<16xi32>,
      tpu.vector_store_idx %arg14[%get3A_499], %broadcast_in_dim3A_55 {add = true} : memref<10240xf32, #tpu.memory_space<vmem>>[vector<16xi32>], vector<16xf32>,
      %dma_start3A_500 = arith.constant 14 : i32
      %dma_start3A_501 = arith.constant 0 : i32
      %dma_start3A_502 = tpu.memref_slice %arg8[%dma_start3A_500, %dma_start3A_501] : memref<16x64xi32, #tpu.memory_space<vmem>> -> memref<1x64xi32, #tpu.memory_space<vmem>>
      %dma_start3A_503 = tpu.memref_squeeze %dma_start3A_502 : memref<1x64xi32, #tpu.memory_space<vmem>> -> memref<64xi32, #tpu.memory_space<vmem>>
      %dma_start3A_504 = arith.constant 0 : i32
      %dma_start3A_505 = arith.constant 0 : i32
      %dma_start3A_506 = tpu.memref_slice %arg2[%dma_start3A_504, %dma_start3A_505] : memref<10240x128xf32, #tpu.memory_space<hbm>> -> memref<10240x128xf32, #tpu.memory_space<hbm>>
      tpu.enqueue_indirect_dma source(%dma_start3A_506 : memref<10240x128xf32, #tpu.memory_space<hbm>>) target(%arg12 : memref<64x128xf32, #tpu.memory_space<vmem>>) offsets(%dma_start3A_503 : memref<64xi32, #tpu.memory_space<vmem>>) semaphore(%arg18 : memref<!tpu.dma_semaphore, #tpu.memory_space<semaphore_mem>>)
      %run_scoped3A_507 = arith.constant 11 : i32
      "tpu.region"() ({
        %run_scoped3A_611 = tpu.sem_alloc : memref<!tpu.dma_semaphore, #tpu.memory_space<semaphore_mem>>
        %dma_start3A_612 = arith.constant 0 : i32
        %dma_start3A_613 = tpu.memref_slice %arg9[%run_scoped3A_507, %dma_start3A_612] : memref<16x64xi32, #tpu.memory_space<vmem>> -> memref<1x64xi32, #tpu.memory_space<vmem>>
        %dma_start3A_614 = tpu.memref_squeeze %dma_start3A_613 : memref<1x64xi32, #tpu.memory_space<vmem>> -> memref<64xi32, #tpu.memory_space<vmem>>
        %dma_start3A_615 = arith.constant 0 : i32
        %dma_start3A_616 = arith.constant 0 : i32
        %dma_start3A_617 = tpu.memref_slice %arg15[%dma_start3A_615, %dma_start3A_616] : memref<10240x128xf32, #tpu.memory_space<vmem_shared>> -> memref<10240x128xf32, #tpu.memory_space<vmem_shared>>
        tpu.enqueue_indirect_dma source(%arg13 : memref<64x128xf32, #tpu.memory_space<vmem>>) target(%dma_start3A_617 : memref<10240x128xf32, #tpu.memory_space<vmem_shared>>) offsets(%dma_start3A_614 : memref<64xi32, #tpu.memory_space<vmem>>) semaphore(%run_scoped3A_611 : memref<!tpu.dma_semaphore, #tpu.memory_space<semaphore_mem>>) {add = true}
        %dma_wait3A_618 = arith.constant 0 : i32
        %dma_wait3A_619 = tpu.memref_slice %arg9[%run_scoped3A_507, %dma_wait3A_618] : memref<16x64xi32, #tpu.memory_space<vmem>> -> memref<1x64xi32, #tpu.memory_space<vmem>>
        %dma_wait3A_620 = tpu.memref_squeeze %dma_wait3A_619 : memref<1x64xi32, #tpu.memory_space<vmem>> -> memref<64xi32, #tpu.memory_space<vmem>>
        %dma_wait3A_621 = arith.constant 0 : i32
        %dma_wait3A_622 = arith.constant 0 : i32
        %dma_wait3A_623 = tpu.memref_slice %arg15[%dma_wait3A_621, %dma_wait3A_622] : memref<10240x128xf32, #tpu.memory_space<vmem_shared>> -> memref<10240x128xf32, #tpu.memory_space<vmem_shared>>
        tpu.wait_indirect_dma semaphore(%run_scoped3A_611 : memref<!tpu.dma_semaphore, #tpu.memory_space<semaphore_mem>>) src(%arg13 : memref<64x128xf32, #tpu.memory_space<vmem>>) dst(%dma_wait3A_623 : memref<10240x128xf32, #tpu.memory_space<vmem_shared>>)
        tpu.yield
      }) : () -> ()
      %dma_wait3A_508 = arith.constant 12 : i32
      %dma_wait3A_509 = arith.constant 0 : i32
      %dma_wait3A_510 = tpu.memref_slice %arg8[%dma_wait3A_508, %dma_wait3A_509] : memref<16x64xi32, #tpu.memory_space<vmem>> -> memref<1x64xi32, #tpu.memory_space<vmem>>
      %dma_wait3A_511 = tpu.memref_squeeze %dma_wait3A_510 : memref<1x64xi32, #tpu.memory_space<vmem>> -> memref<64xi32, #tpu.memory_space<vmem>>
      %dma_wait3A_512 = arith.constant 0 : i32
      %dma_wait3A_513 = arith.constant 0 : i32
      %dma_wait3A_514 = tpu.memref_slice %arg2[%dma_wait3A_512, %dma_wait3A_513] : memref<10240x128xf32, #tpu.memory_space<hbm>> -> memref<10240x128xf32, #tpu.memory_space<hbm>>
      tpu.wait_indirect_dma semaphore(%arg16 : memref<!tpu.dma_semaphore, #tpu.memory_space<semaphore_mem>>) src(%dma_wait3A_514 : memref<10240x128xf32, #tpu.memory_space<hbm>>) dst(%arg10 : memref<64x128xf32, #tpu.memory_space<vmem>>)
      %get3A_515 = arith.constant 12 : i32
      %get3A_516 = arith.index_cast %get3A_515 : i32 to index
      %get3A_517 = arith.constant 0 : index
      %get3A_518 = tpu.vector_load %arg9[%get3A_516, %get3A_517] {strides = array<i32>} : memref<16x64xi32, #tpu.memory_space<vmem>>, vector<16xi32>,
      tpu.vector_store_idx %arg14[%get3A_518], %broadcast_in_dim3A_55 {add = true} : memref<10240xf32, #tpu.memory_space<vmem>>[vector<16xi32>], vector<16xf32>,
      %get3A_519 = arith.constant 12 : i32
      %get3A_520 = arith.index_cast %get3A_519 : i32 to index
      %get3A_521 = arith.constant 16 : index
      %get3A_522 = tpu.vector_load %arg9[%get3A_520, %get3A_521] {strides = array<i32>} : memref<16x64xi32, #tpu.memory_space<vmem>>, vector<16xi32>,
      tpu.vector_store_idx %arg14[%get3A_522], %broadcast_in_dim3A_55 {add = true} : memref<10240xf32, #tpu.memory_space<vmem>>[vector<16xi32>], vector<16xf32>,
      %get3A_523 = arith.constant 12 : i32
      %get3A_524 = arith.index_cast %get3A_523 : i32 to index
      %get3A_525 = arith.constant 32 : index
      %get3A_526 = tpu.vector_load %arg9[%get3A_524, %get3A_525] {strides = array<i32>} : memref<16x64xi32, #tpu.memory_space<vmem>>, vector<16xi32>,
      tpu.vector_store_idx %arg14[%get3A_526], %broadcast_in_dim3A_55 {add = true} : memref<10240xf32, #tpu.memory_space<vmem>>[vector<16xi32>], vector<16xf32>,
      %get3A_527 = arith.constant 12 : i32
      %get3A_528 = arith.index_cast %get3A_527 : i32 to index
      %get3A_529 = arith.constant 48 : index
      %get3A_530 = tpu.vector_load %arg9[%get3A_528, %get3A_529] {strides = array<i32>} : memref<16x64xi32, #tpu.memory_space<vmem>>, vector<16xi32>,
      tpu.vector_store_idx %arg14[%get3A_530], %broadcast_in_dim3A_55 {add = true} : memref<10240xf32, #tpu.memory_space<vmem>>[vector<16xi32>], vector<16xf32>,
      %dma_start3A_531 = arith.constant 15 : i32
      %dma_start3A_532 = arith.constant 0 : i32
      %dma_start3A_533 = tpu.memref_slice %arg8[%dma_start3A_531, %dma_start3A_532] : memref<16x64xi32, #tpu.memory_space<vmem>> -> memref<1x64xi32, #tpu.memory_space<vmem>>
      %dma_start3A_534 = tpu.memref_squeeze %dma_start3A_533 : memref<1x64xi32, #tpu.memory_space<vmem>> -> memref<64xi32, #tpu.memory_space<vmem>>
      %dma_start3A_535 = arith.constant 0 : i32
      %dma_start3A_536 = arith.constant 0 : i32
      %dma_start3A_537 = tpu.memref_slice %arg2[%dma_start3A_535, %dma_start3A_536] : memref<10240x128xf32, #tpu.memory_space<hbm>> -> memref<10240x128xf32, #tpu.memory_space<hbm>>
      tpu.enqueue_indirect_dma source(%dma_start3A_537 : memref<10240x128xf32, #tpu.memory_space<hbm>>) target(%arg13 : memref<64x128xf32, #tpu.memory_space<vmem>>) offsets(%dma_start3A_534 : memref<64xi32, #tpu.memory_space<vmem>>) semaphore(%arg19 : memref<!tpu.dma_semaphore, #tpu.memory_space<semaphore_mem>>)
      %run_scoped3A_538 = arith.constant 12 : i32
      "tpu.region"() ({
        %run_scoped3A_611 = tpu.sem_alloc : memref<!tpu.dma_semaphore, #tpu.memory_space<semaphore_mem>>
        %dma_start3A_612 = arith.constant 0 : i32
        %dma_start3A_613 = tpu.memref_slice %arg9[%run_scoped3A_538, %dma_start3A_612] : memref<16x64xi32, #tpu.memory_space<vmem>> -> memref<1x64xi32, #tpu.memory_space<vmem>>
        %dma_start3A_614 = tpu.memref_squeeze %dma_start3A_613 : memref<1x64xi32, #tpu.memory_space<vmem>> -> memref<64xi32, #tpu.memory_space<vmem>>
        %dma_start3A_615 = arith.constant 0 : i32
        %dma_start3A_616 = arith.constant 0 : i32
        %dma_start3A_617 = tpu.memref_slice %arg15[%dma_start3A_615, %dma_start3A_616] : memref<10240x128xf32, #tpu.memory_space<vmem_shared>> -> memref<10240x128xf32, #tpu.memory_space<vmem_shared>>
        tpu.enqueue_indirect_dma source(%arg10 : memref<64x128xf32, #tpu.memory_space<vmem>>) target(%dma_start3A_617 : memref<10240x128xf32, #tpu.memory_space<vmem_shared>>) offsets(%dma_start3A_614 : memref<64xi32, #tpu.memory_space<vmem>>) semaphore(%run_scoped3A_611 : memref<!tpu.dma_semaphore, #tpu.memory_space<semaphore_mem>>) {add = true}
        %dma_wait3A_618 = arith.constant 0 : i32
        %dma_wait3A_619 = tpu.memref_slice %arg9[%run_scoped3A_538, %dma_wait3A_618] : memref<16x64xi32, #tpu.memory_space<vmem>> -> memref<1x64xi32, #tpu.memory_space<vmem>>
        %dma_wait3A_620 = tpu.memref_squeeze %dma_wait3A_619 : memref<1x64xi32, #tpu.memory_space<vmem>> -> memref<64xi32, #tpu.memory_space<vmem>>
        %dma_wait3A_621 = arith.constant 0 : i32
        %dma_wait3A_622 = arith.constant 0 : i32
        %dma_wait3A_623 = tpu.memref_slice %arg15[%dma_wait3A_621, %dma_wait3A_622] : memref<10240x128xf32, #tpu.memory_space<vmem_shared>> -> memref<10240x128xf32, #tpu.memory_space<vmem_shared>>
        tpu.wait_indirect_dma semaphore(%run_scoped3A_611 : memref<!tpu.dma_semaphore, #tpu.memory_space<semaphore_mem>>) src(%arg10 : memref<64x128xf32, #tpu.memory_space<vmem>>) dst(%dma_wait3A_623 : memref<10240x128xf32, #tpu.memory_space<vmem_shared>>)
        tpu.yield
      }) : () -> ()
      %dma_wait3A_539 = arith.constant 13 : i32
      %dma_wait3A_540 = arith.constant 0 : i32
      %dma_wait3A_541 = tpu.memref_slice %arg8[%dma_wait3A_539, %dma_wait3A_540] : memref<16x64xi32, #tpu.memory_space<vmem>> -> memref<1x64xi32, #tpu.memory_space<vmem>>
      %dma_wait3A_542 = tpu.memref_squeeze %dma_wait3A_541 : memref<1x64xi32, #tpu.memory_space<vmem>> -> memref<64xi32, #tpu.memory_space<vmem>>
      %dma_wait3A_543 = arith.constant 0 : i32
      %dma_wait3A_544 = arith.constant 0 : i32
      %dma_wait3A_545 = tpu.memref_slice %arg2[%dma_wait3A_543, %dma_wait3A_544] : memref<10240x128xf32, #tpu.memory_space<hbm>> -> memref<10240x128xf32, #tpu.memory_space<hbm>>
      tpu.wait_indirect_dma semaphore(%arg17 : memref<!tpu.dma_semaphore, #tpu.memory_space<semaphore_mem>>) src(%dma_wait3A_545 : memref<10240x128xf32, #tpu.memory_space<hbm>>) dst(%arg11 : memref<64x128xf32, #tpu.memory_space<vmem>>)
      %get3A_546 = arith.constant 13 : i32
      %get3A_547 = arith.index_cast %get3A_546 : i32 to index
      %get3A_548 = arith.constant 0 : index
      %get3A_549 = tpu.vector_load %arg9[%get3A_547, %get3A_548] {strides = array<i32>} : memref<16x64xi32, #tpu.memory_space<vmem>>, vector<16xi32>,
      tpu.vector_store_idx %arg14[%get3A_549], %broadcast_in_dim3A_55 {add = true} : memref<10240xf32, #tpu.memory_space<vmem>>[vector<16xi32>], vector<16xf32>,
      %get3A_550 = arith.constant 13 : i32
      %get3A_551 = arith.index_cast %get3A_550 : i32 to index
      %get3A_552 = arith.constant 16 : index
      %get3A_553 = tpu.vector_load %arg9[%get3A_551, %get3A_552] {strides = array<i32>} : memref<16x64xi32, #tpu.memory_space<vmem>>, vector<16xi32>,
      tpu.vector_store_idx %arg14[%get3A_553], %broadcast_in_dim3A_55 {add = true} : memref<10240xf32, #tpu.memory_space<vmem>>[vector<16xi32>], vector<16xf32>,
      %get3A_554 = arith.constant 13 : i32
      %get3A_555 = arith.index_cast %get3A_554 : i32 to index
      %get3A_556 = arith.constant 32 : index
      %get3A_557 = tpu.vector_load %arg9[%get3A_555, %get3A_556] {strides = array<i32>} : memref<16x64xi32, #tpu.memory_space<vmem>>, vector<16xi32>,
      tpu.vector_store_idx %arg14[%get3A_557], %broadcast_in_dim3A_55 {add = true} : memref<10240xf32, #tpu.memory_space<vmem>>[vector<16xi32>], vector<16xf32>,
      %get3A_558 = arith.constant 13 : i32
      %get3A_559 = arith.index_cast %get3A_558 : i32 to index
      %get3A_560 = arith.constant 48 : index
      %get3A_561 = tpu.vector_load %arg9[%get3A_559, %get3A_560] {strides = array<i32>} : memref<16x64xi32, #tpu.memory_space<vmem>>, vector<16xi32>,
      tpu.vector_store_idx %arg14[%get3A_561], %broadcast_in_dim3A_55 {add = true} : memref<10240xf32, #tpu.memory_space<vmem>>[vector<16xi32>], vector<16xf32>,
      %run_scoped3A_562 = arith.constant 13 : i32
      "tpu.region"() ({
        %run_scoped3A_611 = tpu.sem_alloc : memref<!tpu.dma_semaphore, #tpu.memory_space<semaphore_mem>>
        %dma_start3A_612 = arith.constant 0 : i32
        %dma_start3A_613 = tpu.memref_slice %arg9[%run_scoped3A_562, %dma_start3A_612] : memref<16x64xi32, #tpu.memory_space<vmem>> -> memref<1x64xi32, #tpu.memory_space<vmem>>
        %dma_start3A_614 = tpu.memref_squeeze %dma_start3A_613 : memref<1x64xi32, #tpu.memory_space<vmem>> -> memref<64xi32, #tpu.memory_space<vmem>>
        %dma_start3A_615 = arith.constant 0 : i32
        %dma_start3A_616 = arith.constant 0 : i32
        %dma_start3A_617 = tpu.memref_slice %arg15[%dma_start3A_615, %dma_start3A_616] : memref<10240x128xf32, #tpu.memory_space<vmem_shared>> -> memref<10240x128xf32, #tpu.memory_space<vmem_shared>>
        tpu.enqueue_indirect_dma source(%arg11 : memref<64x128xf32, #tpu.memory_space<vmem>>) target(%dma_start3A_617 : memref<10240x128xf32, #tpu.memory_space<vmem_shared>>) offsets(%dma_start3A_614 : memref<64xi32, #tpu.memory_space<vmem>>) semaphore(%run_scoped3A_611 : memref<!tpu.dma_semaphore, #tpu.memory_space<semaphore_mem>>) {add = true}
        %dma_wait3A_618 = arith.constant 0 : i32
        %dma_wait3A_619 = tpu.memref_slice %arg9[%run_scoped3A_562, %dma_wait3A_618] : memref<16x64xi32, #tpu.memory_space<vmem>> -> memref<1x64xi32, #tpu.memory_space<vmem>>
        %dma_wait3A_620 = tpu.memref_squeeze %dma_wait3A_619 : memref<1x64xi32, #tpu.memory_space<vmem>> -> memref<64xi32, #tpu.memory_space<vmem>>
        %dma_wait3A_621 = arith.constant 0 : i32
        %dma_wait3A_622 = arith.constant 0 : i32
        %dma_wait3A_623 = tpu.memref_slice %arg15[%dma_wait3A_621, %dma_wait3A_622] : memref<10240x128xf32, #tpu.memory_space<vmem_shared>> -> memref<10240x128xf32, #tpu.memory_space<vmem_shared>>
        tpu.wait_indirect_dma semaphore(%run_scoped3A_611 : memref<!tpu.dma_semaphore, #tpu.memory_space<semaphore_mem>>) src(%arg11 : memref<64x128xf32, #tpu.memory_space<vmem>>) dst(%dma_wait3A_623 : memref<10240x128xf32, #tpu.memory_space<vmem_shared>>)
        tpu.yield
      }) : () -> ()
      %dma_wait3A_563 = arith.constant 14 : i32
      %dma_wait3A_564 = arith.constant 0 : i32
      %dma_wait3A_565 = tpu.memref_slice %arg8[%dma_wait3A_563, %dma_wait3A_564] : memref<16x64xi32, #tpu.memory_space<vmem>> -> memref<1x64xi32, #tpu.memory_space<vmem>>
      %dma_wait3A_566 = tpu.memref_squeeze %dma_wait3A_565 : memref<1x64xi32, #tpu.memory_space<vmem>> -> memref<64xi32, #tpu.memory_space<vmem>>
      %dma_wait3A_567 = arith.constant 0 : i32
      %dma_wait3A_568 = arith.constant 0 : i32
      %dma_wait3A_569 = tpu.memref_slice %arg2[%dma_wait3A_567, %dma_wait3A_568] : memref<10240x128xf32, #tpu.memory_space<hbm>> -> memref<10240x128xf32, #tpu.memory_space<hbm>>
      tpu.wait_indirect_dma semaphore(%arg18 : memref<!tpu.dma_semaphore, #tpu.memory_space<semaphore_mem>>) src(%dma_wait3A_569 : memref<10240x128xf32, #tpu.memory_space<hbm>>) dst(%arg12 : memref<64x128xf32, #tpu.memory_space<vmem>>)
      %get3A_570 = arith.constant 14 : i32
      %get3A_571 = arith.index_cast %get3A_570 : i32 to index
      %get3A_572 = arith.constant 0 : index
      %get3A_573 = tpu.vector_load %arg9[%get3A_571, %get3A_572] {strides = array<i32>} : memref<16x64xi32, #tpu.memory_space<vmem>>, vector<16xi32>,
      tpu.vector_store_idx %arg14[%get3A_573], %broadcast_in_dim3A_55 {add = true} : memref<10240xf32, #tpu.memory_space<vmem>>[vector<16xi32>], vector<16xf32>,
      %get3A_574 = arith.constant 14 : i32
      %get3A_575 = arith.index_cast %get3A_574 : i32 to index
      %get3A_576 = arith.constant 16 : index
      %get3A_577 = tpu.vector_load %arg9[%get3A_575, %get3A_576] {strides = array<i32>} : memref<16x64xi32, #tpu.memory_space<vmem>>, vector<16xi32>,
      tpu.vector_store_idx %arg14[%get3A_577], %broadcast_in_dim3A_55 {add = true} : memref<10240xf32, #tpu.memory_space<vmem>>[vector<16xi32>], vector<16xf32>,
      %get3A_578 = arith.constant 14 : i32
      %get3A_579 = arith.index_cast %get3A_578 : i32 to index
      %get3A_580 = arith.constant 32 : index
      %get3A_581 = tpu.vector_load %arg9[%get3A_579, %get3A_580] {strides = array<i32>} : memref<16x64xi32, #tpu.memory_space<vmem>>, vector<16xi32>,
      tpu.vector_store_idx %arg14[%get3A_581], %broadcast_in_dim3A_55 {add = true} : memref<10240xf32, #tpu.memory_space<vmem>>[vector<16xi32>], vector<16xf32>,
      %get3A_582 = arith.constant 14 : i32
      %get3A_583 = arith.index_cast %get3A_582 : i32 to index
      %get3A_584 = arith.constant 48 : index
      %get3A_585 = tpu.vector_load %arg9[%get3A_583, %get3A_584] {strides = array<i32>} : memref<16x64xi32, #tpu.memory_space<vmem>>, vector<16xi32>,
      tpu.vector_store_idx %arg14[%get3A_585], %broadcast_in_dim3A_55 {add = true} : memref<10240xf32, #tpu.memory_space<vmem>>[vector<16xi32>], vector<16xf32>,
      %run_scoped3A_586 = arith.constant 14 : i32
      "tpu.region"() ({
        %run_scoped3A_611 = tpu.sem_alloc : memref<!tpu.dma_semaphore, #tpu.memory_space<semaphore_mem>>
        %dma_start3A_612 = arith.constant 0 : i32
        %dma_start3A_613 = tpu.memref_slice %arg9[%run_scoped3A_586, %dma_start3A_612] : memref<16x64xi32, #tpu.memory_space<vmem>> -> memref<1x64xi32, #tpu.memory_space<vmem>>
        %dma_start3A_614 = tpu.memref_squeeze %dma_start3A_613 : memref<1x64xi32, #tpu.memory_space<vmem>> -> memref<64xi32, #tpu.memory_space<vmem>>
        %dma_start3A_615 = arith.constant 0 : i32
        %dma_start3A_616 = arith.constant 0 : i32
        %dma_start3A_617 = tpu.memref_slice %arg15[%dma_start3A_615, %dma_start3A_616] : memref<10240x128xf32, #tpu.memory_space<vmem_shared>> -> memref<10240x128xf32, #tpu.memory_space<vmem_shared>>
        tpu.enqueue_indirect_dma source(%arg12 : memref<64x128xf32, #tpu.memory_space<vmem>>) target(%dma_start3A_617 : memref<10240x128xf32, #tpu.memory_space<vmem_shared>>) offsets(%dma_start3A_614 : memref<64xi32, #tpu.memory_space<vmem>>) semaphore(%run_scoped3A_611 : memref<!tpu.dma_semaphore, #tpu.memory_space<semaphore_mem>>) {add = true}
        %dma_wait3A_618 = arith.constant 0 : i32
        %dma_wait3A_619 = tpu.memref_slice %arg9[%run_scoped3A_586, %dma_wait3A_618] : memref<16x64xi32, #tpu.memory_space<vmem>> -> memref<1x64xi32, #tpu.memory_space<vmem>>
        %dma_wait3A_620 = tpu.memref_squeeze %dma_wait3A_619 : memref<1x64xi32, #tpu.memory_space<vmem>> -> memref<64xi32, #tpu.memory_space<vmem>>
        %dma_wait3A_621 = arith.constant 0 : i32
        %dma_wait3A_622 = arith.constant 0 : i32
        %dma_wait3A_623 = tpu.memref_slice %arg15[%dma_wait3A_621, %dma_wait3A_622] : memref<10240x128xf32, #tpu.memory_space<vmem_shared>> -> memref<10240x128xf32, #tpu.memory_space<vmem_shared>>
        tpu.wait_indirect_dma semaphore(%run_scoped3A_611 : memref<!tpu.dma_semaphore, #tpu.memory_space<semaphore_mem>>) src(%arg12 : memref<64x128xf32, #tpu.memory_space<vmem>>) dst(%dma_wait3A_623 : memref<10240x128xf32, #tpu.memory_space<vmem_shared>>)
        tpu.yield
      }) : () -> ()
      %dma_wait3A_587 = arith.constant 15 : i32
      %dma_wait3A_588 = arith.constant 0 : i32
      %dma_wait3A_589 = tpu.memref_slice %arg8[%dma_wait3A_587, %dma_wait3A_588] : memref<16x64xi32, #tpu.memory_space<vmem>> -> memref<1x64xi32, #tpu.memory_space<vmem>>
      %dma_wait3A_590 = tpu.memref_squeeze %dma_wait3A_589 : memref<1x64xi32, #tpu.memory_space<vmem>> -> memref<64xi32, #tpu.memory_space<vmem>>
      %dma_wait3A_591 = arith.constant 0 : i32
      %dma_wait3A_592 = arith.constant 0 : i32
      %dma_wait3A_593 = tpu.memref_slice %arg2[%dma_wait3A_591, %dma_wait3A_592] : memref<10240x128xf32, #tpu.memory_space<hbm>> -> memref<10240x128xf32, #tpu.memory_space<hbm>>
      tpu.wait_indirect_dma semaphore(%arg19 : memref<!tpu.dma_semaphore, #tpu.memory_space<semaphore_mem>>) src(%dma_wait3A_593 : memref<10240x128xf32, #tpu.memory_space<hbm>>) dst(%arg13 : memref<64x128xf32, #tpu.memory_space<vmem>>)
      %get3A_594 = arith.constant 15 : i32
      %get3A_595 = arith.index_cast %get3A_594 : i32 to index
      %get3A_596 = arith.constant 0 : index
      %get3A_597 = tpu.vector_load %arg9[%get3A_595, %get3A_596] {strides = array<i32>} : memref<16x64xi32, #tpu.memory_space<vmem>>, vector<16xi32>,
      tpu.vector_store_idx %arg14[%get3A_597], %broadcast_in_dim3A_55 {add = true} : memref<10240xf32, #tpu.memory_space<vmem>>[vector<16xi32>], vector<16xf32>,
      %get3A_598 = arith.constant 15 : i32
      %get3A_599 = arith.index_cast %get3A_598 : i32 to index
      %get3A_600 = arith.constant 16 : index
      %get3A_601 = tpu.vector_load %arg9[%get3A_599, %get3A_600] {strides = array<i32>} : memref<16x64xi32, #tpu.memory_space<vmem>>, vector<16xi32>,
      tpu.vector_store_idx %arg14[%get3A_601], %broadcast_in_dim3A_55 {add = true} : memref<10240xf32, #tpu.memory_space<vmem>>[vector<16xi32>], vector<16xf32>,
      %get3A_602 = arith.constant 15 : i32
      %get3A_603 = arith.index_cast %get3A_602 : i32 to index
      %get3A_604 = arith.constant 32 : index
      %get3A_605 = tpu.vector_load %arg9[%get3A_603, %get3A_604] {strides = array<i32>} : memref<16x64xi32, #tpu.memory_space<vmem>>, vector<16xi32>,
      tpu.vector_store_idx %arg14[%get3A_605], %broadcast_in_dim3A_55 {add = true} : memref<10240xf32, #tpu.memory_space<vmem>>[vector<16xi32>], vector<16xf32>,
      %get3A_606 = arith.constant 15 : i32
      %get3A_607 = arith.index_cast %get3A_606 : i32 to index
      %get3A_608 = arith.constant 48 : index
      %get3A_609 = tpu.vector_load %arg9[%get3A_607, %get3A_608] {strides = array<i32>} : memref<16x64xi32, #tpu.memory_space<vmem>>, vector<16xi32>,
      tpu.vector_store_idx %arg14[%get3A_609], %broadcast_in_dim3A_55 {add = true} : memref<10240xf32, #tpu.memory_space<vmem>>[vector<16xi32>], vector<16xf32>,
      %run_scoped3A_610 = arith.constant 15 : i32
      "tpu.region"() ({
        %run_scoped3A_611 = tpu.sem_alloc : memref<!tpu.dma_semaphore, #tpu.memory_space<semaphore_mem>>
        %dma_start3A_612 = arith.constant 0 : i32
        %dma_start3A_613 = tpu.memref_slice %arg9[%run_scoped3A_610, %dma_start3A_612] : memref<16x64xi32, #tpu.memory_space<vmem>> -> memref<1x64xi32, #tpu.memory_space<vmem>>
        %dma_start3A_614 = tpu.memref_squeeze %dma_start3A_613 : memref<1x64xi32, #tpu.memory_space<vmem>> -> memref<64xi32, #tpu.memory_space<vmem>>
        %dma_start3A_615 = arith.constant 0 : i32
        %dma_start3A_616 = arith.constant 0 : i32
        %dma_start3A_617 = tpu.memref_slice %arg15[%dma_start3A_615, %dma_start3A_616] : memref<10240x128xf32, #tpu.memory_space<vmem_shared>> -> memref<10240x128xf32, #tpu.memory_space<vmem_shared>>
        tpu.enqueue_indirect_dma source(%arg13 : memref<64x128xf32, #tpu.memory_space<vmem>>) target(%dma_start3A_617 : memref<10240x128xf32, #tpu.memory_space<vmem_shared>>) offsets(%dma_start3A_614 : memref<64xi32, #tpu.memory_space<vmem>>) semaphore(%run_scoped3A_611 : memref<!tpu.dma_semaphore, #tpu.memory_space<semaphore_mem>>) {add = true}
        %dma_wait3A_618 = arith.constant 0 : i32
        %dma_wait3A_619 = tpu.memref_slice %arg9[%run_scoped3A_610, %dma_wait3A_618] : memref<16x64xi32, #tpu.memory_space<vmem>> -> memref<1x64xi32, #tpu.memory_space<vmem>>
        %dma_wait3A_620 = tpu.memref_squeeze %dma_wait3A_619 : memref<1x64xi32, #tpu.memory_space<vmem>> -> memref<64xi32, #tpu.memory_space<vmem>>
        %dma_wait3A_621 = arith.constant 0 : i32
        %dma_wait3A_622 = arith.constant 0 : i32
        %dma_wait3A_623 = tpu.memref_slice %arg15[%dma_wait3A_621, %dma_wait3A_622] : memref<10240x128xf32, #tpu.memory_space<vmem_shared>> -> memref<10240x128xf32, #tpu.memory_space<vmem_shared>>
        tpu.wait_indirect_dma semaphore(%run_scoped3A_611 : memref<!tpu.dma_semaphore, #tpu.memory_space<semaphore_mem>>) src(%arg13 : memref<64x128xf32, #tpu.memory_space<vmem>>) dst(%dma_wait3A_623 : memref<10240x128xf32, #tpu.memory_space<vmem_shared>>)
        tpu.yield
      }) : () -> ()
    }
    %scan3A_61 = arith.constant 10 : i32
    %barrier3A_62 = arith.constant 0 : index
    tpu.barrier barrier_id(%barrier3A_62)
    %mul3A_63 = arith.constant 640 : i32
    %mul3A_64 = arith.muli %arg1, %mul3A_63 : i32
    %add3A_65 = arith.constant 0 : i32
    %add3A_66 = arith.addi %mul3A_64, %add3A_65 : i32
    %multiple_of3A_67 = tpu.assume_multiple %add3A_66, 8 : i32
    "tpu.region"() ({
      %run_scoped3A = tpu.sem_alloc : memref<!tpu.dma_semaphore, #tpu.memory_space<semaphore_mem>>
      %dma_start3A = arith.constant 0 : i32
      %dma_start3A_113 = tpu.memref_slice %arg15[%multiple_of3A_67, %dma_start3A] : memref<10240x128xf32, #tpu.memory_space<vmem_shared>> -> memref<64x128xf32, #tpu.memory_space<vmem_shared>>
      %dma_start3A_114 = arith.constant 0 : i32
      %dma_start3A_115 = tpu.memref_slice %arg15[%multiple_of3A_67, %dma_start3A_114] : memref<10240x128xf32, #tpu.memory_space<vmem_shared>> -> memref<64x128xf32, #tpu.memory_space<vmem_shared>>
      tpu.enqueue_dma source(%dma_start3A_115 : memref<64x128xf32, #tpu.memory_space<vmem_shared>>) target(%arg10 : memref<64x128xf32, #tpu.memory_space<vmem>>) target_semaphore(%run_scoped3A : memref<!tpu.dma_semaphore, #tpu.memory_space<semaphore_mem>>)
      %dma_wait3A = arith.constant 0 : i32
      %dma_wait3A_116 = tpu.memref_slice %arg15[%multiple_of3A_67, %dma_wait3A] : memref<10240x128xf32, #tpu.memory_space<vmem_shared>> -> memref<64x128xf32, #tpu.memory_space<vmem_shared>>
      %dma_wait3A_117 = arith.constant 0 : i32
      %dma_wait3A_118 = tpu.memref_slice %arg15[%multiple_of3A_67, %dma_wait3A_117] : memref<10240x128xf32, #tpu.memory_space<vmem_shared>> -> memref<64x128xf32, #tpu.memory_space<vmem_shared>>
      tpu.wait_dma2 semaphore(%run_scoped3A : memref<!tpu.dma_semaphore, #tpu.memory_space<semaphore_mem>>) src(%dma_wait3A_118 : memref<64x128xf32, #tpu.memory_space<vmem_shared>>) dst(%arg10 : memref<64x128xf32, #tpu.memory_space<vmem>>)
      tpu.yield
    }) : () -> ()
    "tpu.region"() ({
      %run_scoped3A = tpu.sem_alloc : memref<!tpu.dma_semaphore, #tpu.memory_space<semaphore_mem>>
      %dma_start3A = arith.constant 0 : i32
      %dma_start3A_113 = tpu.memref_slice %arg6[%arg0, %multiple_of3A_67, %dma_start3A] : memref<2x10240x128xf32, #tpu.memory_space<hbm>> -> memref<1x64x128xf32, #tpu.memory_space<hbm>>
      %dma_start3A_114 = tpu.memref_squeeze %dma_start3A_113 : memref<1x64x128xf32, #tpu.memory_space<hbm>> -> memref<64x128xf32, #tpu.memory_space<hbm>>
      %dma_start3A_115 = arith.constant 0 : i32
      %dma_start3A_116 = tpu.memref_slice %arg6[%arg0, %multiple_of3A_67, %dma_start3A_115] : memref<2x10240x128xf32, #tpu.memory_space<hbm>> -> memref<1x64x128xf32, #tpu.memory_space<hbm>>
      %dma_start3A_117 = tpu.memref_squeeze %dma_start3A_116 : memref<1x64x128xf32, #tpu.memory_space<hbm>> -> memref<64x128xf32, #tpu.memory_space<hbm>>
      tpu.enqueue_dma source(%arg10 : memref<64x128xf32, #tpu.memory_space<vmem>>) target(%dma_start3A_117 : memref<64x128xf32, #tpu.memory_space<hbm>>) target_semaphore(%run_scoped3A : memref<!tpu.dma_semaphore, #tpu.memory_space<semaphore_mem>>)
      %dma_wait3A = arith.constant 0 : i32
      %dma_wait3A_118 = tpu.memref_slice %arg6[%arg0, %multiple_of3A_67, %dma_wait3A] : memref<2x10240x128xf32, #tpu.memory_space<hbm>> -> memref<1x64x128xf32, #tpu.memory_space<hbm>>
      %dma_wait3A_119 = tpu.memref_squeeze %dma_wait3A_118 : memref<1x64x128xf32, #tpu.memory_space<hbm>> -> memref<64x128xf32, #tpu.memory_space<hbm>>
      %dma_wait3A_120 = arith.constant 0 : i32
      %dma_wait3A_121 = tpu.memref_slice %arg6[%arg0, %multiple_of3A_67, %dma_wait3A_120] : memref<2x10240x128xf32, #tpu.memory_space<hbm>> -> memref<1x64x128xf32, #tpu.memory_space<hbm>>
      %dma_wait3A_122 = tpu.memref_squeeze %dma_wait3A_121 : memref<1x64x128xf32, #tpu.memory_space<hbm>> -> memref<64x128xf32, #tpu.memory_space<hbm>>
      tpu.wait_dma2 semaphore(%run_scoped3A : memref<!tpu.dma_semaphore, #tpu.memory_space<semaphore_mem>>) src(%arg10 : memref<64x128xf32, #tpu.memory_space<vmem>>) dst(%dma_wait3A_122 : memref<64x128xf32, #tpu.memory_space<hbm>>)
      tpu.yield
    }) : () -> ()
    %mul3A_68 = arith.constant 640 : i32
    %mul3A_69 = arith.muli %arg1, %mul3A_68 : i32
    %add3A_70 = arith.constant 64 : i32
    %add3A_71 = arith.addi %mul3A_69, %add3A_70 : i32
    %multiple_of3A_72 = tpu.assume_multiple %add3A_71, 8 : i32
    "tpu.region"() ({
      %run_scoped3A = tpu.sem_alloc : memref<!tpu.dma_semaphore, #tpu.memory_space<semaphore_mem>>
      %dma_start3A = arith.constant 0 : i32
      %dma_start3A_113 = tpu.memref_slice %arg15[%multiple_of3A_72, %dma_start3A] : memref<10240x128xf32, #tpu.memory_space<vmem_shared>> -> memref<64x128xf32, #tpu.memory_space<vmem_shared>>
      %dma_start3A_114 = arith.constant 0 : i32
      %dma_start3A_115 = tpu.memref_slice %arg15[%multiple_of3A_72, %dma_start3A_114] : memref<10240x128xf32, #tpu.memory_space<vmem_shared>> -> memref<64x128xf32, #tpu.memory_space<vmem_shared>>
      tpu.enqueue_dma source(%dma_start3A_115 : memref<64x128xf32, #tpu.memory_space<vmem_shared>>) target(%arg10 : memref<64x128xf32, #tpu.memory_space<vmem>>) target_semaphore(%run_scoped3A : memref<!tpu.dma_semaphore, #tpu.memory_space<semaphore_mem>>)
      %dma_wait3A = arith.constant 0 : i32
      %dma_wait3A_116 = tpu.memref_slice %arg15[%multiple_of3A_72, %dma_wait3A] : memref<10240x128xf32, #tpu.memory_space<vmem_shared>> -> memref<64x128xf32, #tpu.memory_space<vmem_shared>>
      %dma_wait3A_117 = arith.constant 0 : i32
      %dma_wait3A_118 = tpu.memref_slice %arg15[%multiple_of3A_72, %dma_wait3A_117] : memref<10240x128xf32, #tpu.memory_space<vmem_shared>> -> memref<64x128xf32, #tpu.memory_space<vmem_shared>>
      tpu.wait_dma2 semaphore(%run_scoped3A : memref<!tpu.dma_semaphore, #tpu.memory_space<semaphore_mem>>) src(%dma_wait3A_118 : memref<64x128xf32, #tpu.memory_space<vmem_shared>>) dst(%arg10 : memref<64x128xf32, #tpu.memory_space<vmem>>)
      tpu.yield
    }) : () -> ()
    "tpu.region"() ({
      %run_scoped3A = tpu.sem_alloc : memref<!tpu.dma_semaphore, #tpu.memory_space<semaphore_mem>>
      %dma_start3A = arith.constant 0 : i32
      %dma_start3A_113 = tpu.memref_slice %arg6[%arg0, %multiple_of3A_72, %dma_start3A] : memref<2x10240x128xf32, #tpu.memory_space<hbm>> -> memref<1x64x128xf32, #tpu.memory_space<hbm>>
      %dma_start3A_114 = tpu.memref_squeeze %dma_start3A_113 : memref<1x64x128xf32, #tpu.memory_space<hbm>> -> memref<64x128xf32, #tpu.memory_space<hbm>>
      %dma_start3A_115 = arith.constant 0 : i32
      %dma_start3A_116 = tpu.memref_slice %arg6[%arg0, %multiple_of3A_72, %dma_start3A_115] : memref<2x10240x128xf32, #tpu.memory_space<hbm>> -> memref<1x64x128xf32, #tpu.memory_space<hbm>>
      %dma_start3A_117 = tpu.memref_squeeze %dma_start3A_116 : memref<1x64x128xf32, #tpu.memory_space<hbm>> -> memref<64x128xf32, #tpu.memory_space<hbm>>
      tpu.enqueue_dma source(%arg10 : memref<64x128xf32, #tpu.memory_space<vmem>>) target(%dma_start3A_117 : memref<64x128xf32, #tpu.memory_space<hbm>>) target_semaphore(%run_scoped3A : memref<!tpu.dma_semaphore, #tpu.memory_space<semaphore_mem>>)
      %dma_wait3A = arith.constant 0 : i32
      %dma_wait3A_118 = tpu.memref_slice %arg6[%arg0, %multiple_of3A_72, %dma_wait3A] : memref<2x10240x128xf32, #tpu.memory_space<hbm>> -> memref<1x64x128xf32, #tpu.memory_space<hbm>>
      %dma_wait3A_119 = tpu.memref_squeeze %dma_wait3A_118 : memref<1x64x128xf32, #tpu.memory_space<hbm>> -> memref<64x128xf32, #tpu.memory_space<hbm>>
      %dma_wait3A_120 = arith.constant 0 : i32
      %dma_wait3A_121 = tpu.memref_slice %arg6[%arg0, %multiple_of3A_72, %dma_wait3A_120] : memref<2x10240x128xf32, #tpu.memory_space<hbm>> -> memref<1x64x128xf32, #tpu.memory_space<hbm>>
      %dma_wait3A_122 = tpu.memref_squeeze %dma_wait3A_121 : memref<1x64x128xf32, #tpu.memory_space<hbm>> -> memref<64x128xf32, #tpu.memory_space<hbm>>
      tpu.wait_dma2 semaphore(%run_scoped3A : memref<!tpu.dma_semaphore, #tpu.memory_space<semaphore_mem>>) src(%arg10 : memref<64x128xf32, #tpu.memory_space<vmem>>) dst(%dma_wait3A_122 : memref<64x128xf32, #tpu.memory_space<hbm>>)
      tpu.yield
    }) : () -> ()
    %mul3A_73 = arith.constant 640 : i32
    %mul3A_74 = arith.muli %arg1, %mul3A_73 : i32
    %add3A_75 = arith.constant 128 : i32
    %add3A_76 = arith.addi %mul3A_74, %add3A_75 : i32
    %multiple_of3A_77 = tpu.assume_multiple %add3A_76, 8 : i32
    "tpu.region"() ({
      %run_scoped3A = tpu.sem_alloc : memref<!tpu.dma_semaphore, #tpu.memory_space<semaphore_mem>>
      %dma_start3A = arith.constant 0 : i32
      %dma_start3A_113 = tpu.memref_slice %arg15[%multiple_of3A_77, %dma_start3A] : memref<10240x128xf32, #tpu.memory_space<vmem_shared>> -> memref<64x128xf32, #tpu.memory_space<vmem_shared>>
      %dma_start3A_114 = arith.constant 0 : i32
      %dma_start3A_115 = tpu.memref_slice %arg15[%multiple_of3A_77, %dma_start3A_114] : memref<10240x128xf32, #tpu.memory_space<vmem_shared>> -> memref<64x128xf32, #tpu.memory_space<vmem_shared>>
      tpu.enqueue_dma source(%dma_start3A_115 : memref<64x128xf32, #tpu.memory_space<vmem_shared>>) target(%arg10 : memref<64x128xf32, #tpu.memory_space<vmem>>) target_semaphore(%run_scoped3A : memref<!tpu.dma_semaphore, #tpu.memory_space<semaphore_mem>>)
      %dma_wait3A = arith.constant 0 : i32
      %dma_wait3A_116 = tpu.memref_slice %arg15[%multiple_of3A_77, %dma_wait3A] : memref<10240x128xf32, #tpu.memory_space<vmem_shared>> -> memref<64x128xf32, #tpu.memory_space<vmem_shared>>
      %dma_wait3A_117 = arith.constant 0 : i32
      %dma_wait3A_118 = tpu.memref_slice %arg15[%multiple_of3A_77, %dma_wait3A_117] : memref<10240x128xf32, #tpu.memory_space<vmem_shared>> -> memref<64x128xf32, #tpu.memory_space<vmem_shared>>
      tpu.wait_dma2 semaphore(%run_scoped3A : memref<!tpu.dma_semaphore, #tpu.memory_space<semaphore_mem>>) src(%dma_wait3A_118 : memref<64x128xf32, #tpu.memory_space<vmem_shared>>) dst(%arg10 : memref<64x128xf32, #tpu.memory_space<vmem>>)
      tpu.yield
    }) : () -> ()
    "tpu.region"() ({
      %run_scoped3A = tpu.sem_alloc : memref<!tpu.dma_semaphore, #tpu.memory_space<semaphore_mem>>
      %dma_start3A = arith.constant 0 : i32
      %dma_start3A_113 = tpu.memref_slice %arg6[%arg0, %multiple_of3A_77, %dma_start3A] : memref<2x10240x128xf32, #tpu.memory_space<hbm>> -> memref<1x64x128xf32, #tpu.memory_space<hbm>>
      %dma_start3A_114 = tpu.memref_squeeze %dma_start3A_113 : memref<1x64x128xf32, #tpu.memory_space<hbm>> -> memref<64x128xf32, #tpu.memory_space<hbm>>
      %dma_start3A_115 = arith.constant 0 : i32
      %dma_start3A_116 = tpu.memref_slice %arg6[%arg0, %multiple_of3A_77, %dma_start3A_115] : memref<2x10240x128xf32, #tpu.memory_space<hbm>> -> memref<1x64x128xf32, #tpu.memory_space<hbm>>
      %dma_start3A_117 = tpu.memref_squeeze %dma_start3A_116 : memref<1x64x128xf32, #tpu.memory_space<hbm>> -> memref<64x128xf32, #tpu.memory_space<hbm>>
      tpu.enqueue_dma source(%arg10 : memref<64x128xf32, #tpu.memory_space<vmem>>) target(%dma_start3A_117 : memref<64x128xf32, #tpu.memory_space<hbm>>) target_semaphore(%run_scoped3A : memref<!tpu.dma_semaphore, #tpu.memory_space<semaphore_mem>>)
      %dma_wait3A = arith.constant 0 : i32
      %dma_wait3A_118 = tpu.memref_slice %arg6[%arg0, %multiple_of3A_77, %dma_wait3A] : memref<2x10240x128xf32, #tpu.memory_space<hbm>> -> memref<1x64x128xf32, #tpu.memory_space<hbm>>
      %dma_wait3A_119 = tpu.memref_squeeze %dma_wait3A_118 : memref<1x64x128xf32, #tpu.memory_space<hbm>> -> memref<64x128xf32, #tpu.memory_space<hbm>>
      %dma_wait3A_120 = arith.constant 0 : i32
      %dma_wait3A_121 = tpu.memref_slice %arg6[%arg0, %multiple_of3A_77, %dma_wait3A_120] : memref<2x10240x128xf32, #tpu.memory_space<hbm>> -> memref<1x64x128xf32, #tpu.memory_space<hbm>>
      %dma_wait3A_122 = tpu.memref_squeeze %dma_wait3A_121 : memref<1x64x128xf32, #tpu.memory_space<hbm>> -> memref<64x128xf32, #tpu.memory_space<hbm>>
      tpu.wait_dma2 semaphore(%run_scoped3A : memref<!tpu.dma_semaphore, #tpu.memory_space<semaphore_mem>>) src(%arg10 : memref<64x128xf32, #tpu.memory_space<vmem>>) dst(%dma_wait3A_122 : memref<64x128xf32, #tpu.memory_space<hbm>>)
      tpu.yield
    }) : () -> ()
    %mul3A_78 = arith.constant 640 : i32
    %mul3A_79 = arith.muli %arg1, %mul3A_78 : i32
    %add3A_80 = arith.constant 192 : i32
    %add3A_81 = arith.addi %mul3A_79, %add3A_80 : i32
    %multiple_of3A_82 = tpu.assume_multiple %add3A_81, 8 : i32
    "tpu.region"() ({
      %run_scoped3A = tpu.sem_alloc : memref<!tpu.dma_semaphore, #tpu.memory_space<semaphore_mem>>
      %dma_start3A = arith.constant 0 : i32
      %dma_start3A_113 = tpu.memref_slice %arg15[%multiple_of3A_82, %dma_start3A] : memref<10240x128xf32, #tpu.memory_space<vmem_shared>> -> memref<64x128xf32, #tpu.memory_space<vmem_shared>>
      %dma_start3A_114 = arith.constant 0 : i32
      %dma_start3A_115 = tpu.memref_slice %arg15[%multiple_of3A_82, %dma_start3A_114] : memref<10240x128xf32, #tpu.memory_space<vmem_shared>> -> memref<64x128xf32, #tpu.memory_space<vmem_shared>>
      tpu.enqueue_dma source(%dma_start3A_115 : memref<64x128xf32, #tpu.memory_space<vmem_shared>>) target(%arg10 : memref<64x128xf32, #tpu.memory_space<vmem>>) target_semaphore(%run_scoped3A : memref<!tpu.dma_semaphore, #tpu.memory_space<semaphore_mem>>)
      %dma_wait3A = arith.constant 0 : i32
      %dma_wait3A_116 = tpu.memref_slice %arg15[%multiple_of3A_82, %dma_wait3A] : memref<10240x128xf32, #tpu.memory_space<vmem_shared>> -> memref<64x128xf32, #tpu.memory_space<vmem_shared>>
      %dma_wait3A_117 = arith.constant 0 : i32
      %dma_wait3A_118 = tpu.memref_slice %arg15[%multiple_of3A_82, %dma_wait3A_117] : memref<10240x128xf32, #tpu.memory_space<vmem_shared>> -> memref<64x128xf32, #tpu.memory_space<vmem_shared>>
      tpu.wait_dma2 semaphore(%run_scoped3A : memref<!tpu.dma_semaphore, #tpu.memory_space<semaphore_mem>>) src(%dma_wait3A_118 : memref<64x128xf32, #tpu.memory_space<vmem_shared>>) dst(%arg10 : memref<64x128xf32, #tpu.memory_space<vmem>>)
      tpu.yield
    }) : () -> ()
    "tpu.region"() ({
      %run_scoped3A = tpu.sem_alloc : memref<!tpu.dma_semaphore, #tpu.memory_space<semaphore_mem>>
      %dma_start3A = arith.constant 0 : i32
      %dma_start3A_113 = tpu.memref_slice %arg6[%arg0, %multiple_of3A_82, %dma_start3A] : memref<2x10240x128xf32, #tpu.memory_space<hbm>> -> memref<1x64x128xf32, #tpu.memory_space<hbm>>
      %dma_start3A_114 = tpu.memref_squeeze %dma_start3A_113 : memref<1x64x128xf32, #tpu.memory_space<hbm>> -> memref<64x128xf32, #tpu.memory_space<hbm>>
      %dma_start3A_115 = arith.constant 0 : i32
      %dma_start3A_116 = tpu.memref_slice %arg6[%arg0, %multiple_of3A_82, %dma_start3A_115] : memref<2x10240x128xf32, #tpu.memory_space<hbm>> -> memref<1x64x128xf32, #tpu.memory_space<hbm>>
      %dma_start3A_117 = tpu.memref_squeeze %dma_start3A_116 : memref<1x64x128xf32, #tpu.memory_space<hbm>> -> memref<64x128xf32, #tpu.memory_space<hbm>>
      tpu.enqueue_dma source(%arg10 : memref<64x128xf32, #tpu.memory_space<vmem>>) target(%dma_start3A_117 : memref<64x128xf32, #tpu.memory_space<hbm>>) target_semaphore(%run_scoped3A : memref<!tpu.dma_semaphore, #tpu.memory_space<semaphore_mem>>)
      %dma_wait3A = arith.constant 0 : i32
      %dma_wait3A_118 = tpu.memref_slice %arg6[%arg0, %multiple_of3A_82, %dma_wait3A] : memref<2x10240x128xf32, #tpu.memory_space<hbm>> -> memref<1x64x128xf32, #tpu.memory_space<hbm>>
      %dma_wait3A_119 = tpu.memref_squeeze %dma_wait3A_118 : memref<1x64x128xf32, #tpu.memory_space<hbm>> -> memref<64x128xf32, #tpu.memory_space<hbm>>
      %dma_wait3A_120 = arith.constant 0 : i32
      %dma_wait3A_121 = tpu.memref_slice %arg6[%arg0, %multiple_of3A_82, %dma_wait3A_120] : memref<2x10240x128xf32, #tpu.memory_space<hbm>> -> memref<1x64x128xf32, #tpu.memory_space<hbm>>
      %dma_wait3A_122 = tpu.memref_squeeze %dma_wait3A_121 : memref<1x64x128xf32, #tpu.memory_space<hbm>> -> memref<64x128xf32, #tpu.memory_space<hbm>>
      tpu.wait_dma2 semaphore(%run_scoped3A : memref<!tpu.dma_semaphore, #tpu.memory_space<semaphore_mem>>) src(%arg10 : memref<64x128xf32, #tpu.memory_space<vmem>>) dst(%dma_wait3A_122 : memref<64x128xf32, #tpu.memory_space<hbm>>)
      tpu.yield
    }) : () -> ()
    %mul3A_83 = arith.constant 640 : i32
    %mul3A_84 = arith.muli %arg1, %mul3A_83 : i32
    %add3A_85 = arith.constant 256 : i32
    %add3A_86 = arith.addi %mul3A_84, %add3A_85 : i32
    %multiple_of3A_87 = tpu.assume_multiple %add3A_86, 8 : i32
    "tpu.region"() ({
      %run_scoped3A = tpu.sem_alloc : memref<!tpu.dma_semaphore, #tpu.memory_space<semaphore_mem>>
      %dma_start3A = arith.constant 0 : i32
      %dma_start3A_113 = tpu.memref_slice %arg15[%multiple_of3A_87, %dma_start3A] : memref<10240x128xf32, #tpu.memory_space<vmem_shared>> -> memref<64x128xf32, #tpu.memory_space<vmem_shared>>
      %dma_start3A_114 = arith.constant 0 : i32
      %dma_start3A_115 = tpu.memref_slice %arg15[%multiple_of3A_87, %dma_start3A_114] : memref<10240x128xf32, #tpu.memory_space<vmem_shared>> -> memref<64x128xf32, #tpu.memory_space<vmem_shared>>
      tpu.enqueue_dma source(%dma_start3A_115 : memref<64x128xf32, #tpu.memory_space<vmem_shared>>) target(%arg10 : memref<64x128xf32, #tpu.memory_space<vmem>>) target_semaphore(%run_scoped3A : memref<!tpu.dma_semaphore, #tpu.memory_space<semaphore_mem>>)
      %dma_wait3A = arith.constant 0 : i32
      %dma_wait3A_116 = tpu.memref_slice %arg15[%multiple_of3A_87, %dma_wait3A] : memref<10240x128xf32, #tpu.memory_space<vmem_shared>> -> memref<64x128xf32, #tpu.memory_space<vmem_shared>>
      %dma_wait3A_117 = arith.constant 0 : i32
      %dma_wait3A_118 = tpu.memref_slice %arg15[%multiple_of3A_87, %dma_wait3A_117] : memref<10240x128xf32, #tpu.memory_space<vmem_shared>> -> memref<64x128xf32, #tpu.memory_space<vmem_shared>>
      tpu.wait_dma2 semaphore(%run_scoped3A : memref<!tpu.dma_semaphore, #tpu.memory_space<semaphore_mem>>) src(%dma_wait3A_118 : memref<64x128xf32, #tpu.memory_space<vmem_shared>>) dst(%arg10 : memref<64x128xf32, #tpu.memory_space<vmem>>)
      tpu.yield
    }) : () -> ()
    "tpu.region"() ({
      %run_scoped3A = tpu.sem_alloc : memref<!tpu.dma_semaphore, #tpu.memory_space<semaphore_mem>>
      %dma_start3A = arith.constant 0 : i32
      %dma_start3A_113 = tpu.memref_slice %arg6[%arg0, %multiple_of3A_87, %dma_start3A] : memref<2x10240x128xf32, #tpu.memory_space<hbm>> -> memref<1x64x128xf32, #tpu.memory_space<hbm>>
      %dma_start3A_114 = tpu.memref_squeeze %dma_start3A_113 : memref<1x64x128xf32, #tpu.memory_space<hbm>> -> memref<64x128xf32, #tpu.memory_space<hbm>>
      %dma_start3A_115 = arith.constant 0 : i32
      %dma_start3A_116 = tpu.memref_slice %arg6[%arg0, %multiple_of3A_87, %dma_start3A_115] : memref<2x10240x128xf32, #tpu.memory_space<hbm>> -> memref<1x64x128xf32, #tpu.memory_space<hbm>>
      %dma_start3A_117 = tpu.memref_squeeze %dma_start3A_116 : memref<1x64x128xf32, #tpu.memory_space<hbm>> -> memref<64x128xf32, #tpu.memory_space<hbm>>
      tpu.enqueue_dma source(%arg10 : memref<64x128xf32, #tpu.memory_space<vmem>>) target(%dma_start3A_117 : memref<64x128xf32, #tpu.memory_space<hbm>>) target_semaphore(%run_scoped3A : memref<!tpu.dma_semaphore, #tpu.memory_space<semaphore_mem>>)
      %dma_wait3A = arith.constant 0 : i32
      %dma_wait3A_118 = tpu.memref_slice %arg6[%arg0, %multiple_of3A_87, %dma_wait3A] : memref<2x10240x128xf32, #tpu.memory_space<hbm>> -> memref<1x64x128xf32, #tpu.memory_space<hbm>>
      %dma_wait3A_119 = tpu.memref_squeeze %dma_wait3A_118 : memref<1x64x128xf32, #tpu.memory_space<hbm>> -> memref<64x128xf32, #tpu.memory_space<hbm>>
      %dma_wait3A_120 = arith.constant 0 : i32
      %dma_wait3A_121 = tpu.memref_slice %arg6[%arg0, %multiple_of3A_87, %dma_wait3A_120] : memref<2x10240x128xf32, #tpu.memory_space<hbm>> -> memref<1x64x128xf32, #tpu.memory_space<hbm>>
      %dma_wait3A_122 = tpu.memref_squeeze %dma_wait3A_121 : memref<1x64x128xf32, #tpu.memory_space<hbm>> -> memref<64x128xf32, #tpu.memory_space<hbm>>
      tpu.wait_dma2 semaphore(%run_scoped3A : memref<!tpu.dma_semaphore, #tpu.memory_space<semaphore_mem>>) src(%arg10 : memref<64x128xf32, #tpu.memory_space<vmem>>) dst(%dma_wait3A_122 : memref<64x128xf32, #tpu.memory_space<hbm>>)
      tpu.yield
    }) : () -> ()
    %mul3A_88 = arith.constant 640 : i32
    %mul3A_89 = arith.muli %arg1, %mul3A_88 : i32
    %add3A_90 = arith.constant 320 : i32
    %add3A_91 = arith.addi %mul3A_89, %add3A_90 : i32
    %multiple_of3A_92 = tpu.assume_multiple %add3A_91, 8 : i32
    "tpu.region"() ({
      %run_scoped3A = tpu.sem_alloc : memref<!tpu.dma_semaphore, #tpu.memory_space<semaphore_mem>>
      %dma_start3A = arith.constant 0 : i32
      %dma_start3A_113 = tpu.memref_slice %arg15[%multiple_of3A_92, %dma_start3A] : memref<10240x128xf32, #tpu.memory_space<vmem_shared>> -> memref<64x128xf32, #tpu.memory_space<vmem_shared>>
      %dma_start3A_114 = arith.constant 0 : i32
      %dma_start3A_115 = tpu.memref_slice %arg15[%multiple_of3A_92, %dma_start3A_114] : memref<10240x128xf32, #tpu.memory_space<vmem_shared>> -> memref<64x128xf32, #tpu.memory_space<vmem_shared>>
      tpu.enqueue_dma source(%dma_start3A_115 : memref<64x128xf32, #tpu.memory_space<vmem_shared>>) target(%arg10 : memref<64x128xf32, #tpu.memory_space<vmem>>) target_semaphore(%run_scoped3A : memref<!tpu.dma_semaphore, #tpu.memory_space<semaphore_mem>>)
      %dma_wait3A = arith.constant 0 : i32
      %dma_wait3A_116 = tpu.memref_slice %arg15[%multiple_of3A_92, %dma_wait3A] : memref<10240x128xf32, #tpu.memory_space<vmem_shared>> -> memref<64x128xf32, #tpu.memory_space<vmem_shared>>
      %dma_wait3A_117 = arith.constant 0 : i32
      %dma_wait3A_118 = tpu.memref_slice %arg15[%multiple_of3A_92, %dma_wait3A_117] : memref<10240x128xf32, #tpu.memory_space<vmem_shared>> -> memref<64x128xf32, #tpu.memory_space<vmem_shared>>
      tpu.wait_dma2 semaphore(%run_scoped3A : memref<!tpu.dma_semaphore, #tpu.memory_space<semaphore_mem>>) src(%dma_wait3A_118 : memref<64x128xf32, #tpu.memory_space<vmem_shared>>) dst(%arg10 : memref<64x128xf32, #tpu.memory_space<vmem>>)
      tpu.yield
    }) : () -> ()
    "tpu.region"() ({
      %run_scoped3A = tpu.sem_alloc : memref<!tpu.dma_semaphore, #tpu.memory_space<semaphore_mem>>
      %dma_start3A = arith.constant 0 : i32
      %dma_start3A_113 = tpu.memref_slice %arg6[%arg0, %multiple_of3A_92, %dma_start3A] : memref<2x10240x128xf32, #tpu.memory_space<hbm>> -> memref<1x64x128xf32, #tpu.memory_space<hbm>>
      %dma_start3A_114 = tpu.memref_squeeze %dma_start3A_113 : memref<1x64x128xf32, #tpu.memory_space<hbm>> -> memref<64x128xf32, #tpu.memory_space<hbm>>
      %dma_start3A_115 = arith.constant 0 : i32
      %dma_start3A_116 = tpu.memref_slice %arg6[%arg0, %multiple_of3A_92, %dma_start3A_115] : memref<2x10240x128xf32, #tpu.memory_space<hbm>> -> memref<1x64x128xf32, #tpu.memory_space<hbm>>
      %dma_start3A_117 = tpu.memref_squeeze %dma_start3A_116 : memref<1x64x128xf32, #tpu.memory_space<hbm>> -> memref<64x128xf32, #tpu.memory_space<hbm>>
      tpu.enqueue_dma source(%arg10 : memref<64x128xf32, #tpu.memory_space<vmem>>) target(%dma_start3A_117 : memref<64x128xf32, #tpu.memory_space<hbm>>) target_semaphore(%run_scoped3A : memref<!tpu.dma_semaphore, #tpu.memory_space<semaphore_mem>>)
      %dma_wait3A = arith.constant 0 : i32
      %dma_wait3A_118 = tpu.memref_slice %arg6[%arg0, %multiple_of3A_92, %dma_wait3A] : memref<2x10240x128xf32, #tpu.memory_space<hbm>> -> memref<1x64x128xf32, #tpu.memory_space<hbm>>
      %dma_wait3A_119 = tpu.memref_squeeze %dma_wait3A_118 : memref<1x64x128xf32, #tpu.memory_space<hbm>> -> memref<64x128xf32, #tpu.memory_space<hbm>>
      %dma_wait3A_120 = arith.constant 0 : i32
      %dma_wait3A_121 = tpu.memref_slice %arg6[%arg0, %multiple_of3A_92, %dma_wait3A_120] : memref<2x10240x128xf32, #tpu.memory_space<hbm>> -> memref<1x64x128xf32, #tpu.memory_space<hbm>>
      %dma_wait3A_122 = tpu.memref_squeeze %dma_wait3A_121 : memref<1x64x128xf32, #tpu.memory_space<hbm>> -> memref<64x128xf32, #tpu.memory_space<hbm>>
      tpu.wait_dma2 semaphore(%run_scoped3A : memref<!tpu.dma_semaphore, #tpu.memory_space<semaphore_mem>>) src(%arg10 : memref<64x128xf32, #tpu.memory_space<vmem>>) dst(%dma_wait3A_122 : memref<64x128xf32, #tpu.memory_space<hbm>>)
      tpu.yield
    }) : () -> ()
    %mul3A_93 = arith.constant 640 : i32
    %mul3A_94 = arith.muli %arg1, %mul3A_93 : i32
    %add3A_95 = arith.constant 384 : i32
    %add3A_96 = arith.addi %mul3A_94, %add3A_95 : i32
    %multiple_of3A_97 = tpu.assume_multiple %add3A_96, 8 : i32
    "tpu.region"() ({
      %run_scoped3A = tpu.sem_alloc : memref<!tpu.dma_semaphore, #tpu.memory_space<semaphore_mem>>
      %dma_start3A = arith.constant 0 : i32
      %dma_start3A_113 = tpu.memref_slice %arg15[%multiple_of3A_97, %dma_start3A] : memref<10240x128xf32, #tpu.memory_space<vmem_shared>> -> memref<64x128xf32, #tpu.memory_space<vmem_shared>>
      %dma_start3A_114 = arith.constant 0 : i32
      %dma_start3A_115 = tpu.memref_slice %arg15[%multiple_of3A_97, %dma_start3A_114] : memref<10240x128xf32, #tpu.memory_space<vmem_shared>> -> memref<64x128xf32, #tpu.memory_space<vmem_shared>>
      tpu.enqueue_dma source(%dma_start3A_115 : memref<64x128xf32, #tpu.memory_space<vmem_shared>>) target(%arg10 : memref<64x128xf32, #tpu.memory_space<vmem>>) target_semaphore(%run_scoped3A : memref<!tpu.dma_semaphore, #tpu.memory_space<semaphore_mem>>)
      %dma_wait3A = arith.constant 0 : i32
      %dma_wait3A_116 = tpu.memref_slice %arg15[%multiple_of3A_97, %dma_wait3A] : memref<10240x128xf32, #tpu.memory_space<vmem_shared>> -> memref<64x128xf32, #tpu.memory_space<vmem_shared>>
      %dma_wait3A_117 = arith.constant 0 : i32
      %dma_wait3A_118 = tpu.memref_slice %arg15[%multiple_of3A_97, %dma_wait3A_117] : memref<10240x128xf32, #tpu.memory_space<vmem_shared>> -> memref<64x128xf32, #tpu.memory_space<vmem_shared>>
      tpu.wait_dma2 semaphore(%run_scoped3A : memref<!tpu.dma_semaphore, #tpu.memory_space<semaphore_mem>>) src(%dma_wait3A_118 : memref<64x128xf32, #tpu.memory_space<vmem_shared>>) dst(%arg10 : memref<64x128xf32, #tpu.memory_space<vmem>>)
      tpu.yield
    }) : () -> ()
    "tpu.region"() ({
      %run_scoped3A = tpu.sem_alloc : memref<!tpu.dma_semaphore, #tpu.memory_space<semaphore_mem>>
      %dma_start3A = arith.constant 0 : i32
      %dma_start3A_113 = tpu.memref_slice %arg6[%arg0, %multiple_of3A_97, %dma_start3A] : memref<2x10240x128xf32, #tpu.memory_space<hbm>> -> memref<1x64x128xf32, #tpu.memory_space<hbm>>
      %dma_start3A_114 = tpu.memref_squeeze %dma_start3A_113 : memref<1x64x128xf32, #tpu.memory_space<hbm>> -> memref<64x128xf32, #tpu.memory_space<hbm>>
      %dma_start3A_115 = arith.constant 0 : i32
      %dma_start3A_116 = tpu.memref_slice %arg6[%arg0, %multiple_of3A_97, %dma_start3A_115] : memref<2x10240x128xf32, #tpu.memory_space<hbm>> -> memref<1x64x128xf32, #tpu.memory_space<hbm>>
      %dma_start3A_117 = tpu.memref_squeeze %dma_start3A_116 : memref<1x64x128xf32, #tpu.memory_space<hbm>> -> memref<64x128xf32, #tpu.memory_space<hbm>>
      tpu.enqueue_dma source(%arg10 : memref<64x128xf32, #tpu.memory_space<vmem>>) target(%dma_start3A_117 : memref<64x128xf32, #tpu.memory_space<hbm>>) target_semaphore(%run_scoped3A : memref<!tpu.dma_semaphore, #tpu.memory_space<semaphore_mem>>)
      %dma_wait3A = arith.constant 0 : i32
      %dma_wait3A_118 = tpu.memref_slice %arg6[%arg0, %multiple_of3A_97, %dma_wait3A] : memref<2x10240x128xf32, #tpu.memory_space<hbm>> -> memref<1x64x128xf32, #tpu.memory_space<hbm>>
      %dma_wait3A_119 = tpu.memref_squeeze %dma_wait3A_118 : memref<1x64x128xf32, #tpu.memory_space<hbm>> -> memref<64x128xf32, #tpu.memory_space<hbm>>
      %dma_wait3A_120 = arith.constant 0 : i32
      %dma_wait3A_121 = tpu.memref_slice %arg6[%arg0, %multiple_of3A_97, %dma_wait3A_120] : memref<2x10240x128xf32, #tpu.memory_space<hbm>> -> memref<1x64x128xf32, #tpu.memory_space<hbm>>
      %dma_wait3A_122 = tpu.memref_squeeze %dma_wait3A_121 : memref<1x64x128xf32, #tpu.memory_space<hbm>> -> memref<64x128xf32, #tpu.memory_space<hbm>>
      tpu.wait_dma2 semaphore(%run_scoped3A : memref<!tpu.dma_semaphore, #tpu.memory_space<semaphore_mem>>) src(%arg10 : memref<64x128xf32, #tpu.memory_space<vmem>>) dst(%dma_wait3A_122 : memref<64x128xf32, #tpu.memory_space<hbm>>)
      tpu.yield
    }) : () -> ()
    %mul3A_98 = arith.constant 640 : i32
    %mul3A_99 = arith.muli %arg1, %mul3A_98 : i32
    %add3A_100 = arith.constant 448 : i32
    %add3A_101 = arith.addi %mul3A_99, %add3A_100 : i32
    %multiple_of3A_102 = tpu.assume_multiple %add3A_101, 8 : i32
    "tpu.region"() ({
      %run_scoped3A = tpu.sem_alloc : memref<!tpu.dma_semaphore, #tpu.memory_space<semaphore_mem>>
      %dma_start3A = arith.constant 0 : i32
      %dma_start3A_113 = tpu.memref_slice %arg15[%multiple_of3A_102, %dma_start3A] : memref<10240x128xf32, #tpu.memory_space<vmem_shared>> -> memref<64x128xf32, #tpu.memory_space<vmem_shared>>
      %dma_start3A_114 = arith.constant 0 : i32
      %dma_start3A_115 = tpu.memref_slice %arg15[%multiple_of3A_102, %dma_start3A_114] : memref<10240x128xf32, #tpu.memory_space<vmem_shared>> -> memref<64x128xf32, #tpu.memory_space<vmem_shared>>
      tpu.enqueue_dma source(%dma_start3A_115 : memref<64x128xf32, #tpu.memory_space<vmem_shared>>) target(%arg10 : memref<64x128xf32, #tpu.memory_space<vmem>>) target_semaphore(%run_scoped3A : memref<!tpu.dma_semaphore, #tpu.memory_space<semaphore_mem>>)
      %dma_wait3A = arith.constant 0 : i32
      %dma_wait3A_116 = tpu.memref_slice %arg15[%multiple_of3A_102, %dma_wait3A] : memref<10240x128xf32, #tpu.memory_space<vmem_shared>> -> memref<64x128xf32, #tpu.memory_space<vmem_shared>>
      %dma_wait3A_117 = arith.constant 0 : i32
      %dma_wait3A_118 = tpu.memref_slice %arg15[%multiple_of3A_102, %dma_wait3A_117] : memref<10240x128xf32, #tpu.memory_space<vmem_shared>> -> memref<64x128xf32, #tpu.memory_space<vmem_shared>>
      tpu.wait_dma2 semaphore(%run_scoped3A : memref<!tpu.dma_semaphore, #tpu.memory_space<semaphore_mem>>) src(%dma_wait3A_118 : memref<64x128xf32, #tpu.memory_space<vmem_shared>>) dst(%arg10 : memref<64x128xf32, #tpu.memory_space<vmem>>)
      tpu.yield
    }) : () -> ()
    "tpu.region"() ({
      %run_scoped3A = tpu.sem_alloc : memref<!tpu.dma_semaphore, #tpu.memory_space<semaphore_mem>>
      %dma_start3A = arith.constant 0 : i32
      %dma_start3A_113 = tpu.memref_slice %arg6[%arg0, %multiple_of3A_102, %dma_start3A] : memref<2x10240x128xf32, #tpu.memory_space<hbm>> -> memref<1x64x128xf32, #tpu.memory_space<hbm>>
      %dma_start3A_114 = tpu.memref_squeeze %dma_start3A_113 : memref<1x64x128xf32, #tpu.memory_space<hbm>> -> memref<64x128xf32, #tpu.memory_space<hbm>>
      %dma_start3A_115 = arith.constant 0 : i32
      %dma_start3A_116 = tpu.memref_slice %arg6[%arg0, %multiple_of3A_102, %dma_start3A_115] : memref<2x10240x128xf32, #tpu.memory_space<hbm>> -> memref<1x64x128xf32, #tpu.memory_space<hbm>>
      %dma_start3A_117 = tpu.memref_squeeze %dma_start3A_116 : memref<1x64x128xf32, #tpu.memory_space<hbm>> -> memref<64x128xf32, #tpu.memory_space<hbm>>
      tpu.enqueue_dma source(%arg10 : memref<64x128xf32, #tpu.memory_space<vmem>>) target(%dma_start3A_117 : memref<64x128xf32, #tpu.memory_space<hbm>>) target_semaphore(%run_scoped3A : memref<!tpu.dma_semaphore, #tpu.memory_space<semaphore_mem>>)
      %dma_wait3A = arith.constant 0 : i32
      %dma_wait3A_118 = tpu.memref_slice %arg6[%arg0, %multiple_of3A_102, %dma_wait3A] : memref<2x10240x128xf32, #tpu.memory_space<hbm>> -> memref<1x64x128xf32, #tpu.memory_space<hbm>>
      %dma_wait3A_119 = tpu.memref_squeeze %dma_wait3A_118 : memref<1x64x128xf32, #tpu.memory_space<hbm>> -> memref<64x128xf32, #tpu.memory_space<hbm>>
      %dma_wait3A_120 = arith.constant 0 : i32
      %dma_wait3A_121 = tpu.memref_slice %arg6[%arg0, %multiple_of3A_102, %dma_wait3A_120] : memref<2x10240x128xf32, #tpu.memory_space<hbm>> -> memref<1x64x128xf32, #tpu.memory_space<hbm>>
      %dma_wait3A_122 = tpu.memref_squeeze %dma_wait3A_121 : memref<1x64x128xf32, #tpu.memory_space<hbm>> -> memref<64x128xf32, #tpu.memory_space<hbm>>
      tpu.wait_dma2 semaphore(%run_scoped3A : memref<!tpu.dma_semaphore, #tpu.memory_space<semaphore_mem>>) src(%arg10 : memref<64x128xf32, #tpu.memory_space<vmem>>) dst(%dma_wait3A_122 : memref<64x128xf32, #tpu.memory_space<hbm>>)
      tpu.yield
    }) : () -> ()
    %mul3A_103 = arith.constant 640 : i32
    %mul3A_104 = arith.muli %arg1, %mul3A_103 : i32
    %add3A_105 = arith.constant 512 : i32
    %add3A_106 = arith.addi %mul3A_104, %add3A_105 : i32
    %multiple_of3A_107 = tpu.assume_multiple %add3A_106, 8 : i32
    "tpu.region"() ({
      %run_scoped3A = tpu.sem_alloc : memref<!tpu.dma_semaphore, #tpu.memory_space<semaphore_mem>>
      %dma_start3A = arith.constant 0 : i32
      %dma_start3A_113 = tpu.memref_slice %arg15[%multiple_of3A_107, %dma_start3A] : memref<10240x128xf32, #tpu.memory_space<vmem_shared>> -> memref<64x128xf32, #tpu.memory_space<vmem_shared>>
      %dma_start3A_114 = arith.constant 0 : i32
      %dma_start3A_115 = tpu.memref_slice %arg15[%multiple_of3A_107, %dma_start3A_114] : memref<10240x128xf32, #tpu.memory_space<vmem_shared>> -> memref<64x128xf32, #tpu.memory_space<vmem_shared>>
      tpu.enqueue_dma source(%dma_start3A_115 : memref<64x128xf32, #tpu.memory_space<vmem_shared>>) target(%arg10 : memref<64x128xf32, #tpu.memory_space<vmem>>) target_semaphore(%run_scoped3A : memref<!tpu.dma_semaphore, #tpu.memory_space<semaphore_mem>>)
      %dma_wait3A = arith.constant 0 : i32
      %dma_wait3A_116 = tpu.memref_slice %arg15[%multiple_of3A_107, %dma_wait3A] : memref<10240x128xf32, #tpu.memory_space<vmem_shared>> -> memref<64x128xf32, #tpu.memory_space<vmem_shared>>
      %dma_wait3A_117 = arith.constant 0 : i32
      %dma_wait3A_118 = tpu.memref_slice %arg15[%multiple_of3A_107, %dma_wait3A_117] : memref<10240x128xf32, #tpu.memory_space<vmem_shared>> -> memref<64x128xf32, #tpu.memory_space<vmem_shared>>
      tpu.wait_dma2 semaphore(%run_scoped3A : memref<!tpu.dma_semaphore, #tpu.memory_space<semaphore_mem>>) src(%dma_wait3A_118 : memref<64x128xf32, #tpu.memory_space<vmem_shared>>) dst(%arg10 : memref<64x128xf32, #tpu.memory_space<vmem>>)
      tpu.yield
    }) : () -> ()
    "tpu.region"() ({
      %run_scoped3A = tpu.sem_alloc : memref<!tpu.dma_semaphore, #tpu.memory_space<semaphore_mem>>
      %dma_start3A = arith.constant 0 : i32
      %dma_start3A_113 = tpu.memref_slice %arg6[%arg0, %multiple_of3A_107, %dma_start3A] : memref<2x10240x128xf32, #tpu.memory_space<hbm>> -> memref<1x64x128xf32, #tpu.memory_space<hbm>>
      %dma_start3A_114 = tpu.memref_squeeze %dma_start3A_113 : memref<1x64x128xf32, #tpu.memory_space<hbm>> -> memref<64x128xf32, #tpu.memory_space<hbm>>
      %dma_start3A_115 = arith.constant 0 : i32
      %dma_start3A_116 = tpu.memref_slice %arg6[%arg0, %multiple_of3A_107, %dma_start3A_115] : memref<2x10240x128xf32, #tpu.memory_space<hbm>> -> memref<1x64x128xf32, #tpu.memory_space<hbm>>
      %dma_start3A_117 = tpu.memref_squeeze %dma_start3A_116 : memref<1x64x128xf32, #tpu.memory_space<hbm>> -> memref<64x128xf32, #tpu.memory_space<hbm>>
      tpu.enqueue_dma source(%arg10 : memref<64x128xf32, #tpu.memory_space<vmem>>) target(%dma_start3A_117 : memref<64x128xf32, #tpu.memory_space<hbm>>) target_semaphore(%run_scoped3A : memref<!tpu.dma_semaphore, #tpu.memory_space<semaphore_mem>>)
      %dma_wait3A = arith.constant 0 : i32
      %dma_wait3A_118 = tpu.memref_slice %arg6[%arg0, %multiple_of3A_107, %dma_wait3A] : memref<2x10240x128xf32, #tpu.memory_space<hbm>> -> memref<1x64x128xf32, #tpu.memory_space<hbm>>
      %dma_wait3A_119 = tpu.memref_squeeze %dma_wait3A_118 : memref<1x64x128xf32, #tpu.memory_space<hbm>> -> memref<64x128xf32, #tpu.memory_space<hbm>>
      %dma_wait3A_120 = arith.constant 0 : i32
      %dma_wait3A_121 = tpu.memref_slice %arg6[%arg0, %multiple_of3A_107, %dma_wait3A_120] : memref<2x10240x128xf32, #tpu.memory_space<hbm>> -> memref<1x64x128xf32, #tpu.memory_space<hbm>>
      %dma_wait3A_122 = tpu.memref_squeeze %dma_wait3A_121 : memref<1x64x128xf32, #tpu.memory_space<hbm>> -> memref<64x128xf32, #tpu.memory_space<hbm>>
      tpu.wait_dma2 semaphore(%run_scoped3A : memref<!tpu.dma_semaphore, #tpu.memory_space<semaphore_mem>>) src(%arg10 : memref<64x128xf32, #tpu.memory_space<vmem>>) dst(%dma_wait3A_122 : memref<64x128xf32, #tpu.memory_space<hbm>>)
      tpu.yield
    }) : () -> ()
    %mul3A_108 = arith.constant 640 : i32
    %mul3A_109 = arith.muli %arg1, %mul3A_108 : i32
    %add3A_110 = arith.constant 576 : i32
    %add3A_111 = arith.addi %mul3A_109, %add3A_110 : i32
    %multiple_of3A_112 = tpu.assume_multiple %add3A_111, 8 : i32
    "tpu.region"() ({
      %run_scoped3A = tpu.sem_alloc : memref<!tpu.dma_semaphore, #tpu.memory_space<semaphore_mem>>
      %dma_start3A = arith.constant 0 : i32
      %dma_start3A_113 = tpu.memref_slice %arg15[%multiple_of3A_112, %dma_start3A] : memref<10240x128xf32, #tpu.memory_space<vmem_shared>> -> memref<64x128xf32, #tpu.memory_space<vmem_shared>>
      %dma_start3A_114 = arith.constant 0 : i32
      %dma_start3A_115 = tpu.memref_slice %arg15[%multiple_of3A_112, %dma_start3A_114] : memref<10240x128xf32, #tpu.memory_space<vmem_shared>> -> memref<64x128xf32, #tpu.memory_space<vmem_shared>>
      tpu.enqueue_dma source(%dma_start3A_115 : memref<64x128xf32, #tpu.memory_space<vmem_shared>>) target(%arg10 : memref<64x128xf32, #tpu.memory_space<vmem>>) target_semaphore(%run_scoped3A : memref<!tpu.dma_semaphore, #tpu.memory_space<semaphore_mem>>)
      %dma_wait3A = arith.constant 0 : i32
      %dma_wait3A_116 = tpu.memref_slice %arg15[%multiple_of3A_112, %dma_wait3A] : memref<10240x128xf32, #tpu.memory_space<vmem_shared>> -> memref<64x128xf32, #tpu.memory_space<vmem_shared>>
      %dma_wait3A_117 = arith.constant 0 : i32
      %dma_wait3A_118 = tpu.memref_slice %arg15[%multiple_of3A_112, %dma_wait3A_117] : memref<10240x128xf32, #tpu.memory_space<vmem_shared>> -> memref<64x128xf32, #tpu.memory_space<vmem_shared>>
      tpu.wait_dma2 semaphore(%run_scoped3A : memref<!tpu.dma_semaphore, #tpu.memory_space<semaphore_mem>>) src(%dma_wait3A_118 : memref<64x128xf32, #tpu.memory_space<vmem_shared>>) dst(%arg10 : memref<64x128xf32, #tpu.memory_space<vmem>>)
      tpu.yield
    }) : () -> ()
    "tpu.region"() ({
      %run_scoped3A = tpu.sem_alloc : memref<!tpu.dma_semaphore, #tpu.memory_space<semaphore_mem>>
      %dma_start3A = arith.constant 0 : i32
      %dma_start3A_113 = tpu.memref_slice %arg6[%arg0, %multiple_of3A_112, %dma_start3A] : memref<2x10240x128xf32, #tpu.memory_space<hbm>> -> memref<1x64x128xf32, #tpu.memory_space<hbm>>
      %dma_start3A_114 = tpu.memref_squeeze %dma_start3A_113 : memref<1x64x128xf32, #tpu.memory_space<hbm>> -> memref<64x128xf32, #tpu.memory_space<hbm>>
      %dma_start3A_115 = arith.constant 0 : i32
      %dma_start3A_116 = tpu.memref_slice %arg6[%arg0, %multiple_of3A_112, %dma_start3A_115] : memref<2x10240x128xf32, #tpu.memory_space<hbm>> -> memref<1x64x128xf32, #tpu.memory_space<hbm>>
      %dma_start3A_117 = tpu.memref_squeeze %dma_start3A_116 : memref<1x64x128xf32, #tpu.memory_space<hbm>> -> memref<64x128xf32, #tpu.memory_space<hbm>>
      tpu.enqueue_dma source(%arg10 : memref<64x128xf32, #tpu.memory_space<vmem>>) target(%dma_start3A_117 : memref<64x128xf32, #tpu.memory_space<hbm>>) target_semaphore(%run_scoped3A : memref<!tpu.dma_semaphore, #tpu.memory_space<semaphore_mem>>)
      %dma_wait3A = arith.constant 0 : i32
      %dma_wait3A_118 = tpu.memref_slice %arg6[%arg0, %multiple_of3A_112, %dma_wait3A] : memref<2x10240x128xf32, #tpu.memory_space<hbm>> -> memref<1x64x128xf32, #tpu.memory_space<hbm>>
      %dma_wait3A_119 = tpu.memref_squeeze %dma_wait3A_118 : memref<1x64x128xf32, #tpu.memory_space<hbm>> -> memref<64x128xf32, #tpu.memory_space<hbm>>
      %dma_wait3A_120 = arith.constant 0 : i32
      %dma_wait3A_121 = tpu.memref_slice %arg6[%arg0, %multiple_of3A_112, %dma_wait3A_120] : memref<2x10240x128xf32, #tpu.memory_space<hbm>> -> memref<1x64x128xf32, #tpu.memory_space<hbm>>
      %dma_wait3A_122 = tpu.memref_squeeze %dma_wait3A_121 : memref<1x64x128xf32, #tpu.memory_space<hbm>> -> memref<64x128xf32, #tpu.memory_space<hbm>>
      tpu.wait_dma2 semaphore(%run_scoped3A : memref<!tpu.dma_semaphore, #tpu.memory_space<semaphore_mem>>) src(%arg10 : memref<64x128xf32, #tpu.memory_space<vmem>>) dst(%dma_wait3A_122 : memref<64x128xf32, #tpu.memory_space<hbm>>)
      tpu.yield
    }) : () -> ()
    "tpu.region"() ({
      %run_scoped3A = tpu.sem_alloc : memref<!tpu.dma_semaphore, #tpu.memory_space<semaphore_mem>>
      %dma_start3A = arith.constant 0 : i32
      %dma_start3A_113 = tpu.memref_slice %arg7[%add3A, %dma_start3A] : memref<32x10240xf32, #tpu.memory_space<hbm>> -> memref<1x10240xf32, #tpu.memory_space<hbm>>
      %dma_start3A_114 = tpu.memref_squeeze %dma_start3A_113 : memref<1x10240xf32, #tpu.memory_space<hbm>> -> memref<10240xf32, #tpu.memory_space<hbm>>
      %dma_start3A_115 = arith.constant 0 : i32
      %dma_start3A_116 = tpu.memref_slice %arg7[%add3A, %dma_start3A_115] : memref<32x10240xf32, #tpu.memory_space<hbm>> -> memref<1x10240xf32, #tpu.memory_space<hbm>>
      %dma_start3A_117 = tpu.memref_squeeze %dma_start3A_116 : memref<1x10240xf32, #tpu.memory_space<hbm>> -> memref<10240xf32, #tpu.memory_space<hbm>>
      tpu.enqueue_dma source(%arg14 : memref<10240xf32, #tpu.memory_space<vmem>>) target(%dma_start3A_117 : memref<10240xf32, #tpu.memory_space<hbm>>) target_semaphore(%run_scoped3A : memref<!tpu.dma_semaphore, #tpu.memory_space<semaphore_mem>>)
      %dma_wait3A = arith.constant 0 : i32
      %dma_wait3A_118 = tpu.memref_slice %arg7[%add3A, %dma_wait3A] : memref<32x10240xf32, #tpu.memory_space<hbm>> -> memref<1x10240xf32, #tpu.memory_space<hbm>>
      %dma_wait3A_119 = tpu.memref_squeeze %dma_wait3A_118 : memref<1x10240xf32, #tpu.memory_space<hbm>> -> memref<10240xf32, #tpu.memory_space<hbm>>
      %dma_wait3A_120 = arith.constant 0 : i32
      %dma_wait3A_121 = tpu.memref_slice %arg7[%add3A, %dma_wait3A_120] : memref<32x10240xf32, #tpu.memory_space<hbm>> -> memref<1x10240xf32, #tpu.memory_space<hbm>>
      %dma_wait3A_122 = tpu.memref_squeeze %dma_wait3A_121 : memref<1x10240xf32, #tpu.memory_space<hbm>> -> memref<10240xf32, #tpu.memory_space<hbm>>
      tpu.wait_dma2 semaphore(%run_scoped3A : memref<!tpu.dma_semaphore, #tpu.memory_space<semaphore_mem>>) src(%arg14 : memref<10240xf32, #tpu.memory_space<vmem>>) dst(%dma_wait3A_122 : memref<10240xf32, #tpu.memory_space<hbm>>)
      tpu.yield
    }) : () -> ()
    return
  }
}

module attributes {stable_mosaic.version = 14 : i64} {
  func.func @_ln_body(%arg0: i32, %arg1: memref<2560x128xf32, #tpu.memory_space<vmem>>, %arg2: memref<1x128xf32, #tpu.memory_space<vmem>>, %arg3: memref<1x128xf32, #tpu.memory_space<vmem>>, %arg4: memref<2560x128xf32, #tpu.memory_space<vmem>>) attributes {dimension_semantics = [#tpu.dimension_semantics<arbitrary>], iteration_bounds = array<i64: 4>, scalar_prefetch = 0 : i64, scratch_operands = 0 : i64, tpu.core_type = #tpu.core_type<tc>, window_params = [{transform_indices = @transform_0, window_bounds = array<i64: 2560, 128>}, {pipeline_mode = #tpu.pipeline_mode<synchronous>, transform_indices = @transform_1, window_bounds = array<i64: 1, 128>}, {pipeline_mode = #tpu.pipeline_mode<synchronous>, transform_indices = @transform_2, window_bounds = array<i64: 1, 128>}, {transform_indices = @transform_3, window_bounds = array<i64: 2560, 128>}]} {
    %get3A = arith.constant 0 : index
    %get3A_0 = arith.constant 0 : index
    %get3A_1 = vector.load %arg1[%get3A, %get3A_0] : memref<2560x128xf32, #tpu.memory_space<vmem>>, vector<2560x128xf32>
    %get3A_2 = arith.constant 0 : index
    %get3A_3 = arith.constant 0 : index
    %get3A_4 = vector.load %arg2[%get3A_2, %get3A_3] : memref<1x128xf32, #tpu.memory_space<vmem>>, vector<1x128xf32>
    %get3A_5 = arith.constant 0 : index
    %get3A_6 = arith.constant 0 : index
    %get3A_7 = vector.load %arg3[%get3A_5, %get3A_6] : memref<1x128xf32, #tpu.memory_space<vmem>>, vector<1x128xf32>
    %reduce_sum3A = arith.constant dense<0.000000e+00> : vector<2560xf32>
    %reduce_sum3A_8 = vector.multi_reduction <add>, %get3A_1, %reduce_sum3A [1] : vector<2560x128xf32> to vector<2560xf32>
    %broadcast_in_dim3A = vector.shape_cast %reduce_sum3A_8 : vector<2560xf32> to vector<2560x1xf32>
    %div3A = arith.constant 1.280000e+02 : f32
    %div3A_9 = vector.broadcast %div3A : f32 to vector<2560x1xf32>
    %div3A_10 = arith.divf %broadcast_in_dim3A, %div3A_9 : vector<2560x1xf32>
    %sub3A = vector.broadcast %div3A_10 : vector<2560x1xf32> to vector<2560x128xf32>
    %sub3A_11 = arith.subf %get3A_1, %sub3A : vector<2560x128xf32>
    %integer_pow3A = arith.mulf %sub3A_11, %sub3A_11 : vector<2560x128xf32>
    %reduce_sum3A_12 = arith.constant dense<0.000000e+00> : vector<2560xf32>
    %reduce_sum3A_13 = vector.multi_reduction <add>, %integer_pow3A, %reduce_sum3A_12 [1] : vector<2560x128xf32> to vector<2560xf32>
    %broadcast_in_dim3A_14 = vector.shape_cast %reduce_sum3A_13 : vector<2560xf32> to vector<2560x1xf32>
    %div3A_15 = arith.constant 1.280000e+02 : f32
    %div3A_16 = vector.broadcast %div3A_15 : f32 to vector<2560x1xf32>
    %div3A_17 = arith.divf %broadcast_in_dim3A_14, %div3A_16 : vector<2560x1xf32>
    %sub3A_18 = vector.broadcast %div3A_10 : vector<2560x1xf32> to vector<2560x128xf32>
    %sub3A_19 = arith.subf %get3A_1, %sub3A_18 : vector<2560x128xf32>
    %add3A = arith.constant 9.99999997E-7 : f32
    %add3A_20 = vector.broadcast %add3A : f32 to vector<2560x1xf32>
    %add3A_21 = arith.addf %div3A_17, %add3A_20 : vector<2560x1xf32>
    %sqrt3A = math.sqrt %add3A_21 : vector<2560x1xf32>
    %div3A_22 = vector.broadcast %sqrt3A : vector<2560x1xf32> to vector<2560x128xf32>
    %div3A_23 = arith.divf %sub3A_19, %div3A_22 : vector<2560x128xf32>
    %mul3A = vector.broadcast %get3A_4 : vector<1x128xf32> to vector<2560x128xf32>
    %mul3A_24 = arith.mulf %div3A_23, %mul3A : vector<2560x128xf32>
    %add3A_25 = vector.broadcast %get3A_7 : vector<1x128xf32> to vector<2560x128xf32>
    %add3A_26 = arith.addf %mul3A_24, %add3A_25 : vector<2560x128xf32>
    %swap3A = arith.constant 0 : index
    %swap3A_27 = arith.constant 0 : index
    %swap3A_28 = vector.load %arg4[%swap3A, %swap3A_27] : memref<2560x128xf32, #tpu.memory_space<vmem>>, vector<2560x128xf32>
    tpu.vector_store %arg4[%swap3A, %swap3A_27], %add3A_26 {strides = array<i32>} : memref<2560x128xf32, #tpu.memory_space<vmem>>, vector<2560x128xf32>,
    return
  }
  func.func @transform_0(%arg0: i32) -> (i32, i32) {
    %c0_i32 = arith.constant 0 : i32
    %c0_i32_0 = arith.constant 0 : i32
    return %arg0, %c0_i32 : i32, i32
  }
  func.func @transform_1(%arg0: i32) -> (i32, i32) {
    %c0_i32 = arith.constant 0 : i32
    %c0_i32_0 = arith.constant 0 : i32
    %c0_i32_1 = arith.constant 0 : i32
    return %c0_i32, %c0_i32_0 : i32, i32
  }
  func.func @transform_2(%arg0: i32) -> (i32, i32) {
    %c0_i32 = arith.constant 0 : i32
    %c0_i32_0 = arith.constant 0 : i32
    %c0_i32_1 = arith.constant 0 : i32
    return %c0_i32, %c0_i32_0 : i32, i32
  }
  func.func @transform_3(%arg0: i32) -> (i32, i32) {
    %c0_i32 = arith.constant 0 : i32
    %c0_i32_0 = arith.constant 0 : i32
    return %arg0, %c0_i32 : i32, i32
  }
}

module attributes {stable_mosaic.version = 14 : i64} {
  func.func @_cnt_body(%arg0: i32, %arg1: memref<32x2560xf32, #tpu.memory_space<vmem>>, %arg2: memref<32x1xf32, #tpu.memory_space<vmem>>, %arg3: memref<2560x1xf32, #tpu.memory_space<vmem>>) attributes {dimension_semantics = [#tpu.dimension_semantics<arbitrary>], iteration_bounds = array<i64: 4>, scalar_prefetch = 0 : i64, scratch_operands = 0 : i64, tpu.core_type = #tpu.core_type<tc>, window_params = [{transform_indices = @transform_0, window_bounds = array<i64: 32, 2560>}, {pipeline_mode = #tpu.pipeline_mode<synchronous>, transform_indices = @transform_1, window_bounds = array<i64: 32, 1>}, {transform_indices = @transform_2, window_bounds = array<i64: 2560, 1>}]} {
    %get3A = arith.constant 0 : index
    %get3A_0 = arith.constant 0 : index
    %get3A_1 = vector.load %arg1[%get3A, %get3A_0] : memref<32x2560xf32, #tpu.memory_space<vmem>>, vector<32x2560xf32>
    %get3A_2 = arith.constant 0 : index
    %get3A_3 = arith.constant 0 : index
    %get3A_4 = vector.load %arg2[%get3A_2, %get3A_3] : memref<32x1xf32, #tpu.memory_space<vmem>>, vector<32x1xf32>
    %dot_general3A = arith.constant dense<0.000000e+00> : vector<2560x1xf32>
    %dot_general3A_5 = tpu.matmul %get3A_1, %get3A_4, %dot_general3A {dimension_numbers = #tpu.dot_dimension_numbers<[0], [0], [1], [1], [0, 1, 1, 1], [], []>, transpose_lhs_hint = false} : vector<32x2560xf32>, vector<32x1xf32>, vector<2560x1xf32> -> vector<2560x1xf32>
    %swap3A = arith.constant 0 : index
    %swap3A_6 = arith.constant 0 : index
    %swap3A_7 = vector.load %arg3[%swap3A, %swap3A_6] : memref<2560x1xf32, #tpu.memory_space<vmem>>, vector<2560x1xf32>
    tpu.vector_store %arg3[%swap3A, %swap3A_6], %dot_general3A_5 {strides = array<i32>} : memref<2560x1xf32, #tpu.memory_space<vmem>>, vector<2560x1xf32>,
    return
  }
  func.func @transform_0(%arg0: i32) -> (i32, i32) {
    %c0_i32 = arith.constant 0 : i32
    %c0_i32_0 = arith.constant 0 : i32
    return %c0_i32, %arg0 : i32, i32
  }
  func.func @transform_1(%arg0: i32) -> (i32, i32) {
    %c0_i32 = arith.constant 0 : i32
    %c0_i32_0 = arith.constant 0 : i32
    %c0_i32_1 = arith.constant 0 : i32
    return %c0_i32, %c0_i32_0 : i32, i32
  }
  func.func @transform_2(%arg0: i32) -> (i32, i32) {
    %c0_i32 = arith.constant 0 : i32
    %c0_i32_0 = arith.constant 0 : i32
    return %arg0, %c0_i32 : i32, i32
  }
}

module attributes {stable_mosaic.version = 14 : i64} {
  func.func @_mid_body(%arg0: i32, %arg1: memref<1000x128xf32, #tpu.memory_space<vmem>>, %arg2: memref<2x1000x128xf32, #tpu.memory_space<vmem>>, %arg3: memref<1000x1xf32, #tpu.memory_space<vmem>>, %arg4: memref<1x1x1000xi32, #tpu.memory_space<vmem>>, %arg5: memref<128x128xf32, #tpu.memory_space<vmem>>, %arg6: memref<128x128xf32, #tpu.memory_space<vmem>>, %arg7: memref<1x128xf32, #tpu.memory_space<vmem>>, %arg8: memref<1x128xf32, #tpu.memory_space<vmem>>, %arg9: memref<1x128xf32, #tpu.memory_space<vmem>>, %arg10: memref<128x128xf32, #tpu.memory_space<vmem>>, %arg11: memref<128x1xf32, #tpu.memory_space<vmem>>) attributes {dimension_semantics = [#tpu.dimension_semantics<arbitrary>], iteration_bounds = array<i64: 10>, scalar_prefetch = 0 : i64, scratch_operands = 0 : i64, tpu.core_type = #tpu.core_type<tc>, window_params = [{transform_indices = @transform_0, window_bounds = array<i64: 1000, 128>}, {transform_indices = @transform_1, window_bounds = array<i64: 2, 1000, 128>}, {transform_indices = @transform_2, window_bounds = array<i64: 1000, 1>}, {transform_indices = @transform_3, window_bounds = array<i64: 1, 1, 1000>}, {pipeline_mode = #tpu.pipeline_mode<synchronous>, transform_indices = @transform_4, window_bounds = array<i64: 128, 128>}, {pipeline_mode = #tpu.pipeline_mode<synchronous>, transform_indices = @transform_5, window_bounds = array<i64: 128, 128>}, {pipeline_mode = #tpu.pipeline_mode<synchronous>, transform_indices = @transform_6, window_bounds = array<i64: 1, 128>}, {pipeline_mode = #tpu.pipeline_mode<synchronous>, transform_indices = @transform_7, window_bounds = array<i64: 1, 128>}, {pipeline_mode = #tpu.pipeline_mode<synchronous>, transform_indices = @transform_8, window_bounds = array<i64: 1, 128>}, {pipeline_mode = #tpu.pipeline_mode<synchronous>, transform_indices = @transform_9, window_bounds = array<i64: 128, 128>}, {pipeline_mode = #tpu.pipeline_mode<synchronous>, transform_indices = @transform_10, window_bounds = array<i64: 128, 1>}]} {
    %get3A = arith.constant 0 : index
    %get3A_0 = arith.constant 0 : index
    %get3A_1 = vector.load %arg1[%get3A, %get3A_0] : memref<1000x128xf32, #tpu.memory_space<vmem>>, vector<1000x128xf32>
    %get3A_2 = arith.constant 0 : index
    %get3A_3 = arith.constant 0 : index
    %get3A_4 = arith.constant 0 : index
    %get3A_5 = vector.load %arg2[%get3A_2, %get3A_3, %get3A_4] : memref<2x1000x128xf32, #tpu.memory_space<vmem>>, vector<2x1000x128xf32>
    %slice3A = vector.extract_strided_slice %get3A_5 {offsets = [0, 0, 0], sizes = [1, 1000, 128], strides = [1, 1, 1]} : vector<2x1000x128xf32> to vector<1x1000x128xf32>
    %squeeze3A = vector.shape_cast %slice3A : vector<1x1000x128xf32> to vector<1000x128xf32>
    %slice3A_6 = vector.extract_strided_slice %get3A_5 {offsets = [1, 0, 0], sizes = [1, 1000, 128], strides = [1, 1, 1]} : vector<2x1000x128xf32> to vector<1x1000x128xf32>
    %squeeze3A_7 = vector.shape_cast %slice3A_6 : vector<1x1000x128xf32> to vector<1000x128xf32>
    %add3A = arith.addf %squeeze3A, %squeeze3A_7 : vector<1000x128xf32>
    %get3A_8 = arith.constant 0 : index
    %get3A_9 = arith.constant 0 : index
    %get3A_10 = vector.load %arg3[%get3A_8, %get3A_9] : memref<1000x1xf32, #tpu.memory_space<vmem>>, vector<1000x1xf32>
    %max3A = arith.constant 1.000000e+00 : f32
    %max3A_11 = vector.broadcast %max3A : f32 to vector<1000x1xf32>
    %max3A_12 = arith.maximumf %get3A_10, %max3A_11 : vector<1000x1xf32>
    %div3A = vector.broadcast %max3A_12 : vector<1000x1xf32> to vector<1000x128xf32>
    %div3A_13 = arith.divf %add3A, %div3A : vector<1000x128xf32>
    %get3A_14 = arith.constant 0 : index
    %get3A_15 = arith.constant 0 : index
    %get3A_16 = vector.load %arg5[%get3A_14, %get3A_15] : memref<128x128xf32, #tpu.memory_space<vmem>>, vector<128x128xf32>
    %dot_general3A = arith.constant dense<0.000000e+00> : vector<1000x128xf32>
    %dot_general3A_17 = tpu.matmul %get3A_1, %get3A_16, %dot_general3A {dimension_numbers = #tpu.dot_dimension_numbers<[1], [0], [0], [1], [0, 0, 1, 1], [], []>, transpose_lhs_hint = false} : vector<1000x128xf32>, vector<128x128xf32>, vector<1000x128xf32> -> vector<1000x128xf32>
    %get3A_18 = arith.constant 0 : index
    %get3A_19 = arith.constant 0 : index
    %get3A_20 = vector.load %arg6[%get3A_18, %get3A_19] : memref<128x128xf32, #tpu.memory_space<vmem>>, vector<128x128xf32>
    %dot_general3A_21 = arith.constant dense<0.000000e+00> : vector<1000x128xf32>
    %dot_general3A_22 = tpu.matmul %div3A_13, %get3A_20, %dot_general3A_21 {dimension_numbers = #tpu.dot_dimension_numbers<[1], [0], [0], [1], [0, 0, 1, 1], [], []>, transpose_lhs_hint = false} : vector<1000x128xf32>, vector<128x128xf32>, vector<1000x128xf32> -> vector<1000x128xf32>
    %add3A_23 = arith.addf %dot_general3A_17, %dot_general3A_22 : vector<1000x128xf32>
    %get3A_24 = arith.constant 0 : index
    %get3A_25 = arith.constant 0 : index
    %get3A_26 = vector.load %arg7[%get3A_24, %get3A_25] : memref<1x128xf32, #tpu.memory_space<vmem>>, vector<1x128xf32>
    %add3A_27 = vector.broadcast %get3A_26 : vector<1x128xf32> to vector<1000x128xf32>
    %add3A_28 = arith.addf %add3A_23, %add3A_27 : vector<1000x128xf32>
    %max3A_29 = arith.constant 0.000000e+00 : f32
    %max3A_30 = vector.broadcast %max3A_29 : f32 to vector<1000x128xf32>
    %max3A_31 = arith.maximumf %add3A_28, %max3A_30 : vector<1000x128xf32>
    %get3A_32 = arith.constant 0 : index
    %get3A_33 = arith.constant 0 : index
    %get3A_34 = vector.load %arg8[%get3A_32, %get3A_33] : memref<1x128xf32, #tpu.memory_space<vmem>>, vector<1x128xf32>
    %get3A_35 = arith.constant 0 : index
    %get3A_36 = arith.constant 0 : index
    %get3A_37 = vector.load %arg9[%get3A_35, %get3A_36] : memref<1x128xf32, #tpu.memory_space<vmem>>, vector<1x128xf32>
    %reduce_sum3A = arith.constant dense<0.000000e+00> : vector<1000xf32>
    %reduce_sum3A_38 = vector.multi_reduction <add>, %max3A_31, %reduce_sum3A [1] : vector<1000x128xf32> to vector<1000xf32>
    %broadcast_in_dim3A = vector.shape_cast %reduce_sum3A_38 : vector<1000xf32> to vector<1000x1xf32>
    %div3A_39 = arith.constant 1.280000e+02 : f32
    %div3A_40 = vector.broadcast %div3A_39 : f32 to vector<1000x1xf32>
    %div3A_41 = arith.divf %broadcast_in_dim3A, %div3A_40 : vector<1000x1xf32>
    %sub3A = vector.broadcast %div3A_41 : vector<1000x1xf32> to vector<1000x128xf32>
    %sub3A_42 = arith.subf %max3A_31, %sub3A : vector<1000x128xf32>
    %integer_pow3A = arith.mulf %sub3A_42, %sub3A_42 : vector<1000x128xf32>
    %reduce_sum3A_43 = arith.constant dense<0.000000e+00> : vector<1000xf32>
    %reduce_sum3A_44 = vector.multi_reduction <add>, %integer_pow3A, %reduce_sum3A_43 [1] : vector<1000x128xf32> to vector<1000xf32>
    %broadcast_in_dim3A_45 = vector.shape_cast %reduce_sum3A_44 : vector<1000xf32> to vector<1000x1xf32>
    %div3A_46 = arith.constant 1.280000e+02 : f32
    %div3A_47 = vector.broadcast %div3A_46 : f32 to vector<1000x1xf32>
    %div3A_48 = arith.divf %broadcast_in_dim3A_45, %div3A_47 : vector<1000x1xf32>
    %sub3A_49 = vector.broadcast %div3A_41 : vector<1000x1xf32> to vector<1000x128xf32>
    %sub3A_50 = arith.subf %max3A_31, %sub3A_49 : vector<1000x128xf32>
    %add3A_51 = arith.constant 9.99999997E-7 : f32
    %add3A_52 = vector.broadcast %add3A_51 : f32 to vector<1000x1xf32>
    %add3A_53 = arith.addf %div3A_48, %add3A_52 : vector<1000x1xf32>
    %sqrt3A = math.sqrt %add3A_53 : vector<1000x1xf32>
    %div3A_54 = vector.broadcast %sqrt3A : vector<1000x1xf32> to vector<1000x128xf32>
    %div3A_55 = arith.divf %sub3A_50, %div3A_54 : vector<1000x128xf32>
    %mul3A = vector.broadcast %get3A_34 : vector<1x128xf32> to vector<1000x128xf32>
    %mul3A_56 = arith.mulf %div3A_55, %mul3A : vector<1000x128xf32>
    %add3A_57 = vector.broadcast %get3A_37 : vector<1x128xf32> to vector<1000x128xf32>
    %add3A_58 = arith.addf %mul3A_56, %add3A_57 : vector<1000x128xf32>
    %get3A_59 = arith.constant 0 : index
    %get3A_60 = arith.constant 0 : index
    %get3A_61 = arith.constant 0 : index
    %get3A_62 = vector.load %arg4[%get3A_59, %get3A_60, %get3A_61] : memref<1x1x1000xi32, #tpu.memory_space<vmem>>, vector<1x1x1000xi32>
    %get3A_63 = vector.shape_cast %get3A_62 : vector<1x1x1000xi32> to vector<1x1000xi32>
    %iota3A = tpu.iota {dimensions = array<i32: 0>} : vector<128x1000xi32>
    %eq3A = vector.broadcast %get3A_63 : vector<1x1000xi32> to vector<128x1000xi32>
    %eq3A_64 = arith.cmpi eq, %iota3A, %eq3A : vector<128x1000xi32>
    %convert_element_type3A = arith.extui %eq3A_64 : vector<128x1000xi1> to vector<128x1000xi32>
    %convert_element_type3A_65 = arith.sitofp %convert_element_type3A : vector<128x1000xi32> to vector<128x1000xf32>
    %dot_general3A_66 = arith.constant dense<0.000000e+00> : vector<128x128xf32>
    %dot_general3A_67 = tpu.matmul %convert_element_type3A_65, %add3A_58, %dot_general3A_66 {dimension_numbers = #tpu.dot_dimension_numbers<[1], [0], [0], [1], [0, 0, 1, 1], [], []>, transpose_lhs_hint = false} : vector<128x1000xf32>, vector<1000x128xf32>, vector<128x128xf32> -> vector<128x128xf32>
    %reduce_sum3A_68 = arith.constant dense<0.000000e+00> : vector<128xf32>
    %reduce_sum3A_69 = vector.multi_reduction <add>, %convert_element_type3A_65, %reduce_sum3A_68 [1] : vector<128x1000xf32> to vector<128xf32>
    %broadcast_in_dim3A_70 = vector.shape_cast %reduce_sum3A_69 : vector<128xf32> to vector<128x1xf32>
    %eq3A_71 = arith.constant 0 : i32
    %eq3A_72 = arith.cmpi eq, %arg0, %eq3A_71 : i32
    %convert_element_type3A_73 = arith.extui %eq3A_72 : i1 to i32
    %cond3A = arith.constant 0 : i32
    %cond3A_74 = arith.cmpi ne, %convert_element_type3A_73, %cond3A : i32
    scf.if %cond3A_74 {
      %broadcast_in_dim3A_88 = arith.constant 0.000000e+00 : f32
      %broadcast_in_dim3A_89 = vector.broadcast %broadcast_in_dim3A_88 : f32 to vector<128x128xf32>
      %swap3A_90 = arith.constant 0 : index
      %swap3A_91 = arith.constant 0 : index
      %swap3A_92 = vector.load %arg10[%swap3A_90, %swap3A_91] : memref<128x128xf32, #tpu.memory_space<vmem>>, vector<128x128xf32>
      tpu.vector_store %arg10[%swap3A_90, %swap3A_91], %broadcast_in_dim3A_89 {strides = array<i32>} : memref<128x128xf32, #tpu.memory_space<vmem>>, vector<128x128xf32>,
      %broadcast_in_dim3A_93 = arith.constant 0.000000e+00 : f32
      %broadcast_in_dim3A_94 = vector.broadcast %broadcast_in_dim3A_93 : f32 to vector<128x1xf32>
      %swap3A_95 = arith.constant 0 : index
      %swap3A_96 = arith.constant 0 : index
      %swap3A_97 = vector.load %arg11[%swap3A_95, %swap3A_96] : memref<128x1xf32, #tpu.memory_space<vmem>>, vector<128x1xf32>
      tpu.vector_store %arg11[%swap3A_95, %swap3A_96], %broadcast_in_dim3A_94 {strides = array<i32>} : memref<128x1xf32, #tpu.memory_space<vmem>>, vector<128x1xf32>,
    } else {
    }
    %get3A_75 = arith.constant 0 : index
    %get3A_76 = arith.constant 0 : index
    %get3A_77 = vector.load %arg10[%get3A_75, %get3A_76] : memref<128x128xf32, #tpu.memory_space<vmem>>, vector<128x128xf32>
    %add3A_78 = arith.addf %get3A_77, %dot_general3A_67 : vector<128x128xf32>
    %swap3A = arith.constant 0 : index
    %swap3A_79 = arith.constant 0 : index
    %swap3A_80 = vector.load %arg10[%swap3A, %swap3A_79] : memref<128x128xf32, #tpu.memory_space<vmem>>, vector<128x128xf32>
    tpu.vector_store %arg10[%swap3A, %swap3A_79], %add3A_78 {strides = array<i32>} : memref<128x128xf32, #tpu.memory_space<vmem>>, vector<128x128xf32>,
    %get3A_81 = arith.constant 0 : index
    %get3A_82 = arith.constant 0 : index
    %get3A_83 = vector.load %arg11[%get3A_81, %get3A_82] : memref<128x1xf32, #tpu.memory_space<vmem>>, vector<128x1xf32>
    %add3A_84 = arith.addf %get3A_83, %broadcast_in_dim3A_70 : vector<128x1xf32>
    %swap3A_85 = arith.constant 0 : index
    %swap3A_86 = arith.constant 0 : index
    %swap3A_87 = vector.load %arg11[%swap3A_85, %swap3A_86] : memref<128x1xf32, #tpu.memory_space<vmem>>, vector<128x1xf32>
    tpu.vector_store %arg11[%swap3A_85, %swap3A_86], %add3A_84 {strides = array<i32>} : memref<128x1xf32, #tpu.memory_space<vmem>>, vector<128x1xf32>,
    return
  }
  func.func @transform_0(%arg0: i32) -> (i32, i32) {
    %c0_i32 = arith.constant 0 : i32
    %c0_i32_0 = arith.constant 0 : i32
    return %arg0, %c0_i32 : i32, i32
  }
  func.func @transform_1(%arg0: i32) -> (i32, i32, i32) {
    %c0_i32 = arith.constant 0 : i32
    %c0_i32_0 = arith.constant 0 : i32
    %c0_i32_1 = arith.constant 0 : i32
    return %c0_i32, %arg0, %c0_i32_0 : i32, i32, i32
  }
  func.func @transform_2(%arg0: i32) -> (i32, i32) {
    %c0_i32 = arith.constant 0 : i32
    %c0_i32_0 = arith.constant 0 : i32
    return %arg0, %c0_i32 : i32, i32
  }
  func.func @transform_3(%arg0: i32) -> (i32, i32, i32) {
    %c0_i32 = arith.constant 0 : i32
    %c0_i32_0 = arith.constant 0 : i32
    %c0_i32_1 = arith.constant 0 : i32
    return %arg0, %c0_i32, %c0_i32_0 : i32, i32, i32
  }
  func.func @transform_4(%arg0: i32) -> (i32, i32) {
    %c0_i32 = arith.constant 0 : i32
    %c0_i32_0 = arith.constant 0 : i32
    %c0_i32_1 = arith.constant 0 : i32
    return %c0_i32, %c0_i32_0 : i32, i32
  }
  func.func @transform_5(%arg0: i32) -> (i32, i32) {
    %c0_i32 = arith.constant 0 : i32
    %c0_i32_0 = arith.constant 0 : i32
    %c0_i32_1 = arith.constant 0 : i32
    return %c0_i32, %c0_i32_0 : i32, i32
  }
  func.func @transform_6(%arg0: i32) -> (i32, i32) {
    %c0_i32 = arith.constant 0 : i32
    %c0_i32_0 = arith.constant 0 : i32
    %c0_i32_1 = arith.constant 0 : i32
    return %c0_i32, %c0_i32_0 : i32, i32
  }
  func.func @transform_7(%arg0: i32) -> (i32, i32) {
    %c0_i32 = arith.constant 0 : i32
    %c0_i32_0 = arith.constant 0 : i32
    %c0_i32_1 = arith.constant 0 : i32
    return %c0_i32, %c0_i32_0 : i32, i32
  }
  func.func @transform_8(%arg0: i32) -> (i32, i32) {
    %c0_i32 = arith.constant 0 : i32
    %c0_i32_0 = arith.constant 0 : i32
    %c0_i32_1 = arith.constant 0 : i32
    return %c0_i32, %c0_i32_0 : i32, i32
  }
  func.func @transform_9(%arg0: i32) -> (i32, i32) {
    %c0_i32 = arith.constant 0 : i32
    %c0_i32_0 = arith.constant 0 : i32
    %c0_i32_1 = arith.constant 0 : i32
    return %c0_i32, %c0_i32_0 : i32, i32
  }
  func.func @transform_10(%arg0: i32) -> (i32, i32) {
    %c0_i32 = arith.constant 0 : i32
    %c0_i32_0 = arith.constant 0 : i32
    %c0_i32_1 = arith.constant 0 : i32
    return %c0_i32, %c0_i32_0 : i32, i32
  }
}

module attributes {stable_mosaic.version = 14 : i64} {
  func.func @_head_body(%arg0: memref<128x128xf32, #tpu.memory_space<vmem>>, %arg1: memref<128x1xf32, #tpu.memory_space<vmem>>, %arg2: memref<2x1600xi32, #tpu.memory_space<vmem>>, %arg3: memref<1x128xf32, #tpu.memory_space<vmem>>, %arg4: memref<1x128xf32, #tpu.memory_space<vmem>>, %arg5: memref<128x128xf32, #tpu.memory_space<vmem>>, %arg6: memref<128x128xf32, #tpu.memory_space<vmem>>, %arg7: memref<1x128xf32, #tpu.memory_space<vmem>>, %arg8: memref<1x128xf32, #tpu.memory_space<vmem>>, %arg9: memref<1x128xf32, #tpu.memory_space<vmem>>, %arg10: memref<128x128xf32, #tpu.memory_space<vmem>>, %arg11: memref<1x128xf32, #tpu.memory_space<vmem>>, %arg12: memref<1x128xf32, #tpu.memory_space<vmem>>, %arg13: memref<101x128xf32, #tpu.memory_space<vmem>>, %arg14: memref<1x128xf32, #tpu.memory_space<vmem>>, %arg15: memref<1x128xf32, #tpu.memory_space<vmem>>, %arg16: memref<1x128xf32, #tpu.memory_space<vmem>>, %arg17: memref<1x128xf32, #tpu.memory_space<vmem>>, %arg18: memref<128x384xf32, #tpu.memory_space<vmem>>, %arg19: memref<1x384xf32, #tpu.memory_space<vmem>>, %arg20: memref<128x128xf32, #tpu.memory_space<vmem>>, %arg21: memref<1x128xf32, #tpu.memory_space<vmem>>, %arg22: memref<1x128xf32, #tpu.memory_space<vmem>>, %arg23: memref<1x128xf32, #tpu.memory_space<vmem>>, %arg24: memref<128x512xf32, #tpu.memory_space<vmem>>, %arg25: memref<1x512xf32, #tpu.memory_space<vmem>>, %arg26: memref<512x128xf32, #tpu.memory_space<vmem>>, %arg27: memref<1x128xf32, #tpu.memory_space<vmem>>, %arg28: memref<1x128xf32, #tpu.memory_space<vmem>>, %arg29: memref<1x128xf32, #tpu.memory_space<vmem>>, %arg30: memref<128x2xf32, #tpu.memory_space<vmem>>, %arg31: memref<1x2xf32, #tpu.memory_space<vmem>>, %arg32: memref<1x2xf32, #tpu.memory_space<vmem>>) attributes {dimension_semantics = [], scalar_prefetch = 0 : i64, scratch_operands = 0 : i64, tpu.core_type = #tpu.core_type<tc>} {
    %get3A = arith.constant 0 : index
    %get3A_0 = arith.constant 0 : index
    %get3A_1 = vector.load %arg1[%get3A, %get3A_0] : memref<128x1xf32, #tpu.memory_space<vmem>>, vector<128x1xf32>
    %max3A = arith.constant 1.000000e+00 : f32
    %max3A_2 = vector.broadcast %max3A : f32 to vector<128x1xf32>
    %max3A_3 = arith.maximumf %get3A_1, %max3A_2 : vector<128x1xf32>
    %get3A_4 = arith.constant 0 : index
    %get3A_5 = arith.constant 0 : index
    %get3A_6 = vector.load %arg0[%get3A_4, %get3A_5] : memref<128x128xf32, #tpu.memory_space<vmem>>, vector<128x128xf32>
    %div3A = vector.broadcast %max3A_3 : vector<128x1xf32> to vector<128x128xf32>
    %div3A_7 = arith.divf %get3A_6, %div3A : vector<128x128xf32>
    %get3A_8 = arith.constant 0 : index
    %get3A_9 = arith.constant 0 : index
    %get3A_10 = vector.load %arg3[%get3A_8, %get3A_9] : memref<1x128xf32, #tpu.memory_space<vmem>>, vector<1x128xf32>
    %get3A_11 = arith.constant 0 : index
    %get3A_12 = arith.constant 0 : index
    %get3A_13 = vector.load %arg4[%get3A_11, %get3A_12] : memref<1x128xf32, #tpu.memory_space<vmem>>, vector<1x128xf32>
    %reduce_sum3A = arith.constant dense<0.000000e+00> : vector<128xf32>
    %reduce_sum3A_14 = vector.multi_reduction <add>, %div3A_7, %reduce_sum3A [1] : vector<128x128xf32> to vector<128xf32>
    %broadcast_in_dim3A = vector.shape_cast %reduce_sum3A_14 : vector<128xf32> to vector<128x1xf32>
    %div3A_15 = arith.constant 1.280000e+02 : f32
    %div3A_16 = vector.broadcast %div3A_15 : f32 to vector<128x1xf32>
    %div3A_17 = arith.divf %broadcast_in_dim3A, %div3A_16 : vector<128x1xf32>
    %sub3A = vector.broadcast %div3A_17 : vector<128x1xf32> to vector<128x128xf32>
    %sub3A_18 = arith.subf %div3A_7, %sub3A : vector<128x128xf32>
    %integer_pow3A = arith.mulf %sub3A_18, %sub3A_18 : vector<128x128xf32>
    %reduce_sum3A_19 = arith.constant dense<0.000000e+00> : vector<128xf32>
    %reduce_sum3A_20 = vector.multi_reduction <add>, %integer_pow3A, %reduce_sum3A_19 [1] : vector<128x128xf32> to vector<128xf32>
    %broadcast_in_dim3A_21 = vector.shape_cast %reduce_sum3A_20 : vector<128xf32> to vector<128x1xf32>
    %div3A_22 = arith.constant 1.280000e+02 : f32
    %div3A_23 = vector.broadcast %div3A_22 : f32 to vector<128x1xf32>
    %div3A_24 = arith.divf %broadcast_in_dim3A_21, %div3A_23 : vector<128x1xf32>
    %sub3A_25 = vector.broadcast %div3A_17 : vector<128x1xf32> to vector<128x128xf32>
    %sub3A_26 = arith.subf %div3A_7, %sub3A_25 : vector<128x128xf32>
    %add3A = arith.constant 9.99999997E-7 : f32
    %add3A_27 = vector.broadcast %add3A : f32 to vector<128x1xf32>
    %add3A_28 = arith.addf %div3A_24, %add3A_27 : vector<128x1xf32>
    %sqrt3A = math.sqrt %add3A_28 : vector<128x1xf32>
    %div3A_29 = vector.broadcast %sqrt3A : vector<128x1xf32> to vector<128x128xf32>
    %div3A_30 = arith.divf %sub3A_26, %div3A_29 : vector<128x128xf32>
    %mul3A = vector.broadcast %get3A_10 : vector<1x128xf32> to vector<128x128xf32>
    %mul3A_31 = arith.mulf %div3A_30, %mul3A : vector<128x128xf32>
    %add3A_32 = vector.broadcast %get3A_13 : vector<1x128xf32> to vector<128x128xf32>
    %add3A_33 = arith.addf %mul3A_31, %add3A_32 : vector<128x128xf32>
    %get3A_34 = arith.constant 0 : index
    %get3A_35 = arith.constant 0 : index
    %get3A_36 = vector.load %arg2[%get3A_34, %get3A_35] : memref<2x1600xi32, #tpu.memory_space<vmem>>, vector<2x1600xi32>
    %iota3A = tpu.iota {dimensions = array<i32: 0>} : vector<128x1600xi32>
    %slice3A = vector.extract_strided_slice %get3A_36 {offsets = [1, 0], sizes = [1, 1600], strides = [1, 1]} : vector<2x1600xi32> to vector<1x1600xi32>
    %eq3A = vector.broadcast %slice3A : vector<1x1600xi32> to vector<128x1600xi32>
    %eq3A_37 = arith.cmpi eq, %iota3A, %eq3A : vector<128x1600xi32>
    %convert_element_type3A = arith.extui %eq3A_37 : vector<128x1600xi1> to vector<128x1600xi32>
    %convert_element_type3A_38 = arith.sitofp %convert_element_type3A : vector<128x1600xi32> to vector<128x1600xf32>
    %slice3A_39 = vector.extract_strided_slice %get3A_36 {offsets = [0, 0], sizes = [1, 1600], strides = [1, 1]} : vector<2x1600xi32> to vector<1x1600xi32>
    %eq3A_40 = vector.broadcast %slice3A_39 : vector<1x1600xi32> to vector<128x1600xi32>
    %eq3A_41 = arith.cmpi eq, %iota3A, %eq3A_40 : vector<128x1600xi32>
    %convert_element_type3A_42 = arith.extui %eq3A_41 : vector<128x1600xi1> to vector<128x1600xi32>
    %convert_element_type3A_43 = arith.sitofp %convert_element_type3A_42 : vector<128x1600xi32> to vector<128x1600xf32>
    %dot_general3A = arith.constant dense<0.000000e+00> : vector<128x128xf32>
    %dot_general3A_44 = tpu.matmul %convert_element_type3A_38, %convert_element_type3A_43, %dot_general3A {dimension_numbers = #tpu.dot_dimension_numbers<[1], [1], [0], [0], [0, 0, 1, 0], [], []>, transpose_lhs_hint = false} : vector<128x1600xf32>, vector<128x1600xf32>, vector<128x128xf32> -> vector<128x128xf32>
    %reduce_sum3A_45 = arith.constant dense<0.000000e+00> : vector<128xf32>
    %reduce_sum3A_46 = vector.multi_reduction <add>, %convert_element_type3A_38, %reduce_sum3A_45 [1] : vector<128x1600xf32> to vector<128xf32>
    %broadcast_in_dim3A_47 = vector.shape_cast %reduce_sum3A_46 : vector<128xf32> to vector<128x1xf32>
    %dot_general3A_48 = arith.constant dense<0.000000e+00> : vector<128x128xf32>
    %dot_general3A_49 = tpu.matmul %dot_general3A_44, %add3A_33, %dot_general3A_48 {dimension_numbers = #tpu.dot_dimension_numbers<[1], [0], [0], [1], [0, 0, 1, 1], [], []>, transpose_lhs_hint = false} : vector<128x128xf32>, vector<128x128xf32>, vector<128x128xf32> -> vector<128x128xf32>
    %max3A_50 = arith.constant 1.000000e+00 : f32
    %max3A_51 = vector.broadcast %max3A_50 : f32 to vector<128x1xf32>
    %max3A_52 = arith.maximumf %broadcast_in_dim3A_47, %max3A_51 : vector<128x1xf32>
    %div3A_53 = vector.broadcast %max3A_52 : vector<128x1xf32> to vector<128x128xf32>
    %div3A_54 = arith.divf %dot_general3A_49, %div3A_53 : vector<128x128xf32>
    %get3A_55 = arith.constant 0 : index
    %get3A_56 = arith.constant 0 : index
    %get3A_57 = vector.load %arg5[%get3A_55, %get3A_56] : memref<128x128xf32, #tpu.memory_space<vmem>>, vector<128x128xf32>
    %dot_general3A_58 = arith.constant dense<0.000000e+00> : vector<128x128xf32>
    %dot_general3A_59 = tpu.matmul %add3A_33, %get3A_57, %dot_general3A_58 {dimension_numbers = #tpu.dot_dimension_numbers<[1], [0], [0], [1], [0, 0, 1, 1], [], []>, transpose_lhs_hint = false} : vector<128x128xf32>, vector<128x128xf32>, vector<128x128xf32> -> vector<128x128xf32>
    %get3A_60 = arith.constant 0 : index
    %get3A_61 = arith.constant 0 : index
    %get3A_62 = vector.load %arg6[%get3A_60, %get3A_61] : memref<128x128xf32, #tpu.memory_space<vmem>>, vector<128x128xf32>
    %dot_general3A_63 = arith.constant dense<0.000000e+00> : vector<128x128xf32>
    %dot_general3A_64 = tpu.matmul %div3A_54, %get3A_62, %dot_general3A_63 {dimension_numbers = #tpu.dot_dimension_numbers<[1], [0], [0], [1], [0, 0, 1, 1], [], []>, transpose_lhs_hint = false} : vector<128x128xf32>, vector<128x128xf32>, vector<128x128xf32> -> vector<128x128xf32>
    %add3A_65 = arith.addf %dot_general3A_59, %dot_general3A_64 : vector<128x128xf32>
    %get3A_66 = arith.constant 0 : index
    %get3A_67 = arith.constant 0 : index
    %get3A_68 = vector.load %arg7[%get3A_66, %get3A_67] : memref<1x128xf32, #tpu.memory_space<vmem>>, vector<1x128xf32>
    %add3A_69 = vector.broadcast %get3A_68 : vector<1x128xf32> to vector<128x128xf32>
    %add3A_70 = arith.addf %add3A_65, %add3A_69 : vector<128x128xf32>
    %max3A_71 = arith.constant 0.000000e+00 : f32
    %max3A_72 = vector.broadcast %max3A_71 : f32 to vector<128x128xf32>
    %max3A_73 = arith.maximumf %add3A_70, %max3A_72 : vector<128x128xf32>
    %get3A_74 = arith.constant 0 : index
    %get3A_75 = arith.constant 0 : index
    %get3A_76 = vector.load %arg8[%get3A_74, %get3A_75] : memref<1x128xf32, #tpu.memory_space<vmem>>, vector<1x128xf32>
    %get3A_77 = arith.constant 0 : index
    %get3A_78 = arith.constant 0 : index
    %get3A_79 = vector.load %arg9[%get3A_77, %get3A_78] : memref<1x128xf32, #tpu.memory_space<vmem>>, vector<1x128xf32>
    %reduce_sum3A_80 = arith.constant dense<0.000000e+00> : vector<128xf32>
    %reduce_sum3A_81 = vector.multi_reduction <add>, %max3A_73, %reduce_sum3A_80 [1] : vector<128x128xf32> to vector<128xf32>
    %broadcast_in_dim3A_82 = vector.shape_cast %reduce_sum3A_81 : vector<128xf32> to vector<128x1xf32>
    %div3A_83 = arith.constant 1.280000e+02 : f32
    %div3A_84 = vector.broadcast %div3A_83 : f32 to vector<128x1xf32>
    %div3A_85 = arith.divf %broadcast_in_dim3A_82, %div3A_84 : vector<128x1xf32>
    %sub3A_86 = vector.broadcast %div3A_85 : vector<128x1xf32> to vector<128x128xf32>
    %sub3A_87 = arith.subf %max3A_73, %sub3A_86 : vector<128x128xf32>
    %integer_pow3A_88 = arith.mulf %sub3A_87, %sub3A_87 : vector<128x128xf32>
    %reduce_sum3A_89 = arith.constant dense<0.000000e+00> : vector<128xf32>
    %reduce_sum3A_90 = vector.multi_reduction <add>, %integer_pow3A_88, %reduce_sum3A_89 [1] : vector<128x128xf32> to vector<128xf32>
    %broadcast_in_dim3A_91 = vector.shape_cast %reduce_sum3A_90 : vector<128xf32> to vector<128x1xf32>
    %div3A_92 = arith.constant 1.280000e+02 : f32
    %div3A_93 = vector.broadcast %div3A_92 : f32 to vector<128x1xf32>
    %div3A_94 = arith.divf %broadcast_in_dim3A_91, %div3A_93 : vector<128x1xf32>
    %sub3A_95 = vector.broadcast %div3A_85 : vector<128x1xf32> to vector<128x128xf32>
    %sub3A_96 = arith.subf %max3A_73, %sub3A_95 : vector<128x128xf32>
    %add3A_97 = arith.constant 9.99999997E-7 : f32
    %add3A_98 = vector.broadcast %add3A_97 : f32 to vector<128x1xf32>
    %add3A_99 = arith.addf %div3A_94, %add3A_98 : vector<128x1xf32>
    %sqrt3A_100 = math.sqrt %add3A_99 : vector<128x1xf32>
    %div3A_101 = vector.broadcast %sqrt3A_100 : vector<128x1xf32> to vector<128x128xf32>
    %div3A_102 = arith.divf %sub3A_96, %div3A_101 : vector<128x128xf32>
    %mul3A_103 = vector.broadcast %get3A_76 : vector<1x128xf32> to vector<128x128xf32>
    %mul3A_104 = arith.mulf %div3A_102, %mul3A_103 : vector<128x128xf32>
    %add3A_105 = vector.broadcast %get3A_79 : vector<1x128xf32> to vector<128x128xf32>
    %add3A_106 = arith.addf %mul3A_104, %add3A_105 : vector<128x128xf32>
    %get3A_107 = arith.constant 0 : index
    %get3A_108 = arith.constant 0 : index
    %get3A_109 = vector.load %arg10[%get3A_107, %get3A_108] : memref<128x128xf32, #tpu.memory_space<vmem>>, vector<128x128xf32>
    %dot_general3A_110 = arith.constant dense<0.000000e+00> : vector<128x128xf32>
    %dot_general3A_111 = tpu.matmul %add3A_106, %get3A_109, %dot_general3A_110 {dimension_numbers = #tpu.dot_dimension_numbers<[1], [0], [0], [1], [0, 0, 1, 1], [], []>, transpose_lhs_hint = false} : vector<128x128xf32>, vector<128x128xf32>, vector<128x128xf32> -> vector<128x128xf32>
    %get3A_112 = arith.constant 0 : index
    %get3A_113 = arith.constant 0 : index
    %get3A_114 = vector.load %arg11[%get3A_112, %get3A_113] : memref<1x128xf32, #tpu.memory_space<vmem>>, vector<1x128xf32>
    %add3A_115 = vector.broadcast %get3A_114 : vector<1x128xf32> to vector<128x128xf32>
    %add3A_116 = arith.addf %dot_general3A_111, %add3A_115 : vector<128x128xf32>
    %get3A_117 = arith.constant 0 : index
    %get3A_118 = arith.constant 0 : index
    %get3A_119 = vector.load %arg12[%get3A_117, %get3A_118] : memref<1x128xf32, #tpu.memory_space<vmem>>, vector<1x128xf32>
    %slice3A_120 = vector.extract_strided_slice %add3A_116 {offsets = [0, 0], sizes = [100, 128], strides = [1, 1]} : vector<128x128xf32> to vector<100x128xf32>
    %concatenate3A = tpu.concatenate %get3A_119, %slice3A_120 in 0 : vector<1x128xf32>, vector<100x128xf32> -> vector<101x128xf32>
    %get3A_121 = arith.constant 0 : index
    %get3A_122 = arith.constant 0 : index
    %get3A_123 = vector.load %arg13[%get3A_121, %get3A_122] : memref<101x128xf32, #tpu.memory_space<vmem>>, vector<101x128xf32>
    %add3A_124 = arith.addf %concatenate3A, %get3A_123 : vector<101x128xf32>
    %get3A_125 = arith.constant 0 : index
    %get3A_126 = arith.constant 0 : index
    %get3A_127 = vector.load %arg14[%get3A_125, %get3A_126] : memref<1x128xf32, #tpu.memory_space<vmem>>, vector<1x128xf32>
    %get3A_128 = arith.constant 0 : index
    %get3A_129 = arith.constant 0 : index
    %get3A_130 = vector.load %arg15[%get3A_128, %get3A_129] : memref<1x128xf32, #tpu.memory_space<vmem>>, vector<1x128xf32>
    %reduce_sum3A_131 = arith.constant dense<0.000000e+00> : vector<101xf32>
    %reduce_sum3A_132 = vector.multi_reduction <add>, %add3A_124, %reduce_sum3A_131 [1] : vector<101x128xf32> to vector<101xf32>
    %broadcast_in_dim3A_133 = vector.shape_cast %reduce_sum3A_132 : vector<101xf32> to vector<101x1xf32>
    %div3A_134 = arith.constant 1.280000e+02 : f32
    %div3A_135 = vector.broadcast %div3A_134 : f32 to vector<101x1xf32>
    %div3A_136 = arith.divf %broadcast_in_dim3A_133, %div3A_135 : vector<101x1xf32>
    %sub3A_137 = vector.broadcast %div3A_136 : vector<101x1xf32> to vector<101x128xf32>
    %sub3A_138 = arith.subf %add3A_124, %sub3A_137 : vector<101x128xf32>
    %integer_pow3A_139 = arith.mulf %sub3A_138, %sub3A_138 : vector<101x128xf32>
    %reduce_sum3A_140 = arith.constant dense<0.000000e+00> : vector<101xf32>
    %reduce_sum3A_141 = vector.multi_reduction <add>, %integer_pow3A_139, %reduce_sum3A_140 [1] : vector<101x128xf32> to vector<101xf32>
    %broadcast_in_dim3A_142 = vector.shape_cast %reduce_sum3A_141 : vector<101xf32> to vector<101x1xf32>
    %div3A_143 = arith.constant 1.280000e+02 : f32
    %div3A_144 = vector.broadcast %div3A_143 : f32 to vector<101x1xf32>
    %div3A_145 = arith.divf %broadcast_in_dim3A_142, %div3A_144 : vector<101x1xf32>
    %sub3A_146 = vector.broadcast %div3A_136 : vector<101x1xf32> to vector<101x128xf32>
    %sub3A_147 = arith.subf %add3A_124, %sub3A_146 : vector<101x128xf32>
    %add3A_148 = arith.constant 9.99999997E-7 : f32
    %add3A_149 = vector.broadcast %add3A_148 : f32 to vector<101x1xf32>
    %add3A_150 = arith.addf %div3A_145, %add3A_149 : vector<101x1xf32>
    %sqrt3A_151 = math.sqrt %add3A_150 : vector<101x1xf32>
    %div3A_152 = vector.broadcast %sqrt3A_151 : vector<101x1xf32> to vector<101x128xf32>
    %div3A_153 = arith.divf %sub3A_147, %div3A_152 : vector<101x128xf32>
    %mul3A_154 = vector.broadcast %get3A_127 : vector<1x128xf32> to vector<101x128xf32>
    %mul3A_155 = arith.mulf %div3A_153, %mul3A_154 : vector<101x128xf32>
    %add3A_156 = vector.broadcast %get3A_130 : vector<1x128xf32> to vector<101x128xf32>
    %add3A_157 = arith.addf %mul3A_155, %add3A_156 : vector<101x128xf32>
    %get3A_158 = arith.constant 0 : index
    %get3A_159 = arith.constant 0 : index
    %get3A_160 = vector.load %arg16[%get3A_158, %get3A_159] : memref<1x128xf32, #tpu.memory_space<vmem>>, vector<1x128xf32>
    %get3A_161 = arith.constant 0 : index
    %get3A_162 = arith.constant 0 : index
    %get3A_163 = vector.load %arg17[%get3A_161, %get3A_162] : memref<1x128xf32, #tpu.memory_space<vmem>>, vector<1x128xf32>
    %reduce_sum3A_164 = arith.constant dense<0.000000e+00> : vector<101xf32>
    %reduce_sum3A_165 = vector.multi_reduction <add>, %add3A_157, %reduce_sum3A_164 [1] : vector<101x128xf32> to vector<101xf32>
    %broadcast_in_dim3A_166 = vector.shape_cast %reduce_sum3A_165 : vector<101xf32> to vector<101x1xf32>
    %div3A_167 = arith.constant 1.280000e+02 : f32
    %div3A_168 = vector.broadcast %div3A_167 : f32 to vector<101x1xf32>
    %div3A_169 = arith.divf %broadcast_in_dim3A_166, %div3A_168 : vector<101x1xf32>
    %sub3A_170 = vector.broadcast %div3A_169 : vector<101x1xf32> to vector<101x128xf32>
    %sub3A_171 = arith.subf %add3A_157, %sub3A_170 : vector<101x128xf32>
    %integer_pow3A_172 = arith.mulf %sub3A_171, %sub3A_171 : vector<101x128xf32>
    %reduce_sum3A_173 = arith.constant dense<0.000000e+00> : vector<101xf32>
    %reduce_sum3A_174 = vector.multi_reduction <add>, %integer_pow3A_172, %reduce_sum3A_173 [1] : vector<101x128xf32> to vector<101xf32>
    %broadcast_in_dim3A_175 = vector.shape_cast %reduce_sum3A_174 : vector<101xf32> to vector<101x1xf32>
    %div3A_176 = arith.constant 1.280000e+02 : f32
    %div3A_177 = vector.broadcast %div3A_176 : f32 to vector<101x1xf32>
    %div3A_178 = arith.divf %broadcast_in_dim3A_175, %div3A_177 : vector<101x1xf32>
    %sub3A_179 = vector.broadcast %div3A_169 : vector<101x1xf32> to vector<101x128xf32>
    %sub3A_180 = arith.subf %add3A_157, %sub3A_179 : vector<101x128xf32>
    %add3A_181 = arith.constant 9.99999997E-7 : f32
    %add3A_182 = vector.broadcast %add3A_181 : f32 to vector<101x1xf32>
    %add3A_183 = arith.addf %div3A_178, %add3A_182 : vector<101x1xf32>
    %sqrt3A_184 = math.sqrt %add3A_183 : vector<101x1xf32>
    %div3A_185 = vector.broadcast %sqrt3A_184 : vector<101x1xf32> to vector<101x128xf32>
    %div3A_186 = arith.divf %sub3A_180, %div3A_185 : vector<101x128xf32>
    %mul3A_187 = vector.broadcast %get3A_160 : vector<1x128xf32> to vector<101x128xf32>
    %mul3A_188 = arith.mulf %div3A_186, %mul3A_187 : vector<101x128xf32>
    %add3A_189 = vector.broadcast %get3A_163 : vector<1x128xf32> to vector<101x128xf32>
    %add3A_190 = arith.addf %mul3A_188, %add3A_189 : vector<101x128xf32>
    %get3A_191 = arith.constant 0 : index
    %get3A_192 = arith.constant 0 : index
    %get3A_193 = vector.load %arg18[%get3A_191, %get3A_192] : memref<128x384xf32, #tpu.memory_space<vmem>>, vector<128x384xf32>
    %dot_general3A_194 = arith.constant dense<0.000000e+00> : vector<101x384xf32>
    %dot_general3A_195 = tpu.matmul %add3A_190, %get3A_193, %dot_general3A_194 {dimension_numbers = #tpu.dot_dimension_numbers<[1], [0], [0], [1], [0, 0, 1, 1], [], []>, transpose_lhs_hint = false} : vector<101x128xf32>, vector<128x384xf32>, vector<101x384xf32> -> vector<101x384xf32>
    %get3A_196 = arith.constant 0 : index
    %get3A_197 = arith.constant 0 : index
    %get3A_198 = vector.load %arg19[%get3A_196, %get3A_197] : memref<1x384xf32, #tpu.memory_space<vmem>>, vector<1x384xf32>
    %add3A_199 = vector.broadcast %get3A_198 : vector<1x384xf32> to vector<101x384xf32>
    %add3A_200 = arith.addf %dot_general3A_195, %add3A_199 : vector<101x384xf32>
    %slice3A_201 = vector.extract_strided_slice %add3A_200 {offsets = [0, 0], sizes = [101, 32], strides = [1, 1]} : vector<101x384xf32> to vector<101x32xf32>
    %slice3A_202 = vector.extract_strided_slice %add3A_200 {offsets = [0, 128], sizes = [101, 32], strides = [1, 1]} : vector<101x384xf32> to vector<101x32xf32>
    %slice3A_203 = vector.extract_strided_slice %add3A_200 {offsets = [0, 256], sizes = [101, 32], strides = [1, 1]} : vector<101x384xf32> to vector<101x32xf32>
    %dot_general3A_204 = arith.constant dense<0.000000e+00> : vector<101x101xf32>
    %dot_general3A_205 = tpu.matmul %slice3A_201, %slice3A_202, %dot_general3A_204 {dimension_numbers = #tpu.dot_dimension_numbers<[1], [1], [0], [0], [0, 0, 1, 0], [], []>, transpose_lhs_hint = false} : vector<101x32xf32>, vector<101x32xf32>, vector<101x101xf32> -> vector<101x101xf32>
    %mul3A_206 = arith.constant 0.176776692 : f32
    %mul3A_207 = vector.broadcast %mul3A_206 : f32 to vector<101x101xf32>
    %mul3A_208 = arith.mulf %dot_general3A_205, %mul3A_207 : vector<101x101xf32>
    %reduce_max3A = arith.constant dense<0xFF800000> : vector<101xf32>
    %reduce_max3A_209 = vector.multi_reduction <maximumf>, %mul3A_208, %reduce_max3A [1] : vector<101x101xf32> to vector<101xf32>
    %broadcast_in_dim3A_210 = vector.shape_cast %reduce_max3A_209 : vector<101xf32> to vector<101x1xf32>
    %sub3A_211 = vector.broadcast %broadcast_in_dim3A_210 : vector<101x1xf32> to vector<101x101xf32>
    %sub3A_212 = arith.subf %mul3A_208, %sub3A_211 : vector<101x101xf32>
    %exp3A = math.exp %sub3A_212 : vector<101x101xf32>
    %reduce_sum3A_213 = arith.constant dense<0.000000e+00> : vector<101xf32>
    %reduce_sum3A_214 = vector.multi_reduction <add>, %exp3A, %reduce_sum3A_213 [1] : vector<101x101xf32> to vector<101xf32>
    %broadcast_in_dim3A_215 = vector.shape_cast %reduce_sum3A_214 : vector<101xf32> to vector<101x1xf32>
    %div3A_216 = vector.broadcast %broadcast_in_dim3A_215 : vector<101x1xf32> to vector<101x101xf32>
    %div3A_217 = arith.divf %exp3A, %div3A_216 : vector<101x101xf32>
    %dot_general3A_218 = arith.constant dense<0.000000e+00> : vector<101x32xf32>
    %dot_general3A_219 = tpu.matmul %div3A_217, %slice3A_203, %dot_general3A_218 {dimension_numbers = #tpu.dot_dimension_numbers<[1], [0], [0], [1], [0, 0, 1, 1], [], []>, transpose_lhs_hint = false} : vector<101x101xf32>, vector<101x32xf32>, vector<101x32xf32> -> vector<101x32xf32>
    %slice3A_220 = vector.extract_strided_slice %add3A_200 {offsets = [0, 32], sizes = [101, 32], strides = [1, 1]} : vector<101x384xf32> to vector<101x32xf32>
    %slice3A_221 = vector.extract_strided_slice %add3A_200 {offsets = [0, 160], sizes = [101, 32], strides = [1, 1]} : vector<101x384xf32> to vector<101x32xf32>
    %slice3A_222 = vector.extract_strided_slice %add3A_200 {offsets = [0, 288], sizes = [101, 32], strides = [1, 1]} : vector<101x384xf32> to vector<101x32xf32>
    %dot_general3A_223 = arith.constant dense<0.000000e+00> : vector<101x101xf32>
    %dot_general3A_224 = tpu.matmul %slice3A_220, %slice3A_221, %dot_general3A_223 {dimension_numbers = #tpu.dot_dimension_numbers<[1], [1], [0], [0], [0, 0, 1, 0], [], []>, transpose_lhs_hint = false} : vector<101x32xf32>, vector<101x32xf32>, vector<101x101xf32> -> vector<101x101xf32>
    %mul3A_225 = arith.constant 0.176776692 : f32
    %mul3A_226 = vector.broadcast %mul3A_225 : f32 to vector<101x101xf32>
    %mul3A_227 = arith.mulf %dot_general3A_224, %mul3A_226 : vector<101x101xf32>
    %reduce_max3A_228 = arith.constant dense<0xFF800000> : vector<101xf32>
    %reduce_max3A_229 = vector.multi_reduction <maximumf>, %mul3A_227, %reduce_max3A_228 [1] : vector<101x101xf32> to vector<101xf32>
    %broadcast_in_dim3A_230 = vector.shape_cast %reduce_max3A_229 : vector<101xf32> to vector<101x1xf32>
    %sub3A_231 = vector.broadcast %broadcast_in_dim3A_230 : vector<101x1xf32> to vector<101x101xf32>
    %sub3A_232 = arith.subf %mul3A_227, %sub3A_231 : vector<101x101xf32>
    %exp3A_233 = math.exp %sub3A_232 : vector<101x101xf32>
    %reduce_sum3A_234 = arith.constant dense<0.000000e+00> : vector<101xf32>
    %reduce_sum3A_235 = vector.multi_reduction <add>, %exp3A_233, %reduce_sum3A_234 [1] : vector<101x101xf32> to vector<101xf32>
    %broadcast_in_dim3A_236 = vector.shape_cast %reduce_sum3A_235 : vector<101xf32> to vector<101x1xf32>
    %div3A_237 = vector.broadcast %broadcast_in_dim3A_236 : vector<101x1xf32> to vector<101x101xf32>
    %div3A_238 = arith.divf %exp3A_233, %div3A_237 : vector<101x101xf32>
    %dot_general3A_239 = arith.constant dense<0.000000e+00> : vector<101x32xf32>
    %dot_general3A_240 = tpu.matmul %div3A_238, %slice3A_222, %dot_general3A_239 {dimension_numbers = #tpu.dot_dimension_numbers<[1], [0], [0], [1], [0, 0, 1, 1], [], []>, transpose_lhs_hint = false} : vector<101x101xf32>, vector<101x32xf32>, vector<101x32xf32> -> vector<101x32xf32>
    %slice3A_241 = vector.extract_strided_slice %add3A_200 {offsets = [0, 64], sizes = [101, 32], strides = [1, 1]} : vector<101x384xf32> to vector<101x32xf32>
    %slice3A_242 = vector.extract_strided_slice %add3A_200 {offsets = [0, 192], sizes = [101, 32], strides = [1, 1]} : vector<101x384xf32> to vector<101x32xf32>
    %slice3A_243 = vector.extract_strided_slice %add3A_200 {offsets = [0, 320], sizes = [101, 32], strides = [1, 1]} : vector<101x384xf32> to vector<101x32xf32>
    %dot_general3A_244 = arith.constant dense<0.000000e+00> : vector<101x101xf32>
    %dot_general3A_245 = tpu.matmul %slice3A_241, %slice3A_242, %dot_general3A_244 {dimension_numbers = #tpu.dot_dimension_numbers<[1], [1], [0], [0], [0, 0, 1, 0], [], []>, transpose_lhs_hint = false} : vector<101x32xf32>, vector<101x32xf32>, vector<101x101xf32> -> vector<101x101xf32>
    %mul3A_246 = arith.constant 0.176776692 : f32
    %mul3A_247 = vector.broadcast %mul3A_246 : f32 to vector<101x101xf32>
    %mul3A_248 = arith.mulf %dot_general3A_245, %mul3A_247 : vector<101x101xf32>
    %reduce_max3A_249 = arith.constant dense<0xFF800000> : vector<101xf32>
    %reduce_max3A_250 = vector.multi_reduction <maximumf>, %mul3A_248, %reduce_max3A_249 [1] : vector<101x101xf32> to vector<101xf32>
    %broadcast_in_dim3A_251 = vector.shape_cast %reduce_max3A_250 : vector<101xf32> to vector<101x1xf32>
    %sub3A_252 = vector.broadcast %broadcast_in_dim3A_251 : vector<101x1xf32> to vector<101x101xf32>
    %sub3A_253 = arith.subf %mul3A_248, %sub3A_252 : vector<101x101xf32>
    %exp3A_254 = math.exp %sub3A_253 : vector<101x101xf32>
    %reduce_sum3A_255 = arith.constant dense<0.000000e+00> : vector<101xf32>
    %reduce_sum3A_256 = vector.multi_reduction <add>, %exp3A_254, %reduce_sum3A_255 [1] : vector<101x101xf32> to vector<101xf32>
    %broadcast_in_dim3A_257 = vector.shape_cast %reduce_sum3A_256 : vector<101xf32> to vector<101x1xf32>
    %div3A_258 = vector.broadcast %broadcast_in_dim3A_257 : vector<101x1xf32> to vector<101x101xf32>
    %div3A_259 = arith.divf %exp3A_254, %div3A_258 : vector<101x101xf32>
    %dot_general3A_260 = arith.constant dense<0.000000e+00> : vector<101x32xf32>
    %dot_general3A_261 = tpu.matmul %div3A_259, %slice3A_243, %dot_general3A_260 {dimension_numbers = #tpu.dot_dimension_numbers<[1], [0], [0], [1], [0, 0, 1, 1], [], []>, transpose_lhs_hint = false} : vector<101x101xf32>, vector<101x32xf32>, vector<101x32xf32> -> vector<101x32xf32>
    %slice3A_262 = vector.extract_strided_slice %add3A_200 {offsets = [0, 96], sizes = [101, 32], strides = [1, 1]} : vector<101x384xf32> to vector<101x32xf32>
    %slice3A_263 = vector.extract_strided_slice %add3A_200 {offsets = [0, 224], sizes = [101, 32], strides = [1, 1]} : vector<101x384xf32> to vector<101x32xf32>
    %slice3A_264 = vector.extract_strided_slice %add3A_200 {offsets = [0, 352], sizes = [101, 32], strides = [1, 1]} : vector<101x384xf32> to vector<101x32xf32>
    %dot_general3A_265 = arith.constant dense<0.000000e+00> : vector<101x101xf32>
    %dot_general3A_266 = tpu.matmul %slice3A_262, %slice3A_263, %dot_general3A_265 {dimension_numbers = #tpu.dot_dimension_numbers<[1], [1], [0], [0], [0, 0, 1, 0], [], []>, transpose_lhs_hint = false} : vector<101x32xf32>, vector<101x32xf32>, vector<101x101xf32> -> vector<101x101xf32>
    %mul3A_267 = arith.constant 0.176776692 : f32
    %mul3A_268 = vector.broadcast %mul3A_267 : f32 to vector<101x101xf32>
    %mul3A_269 = arith.mulf %dot_general3A_266, %mul3A_268 : vector<101x101xf32>
    %reduce_max3A_270 = arith.constant dense<0xFF800000> : vector<101xf32>
    %reduce_max3A_271 = vector.multi_reduction <maximumf>, %mul3A_269, %reduce_max3A_270 [1] : vector<101x101xf32> to vector<101xf32>
    %broadcast_in_dim3A_272 = vector.shape_cast %reduce_max3A_271 : vector<101xf32> to vector<101x1xf32>
    %sub3A_273 = vector.broadcast %broadcast_in_dim3A_272 : vector<101x1xf32> to vector<101x101xf32>
    %sub3A_274 = arith.subf %mul3A_269, %sub3A_273 : vector<101x101xf32>
    %exp3A_275 = math.exp %sub3A_274 : vector<101x101xf32>
    %reduce_sum3A_276 = arith.constant dense<0.000000e+00> : vector<101xf32>
    %reduce_sum3A_277 = vector.multi_reduction <add>, %exp3A_275, %reduce_sum3A_276 [1] : vector<101x101xf32> to vector<101xf32>
    %broadcast_in_dim3A_278 = vector.shape_cast %reduce_sum3A_277 : vector<101xf32> to vector<101x1xf32>
    %div3A_279 = vector.broadcast %broadcast_in_dim3A_278 : vector<101x1xf32> to vector<101x101xf32>
    %div3A_280 = arith.divf %exp3A_275, %div3A_279 : vector<101x101xf32>
    %dot_general3A_281 = arith.constant dense<0.000000e+00> : vector<101x32xf32>
    %dot_general3A_282 = tpu.matmul %div3A_280, %slice3A_264, %dot_general3A_281 {dimension_numbers = #tpu.dot_dimension_numbers<[1], [0], [0], [1], [0, 0, 1, 1], [], []>, transpose_lhs_hint = false} : vector<101x101xf32>, vector<101x32xf32>, vector<101x32xf32> -> vector<101x32xf32>
    %concatenate3A_283 = tpu.concatenate %dot_general3A_219, %dot_general3A_240, %dot_general3A_261, %dot_general3A_282 in 1 : vector<101x32xf32>, vector<101x32xf32>, vector<101x32xf32>, vector<101x32xf32> -> vector<101x128xf32>
    %get3A_284 = arith.constant 0 : index
    %get3A_285 = arith.constant 0 : index
    %get3A_286 = vector.load %arg20[%get3A_284, %get3A_285] : memref<128x128xf32, #tpu.memory_space<vmem>>, vector<128x128xf32>
    %dot_general3A_287 = arith.constant dense<0.000000e+00> : vector<101x128xf32>
    %dot_general3A_288 = tpu.matmul %concatenate3A_283, %get3A_286, %dot_general3A_287 {dimension_numbers = #tpu.dot_dimension_numbers<[1], [0], [0], [1], [0, 0, 1, 1], [], []>, transpose_lhs_hint = false} : vector<101x128xf32>, vector<128x128xf32>, vector<101x128xf32> -> vector<101x128xf32>
    %add3A_289 = arith.addf %add3A_157, %dot_general3A_288 : vector<101x128xf32>
    %get3A_290 = arith.constant 0 : index
    %get3A_291 = arith.constant 0 : index
    %get3A_292 = vector.load %arg21[%get3A_290, %get3A_291] : memref<1x128xf32, #tpu.memory_space<vmem>>, vector<1x128xf32>
    %add3A_293 = vector.broadcast %get3A_292 : vector<1x128xf32> to vector<101x128xf32>
    %add3A_294 = arith.addf %add3A_289, %add3A_293 : vector<101x128xf32>
    %get3A_295 = arith.constant 0 : index
    %get3A_296 = arith.constant 0 : index
    %get3A_297 = vector.load %arg22[%get3A_295, %get3A_296] : memref<1x128xf32, #tpu.memory_space<vmem>>, vector<1x128xf32>
    %get3A_298 = arith.constant 0 : index
    %get3A_299 = arith.constant 0 : index
    %get3A_300 = vector.load %arg23[%get3A_298, %get3A_299] : memref<1x128xf32, #tpu.memory_space<vmem>>, vector<1x128xf32>
    %reduce_sum3A_301 = arith.constant dense<0.000000e+00> : vector<101xf32>
    %reduce_sum3A_302 = vector.multi_reduction <add>, %add3A_294, %reduce_sum3A_301 [1] : vector<101x128xf32> to vector<101xf32>
    %broadcast_in_dim3A_303 = vector.shape_cast %reduce_sum3A_302 : vector<101xf32> to vector<101x1xf32>
    %div3A_304 = arith.constant 1.280000e+02 : f32
    %div3A_305 = vector.broadcast %div3A_304 : f32 to vector<101x1xf32>
    %div3A_306 = arith.divf %broadcast_in_dim3A_303, %div3A_305 : vector<101x1xf32>
    %sub3A_307 = vector.broadcast %div3A_306 : vector<101x1xf32> to vector<101x128xf32>
    %sub3A_308 = arith.subf %add3A_294, %sub3A_307 : vector<101x128xf32>
    %integer_pow3A_309 = arith.mulf %sub3A_308, %sub3A_308 : vector<101x128xf32>
    %reduce_sum3A_310 = arith.constant dense<0.000000e+00> : vector<101xf32>
    %reduce_sum3A_311 = vector.multi_reduction <add>, %integer_pow3A_309, %reduce_sum3A_310 [1] : vector<101x128xf32> to vector<101xf32>
    %broadcast_in_dim3A_312 = vector.shape_cast %reduce_sum3A_311 : vector<101xf32> to vector<101x1xf32>
    %div3A_313 = arith.constant 1.280000e+02 : f32
    %div3A_314 = vector.broadcast %div3A_313 : f32 to vector<101x1xf32>
    %div3A_315 = arith.divf %broadcast_in_dim3A_312, %div3A_314 : vector<101x1xf32>
    %sub3A_316 = vector.broadcast %div3A_306 : vector<101x1xf32> to vector<101x128xf32>
    %sub3A_317 = arith.subf %add3A_294, %sub3A_316 : vector<101x128xf32>
    %add3A_318 = arith.constant 9.99999997E-7 : f32
    %add3A_319 = vector.broadcast %add3A_318 : f32 to vector<101x1xf32>
    %add3A_320 = arith.addf %div3A_315, %add3A_319 : vector<101x1xf32>
    %sqrt3A_321 = math.sqrt %add3A_320 : vector<101x1xf32>
    %div3A_322 = vector.broadcast %sqrt3A_321 : vector<101x1xf32> to vector<101x128xf32>
    %div3A_323 = arith.divf %sub3A_317, %div3A_322 : vector<101x128xf32>
    %mul3A_324 = vector.broadcast %get3A_297 : vector<1x128xf32> to vector<101x128xf32>
    %mul3A_325 = arith.mulf %div3A_323, %mul3A_324 : vector<101x128xf32>
    %add3A_326 = vector.broadcast %get3A_300 : vector<1x128xf32> to vector<101x128xf32>
    %add3A_327 = arith.addf %mul3A_325, %add3A_326 : vector<101x128xf32>
    %get3A_328 = arith.constant 0 : index
    %get3A_329 = arith.constant 0 : index
    %get3A_330 = vector.load %arg24[%get3A_328, %get3A_329] : memref<128x512xf32, #tpu.memory_space<vmem>>, vector<128x512xf32>
    %dot_general3A_331 = arith.constant dense<0.000000e+00> : vector<101x512xf32>
    %dot_general3A_332 = tpu.matmul %add3A_327, %get3A_330, %dot_general3A_331 {dimension_numbers = #tpu.dot_dimension_numbers<[1], [0], [0], [1], [0, 0, 1, 1], [], []>, transpose_lhs_hint = false} : vector<101x128xf32>, vector<128x512xf32>, vector<101x512xf32> -> vector<101x512xf32>
    %get3A_333 = arith.constant 0 : index
    %get3A_334 = arith.constant 0 : index
    %get3A_335 = vector.load %arg25[%get3A_333, %get3A_334] : memref<1x512xf32, #tpu.memory_space<vmem>>, vector<1x512xf32>
    %add3A_336 = vector.broadcast %get3A_335 : vector<1x512xf32> to vector<101x512xf32>
    %add3A_337 = arith.addf %dot_general3A_332, %add3A_336 : vector<101x512xf32>
    %integer_pow3A_338 = arith.mulf %add3A_337, %add3A_337 : vector<101x512xf32>
    %integer_pow3A_339 = arith.mulf %add3A_337, %integer_pow3A_338 : vector<101x512xf32>
    %mul3A_340 = arith.constant 4.471500e-02 : f32
    %mul3A_341 = vector.broadcast %mul3A_340 : f32 to vector<101x512xf32>
    %mul3A_342 = arith.mulf %mul3A_341, %integer_pow3A_339 : vector<101x512xf32>
    %add3A_343 = arith.addf %add3A_337, %mul3A_342 : vector<101x512xf32>
    %mul3A_344 = arith.constant 0.797884583 : f32
    %mul3A_345 = vector.broadcast %mul3A_344 : f32 to vector<101x512xf32>
    %mul3A_346 = arith.mulf %mul3A_345, %add3A_343 : vector<101x512xf32>
    %tanh3A = math.tanh %mul3A_346 : vector<101x512xf32>
    %add3A_347 = arith.constant 1.000000e+00 : f32
    %add3A_348 = vector.broadcast %add3A_347 : f32 to vector<101x512xf32>
    %add3A_349 = arith.addf %add3A_348, %tanh3A : vector<101x512xf32>
    %mul3A_350 = arith.constant 5.000000e-01 : f32
    %mul3A_351 = vector.broadcast %mul3A_350 : f32 to vector<101x512xf32>
    %mul3A_352 = arith.mulf %mul3A_351, %add3A_349 : vector<101x512xf32>
    %mul3A_353 = arith.mulf %add3A_337, %mul3A_352 : vector<101x512xf32>
    %get3A_354 = arith.constant 0 : index
    %get3A_355 = arith.constant 0 : index
    %get3A_356 = vector.load %arg26[%get3A_354, %get3A_355] : memref<512x128xf32, #tpu.memory_space<vmem>>, vector<512x128xf32>
    %dot_general3A_357 = arith.constant dense<0.000000e+00> : vector<101x128xf32>
    %dot_general3A_358 = tpu.matmul %mul3A_353, %get3A_356, %dot_general3A_357 {dimension_numbers = #tpu.dot_dimension_numbers<[1], [0], [0], [1], [0, 0, 1, 1], [], []>, transpose_lhs_hint = false} : vector<101x512xf32>, vector<512x128xf32>, vector<101x128xf32> -> vector<101x128xf32>
    %get3A_359 = arith.constant 0 : index
    %get3A_360 = arith.constant 0 : index
    %get3A_361 = vector.load %arg27[%get3A_359, %get3A_360] : memref<1x128xf32, #tpu.memory_space<vmem>>, vector<1x128xf32>
    %add3A_362 = vector.broadcast %get3A_361 : vector<1x128xf32> to vector<101x128xf32>
    %add3A_363 = arith.addf %dot_general3A_358, %add3A_362 : vector<101x128xf32>
    %add3A_364 = arith.addf %add3A_294, %add3A_363 : vector<101x128xf32>
    %get3A_365 = arith.constant 0 : index
    %get3A_366 = arith.constant 0 : index
    %get3A_367 = vector.load %arg28[%get3A_365, %get3A_366] : memref<1x128xf32, #tpu.memory_space<vmem>>, vector<1x128xf32>
    %get3A_368 = arith.constant 0 : index
    %get3A_369 = arith.constant 0 : index
    %get3A_370 = vector.load %arg29[%get3A_368, %get3A_369] : memref<1x128xf32, #tpu.memory_space<vmem>>, vector<1x128xf32>
    %reduce_sum3A_371 = arith.constant dense<0.000000e+00> : vector<101xf32>
    %reduce_sum3A_372 = vector.multi_reduction <add>, %add3A_364, %reduce_sum3A_371 [1] : vector<101x128xf32> to vector<101xf32>
    %broadcast_in_dim3A_373 = vector.shape_cast %reduce_sum3A_372 : vector<101xf32> to vector<101x1xf32>
    %div3A_374 = arith.constant 1.280000e+02 : f32
    %div3A_375 = vector.broadcast %div3A_374 : f32 to vector<101x1xf32>
    %div3A_376 = arith.divf %broadcast_in_dim3A_373, %div3A_375 : vector<101x1xf32>
    %sub3A_377 = vector.broadcast %div3A_376 : vector<101x1xf32> to vector<101x128xf32>
    %sub3A_378 = arith.subf %add3A_364, %sub3A_377 : vector<101x128xf32>
    %integer_pow3A_379 = arith.mulf %sub3A_378, %sub3A_378 : vector<101x128xf32>
    %reduce_sum3A_380 = arith.constant dense<0.000000e+00> : vector<101xf32>
    %reduce_sum3A_381 = vector.multi_reduction <add>, %integer_pow3A_379, %reduce_sum3A_380 [1] : vector<101x128xf32> to vector<101xf32>
    %broadcast_in_dim3A_382 = vector.shape_cast %reduce_sum3A_381 : vector<101xf32> to vector<101x1xf32>
    %div3A_383 = arith.constant 1.280000e+02 : f32
    %div3A_384 = vector.broadcast %div3A_383 : f32 to vector<101x1xf32>
    %div3A_385 = arith.divf %broadcast_in_dim3A_382, %div3A_384 : vector<101x1xf32>
    %sub3A_386 = vector.broadcast %div3A_376 : vector<101x1xf32> to vector<101x128xf32>
    %sub3A_387 = arith.subf %add3A_364, %sub3A_386 : vector<101x128xf32>
    %add3A_388 = arith.constant 9.99999997E-7 : f32
    %add3A_389 = vector.broadcast %add3A_388 : f32 to vector<101x1xf32>
    %add3A_390 = arith.addf %div3A_385, %add3A_389 : vector<101x1xf32>
    %sqrt3A_391 = math.sqrt %add3A_390 : vector<101x1xf32>
    %div3A_392 = vector.broadcast %sqrt3A_391 : vector<101x1xf32> to vector<101x128xf32>
    %div3A_393 = arith.divf %sub3A_387, %div3A_392 : vector<101x128xf32>
    %mul3A_394 = vector.broadcast %get3A_367 : vector<1x128xf32> to vector<101x128xf32>
    %mul3A_395 = arith.mulf %div3A_393, %mul3A_394 : vector<101x128xf32>
    %add3A_396 = vector.broadcast %get3A_370 : vector<1x128xf32> to vector<101x128xf32>
    %add3A_397 = arith.addf %mul3A_395, %add3A_396 : vector<101x128xf32>
    %slice3A_398 = vector.extract_strided_slice %add3A_397 {offsets = [0, 0], sizes = [1, 128], strides = [1, 1]} : vector<101x128xf32> to vector<1x128xf32>
    %get3A_399 = arith.constant 0 : index
    %get3A_400 = arith.constant 0 : index
    %get3A_401 = vector.load %arg30[%get3A_399, %get3A_400] : memref<128x2xf32, #tpu.memory_space<vmem>>, vector<128x2xf32>
    %dot_general3A_402 = arith.constant dense<0.000000e+00> : vector<1x2xf32>
    %dot_general3A_403 = tpu.matmul %slice3A_398, %get3A_401, %dot_general3A_402 {dimension_numbers = #tpu.dot_dimension_numbers<[1], [0], [0], [1], [0, 0, 1, 1], [], []>, transpose_lhs_hint = false} : vector<1x128xf32>, vector<128x2xf32>, vector<1x2xf32> -> vector<1x2xf32>
    %get3A_404 = arith.constant 0 : index
    %get3A_405 = arith.constant 0 : index
    %get3A_406 = vector.load %arg31[%get3A_404, %get3A_405] : memref<1x2xf32, #tpu.memory_space<vmem>>, vector<1x2xf32>
    %add3A_407 = arith.addf %dot_general3A_403, %get3A_406 : vector<1x2xf32>
    %swap3A = arith.constant 0 : index
    %swap3A_408 = arith.constant 0 : index
    %swap3A_409 = vector.load %arg32[%swap3A, %swap3A_408] : memref<1x2xf32, #tpu.memory_space<vmem>>, vector<1x2xf32>
    tpu.vector_store %arg32[%swap3A, %swap3A_408], %add3A_407 {strides = array<i32>} : memref<1x2xf32, #tpu.memory_space<vmem>>, vector<1x2xf32>,
    return
  }
}

</mosaic_0001>

<sc_bundles>
// kernel: kernel.7.cloned.1.call-start
scs
__scs_entry_jumppad:
0x0: {  	(pc) =	sbr.rel $0x88, $3  }
0x1: {  	(tag) =	ssettag $0x0;
	lr =	simm.s32 $0x1  }
0x2: {  	[smem:$0x3F79] =	sst lr;
	_ =	strace $0xD0000000  }
0x3: {  	_ = 	snop  }
0x4: {  	_ = 	snop  }
0x5: {  	_ = 	snop  }
0x6: {  	_ = 	snop  }
0x7: {  	_ = 	snop  }
__scs_overlays_trampoline_lowered:
0x8: {  	[smem:$0x3F88] =	sst s0  }
0x9: {  	[smem:$0x3F89] =	sst s1  }
0xa: {  	[smem:$0x3F8A] =	sst s2  }
0xb: {  	[smem:$0x3F8B] =	sst s3  }
0xc: {  	[smem:$0x3F8C] =	sst s4  }
0xd: {  	[smem:$0x3F8D] =	sst s5  }
0xe: {  	[smem:$0x3F8E] =	sst s6  }
0xf: {  	[smem:$0x3F8F] =	sst s7  }
0x10: {  	[smem:$0x3F90] =	sst s8  }
0x11: {  	[smem:$0x3F91] =	sst s9;
	s0 =	simm.s32 @!p0 $0x0  }
0x12: {  	s1 =	sld [smem:$0x3F77];
	s0 =	simm.s32 @p0 $0x1  }
0x13: {  	[smem:$0x3F92] =	sst s0;
	s0 =	simm.s32 @!p1 $0x0  }
0x14: {  	s2 =	sld [smem:$0x3F76];
	s0 =	simm.s32 @p1 $0x1  }
0x15: {  	[smem:$0x3F93] =	sst s0;
	s0 =	simm.s32 @!p2 $0x0  }
0x16: {  	s3 =	sld [smem:$0x3FDB];
	s0 =	simm.s32 @p2 $0x1  }
0x17: {  	s4 =	simm.s32 $0x1BF5;
	[smem:$0x3F95] =	sst s0  }
0x18: {  	s0 =	sld [smem:$0x3F78];
	_ =	swait.ge [sflag:s4], $0x0  }
0x19: {  	s7 =	sld [smem:$0x3F79]  }
0x1a: {  	s8 =	sadd.s32 $0xFFFFE003, lr  }
0x1b: {  	s9 =	sadd.s32 $0xFFFFFEF7, lr;
	s5 =	simm.s32 $0xFFFFFFFF;
	p2 =	slt.u32 s8, $0xFFFFF086  }
0x1c: {  	p1 =	slt.u32 s9, $0xF7A;
	s5 =	simm.s32 @!p2 $0x0  }
0x1d: {  	s5 =	simm.s32 @p1 $0x1;
	p0 =	seq.s32 s7, s2  }
0x1e: {  	s7 =	smul.u32 @!p0 $0xF7A, s2;
	p2 =	seq.s32 @!p0 s5, $0x0  }
0x1f: {  	s9 =	smul.u32 $0xF7A, s1;
	s8 =	simm.s32 @!p0 $0x1BF5;
	p2 =	por !p2, p0  }
0x20: {  	[sflag:s8] =	ssyncset.s32 @!p0 $0xFFFFF086;
	s6 =	sadd.s32 @!p0 s3, s7;
	s7 =	simm.s32 @!p0 $0x108  }
0x21: {  	s3 =	sadd.s32 s3, s9;
	s6 =	sadd.s32 @!p0 $0x88, s6;
	s7 =	simm.s32 @p2 $0x1082  }
0x22: {  	[simem:s7], [sflag:s8] =	dma.local @!p0 [hbm:s6], $0xF7A  }
0x23: {  	s9 =	sor.u32 $0xD0000000, s2;
	s6 =	simm.s32 $0x108;
	_ =	swait.ge @!p0 [sflag:s8], $0x0  }
0x24: {  	s3 =	sadd.s32 $0x88, s3;
	s6 =	simm.s32 @!p1 $0x1082;
	[sflag:s4] =	ssyncset.s32 $0xFFFFF086  }
0x25: {  	[simem:s6], [sflag:s4] =	dma.local [hbm:s3], $0xF7A  }
0x26: {  	[smem:$0x3F79] =	sst s1;
	(tag) =	ssettag s2;
	_ =	strace s9  }
0x27: {  	s1 =	sld [smem:$0x3F89]  }
0x28: {  	s2 =	sld [smem:$0x3F8A]  }
0x29: {  	s4 =	sld [smem:$0x3F8C]  }
0x2a: {  	p0 =	seq.s32 s5, $0x0;
	s5 =	sld [smem:$0x3F8D]  }
0x2b: {  	s6 =	sld [smem:$0x3F8E]  }
0x2c: {  	s7 =	sld [smem:$0x3F8F]  }
0x2d: {  	s3 =	simm.s32 $0x108;
	s8 =	sld [smem:$0x3F90]  }
0x2e: {  	s3 =	simm.s32 @!p0 $0x1082;
	s9 =	sld [smem:$0x3F91]  }
0x2f: {  	lr =	sadd.s32 s0, s3;
	s0 =	sld [smem:$0x3F88]  }
0x30: {  	s3 =	sld [smem:$0x3F8B]  }
0x31: {  	[smem:$0x3F94] =	sst s10  }
0x32: {  	s10 =	sld [smem:$0x3F92];
	_ =	sdelay $0x3  }
0x33: {  	p0 =	seq.s32 s10, $0x1;
	s10 =	sld [smem:$0x3F94];
	_ =	sdelay $0x3  }
0x34: {  	[smem:$0x3F94] =	sst s10  }
0x35: {  	s10 =	sld [smem:$0x3F93];
	_ =	sdelay $0x3  }
0x36: {  	p1 =	seq.s32 s10, $0x1;
	s10 =	sld [smem:$0x3F94];
	_ =	sdelay $0x3  }
0x37: {  	[smem:$0x3F94] =	sst s10  }
0x38: {  	s10 =	sld [smem:$0x3F95]  }
0x39: {  	_ = 	snop;
	(pc) =	sbr.ind lr, $3  }
0x3a: {  	_ = 	snop  }
0x3b: {  	_ = 	snop  }
0x3c: {  	p2 =	seq.s32 s10, $0x1;
	s10 =	sld [smem:$0x3F94]  }
0x3d: {  	_ =	shalt  }
0x3e: {  	_ =	shalt  }
0x3f: {  	_ =	shalt  }
0x40: {  	_ =	shalt  }
0x41: {  	_ =	shalt  }
0x42: {  	_ =	shalt  }
0x43: {  	_ =	shalt  }
0x44: {  	_ =	shalt  }
0x45: {  	_ =	shalt  }
0x46: {  	_ =	shalt  }
0x47: {  	_ =	shalt  }
0x48: {  	_ =	shalt  }
0x49: {  	_ =	shalt  }
0x4a: {  	_ =	shalt  }
0x4b: {  	_ =	shalt  }
0x4c: {  	_ =	shalt  }
0x4d: {  	_ =	shalt  }
0x4e: {  	_ =	shalt  }
0x4f: {  	_ =	shalt  }
0x50: {  	_ =	shalt  }
0x51: {  	_ =	shalt  }
0x52: {  	_ =	shalt  }
0x53: {  	_ =	shalt  }
0x54: {  	_ =	shalt  }
0x55: {  	_ =	shalt  }
0x56: {  	_ =	shalt  }
0x57: {  	_ =	shalt  }
0x58: {  	_ =	shalt  }
0x59: {  	_ =	shalt  }
0x5a: {  	_ =	shalt  }
0x5b: {  	_ =	shalt  }
0x5c: {  	_ =	shalt  }
0x5d: {  	_ =	shalt  }
0x5e: {  	_ =	shalt  }
0x5f: {  	_ =	shalt  }
0x60: {  	_ =	shalt  }
0x61: {  	_ =	shalt  }
0x62: {  	_ =	shalt  }
0x63: {  	_ =	shalt  }
0x64: {  	_ =	shalt  }
0x65: {  	_ =	shalt  }
0x66: {  	_ =	shalt  }
0x67: {  	_ =	shalt  }
0x68: {  	_ =	shalt  }
0x69: {  	_ =	shalt  }
0x6a: {  	_ =	shalt  }
0x6b: {  	_ =	shalt  }
0x6c: {  	_ =	shalt  }
0x6d: {  	_ =	shalt  }
0x6e: {  	_ =	shalt  }
0x6f: {  	_ =	shalt  }
0x70: {  	_ =	shalt  }
0x71: {  	_ =	shalt  }
0x72: {  	_ =	shalt  }
0x73: {  	_ =	shalt  }
0x74: {  	_ =	shalt  }
0x75: {  	_ =	shalt  }
0x76: {  	_ =	shalt  }
0x77: {  	_ =	shalt  }
0x78: {  	_ =	shalt  }
0x79: {  	_ =	shalt  }
0x7a: {  	_ =	shalt  }
0x7b: {  	_ =	shalt  }
0x7c: {  	_ =	shalt  }
0x7d: {  	_ =	shalt  }
0x7e: {  	_ =	shalt  }
0x7f: {  	_ =	shalt  }
0x80: {  	_ =	shalt  }
0x81: {  	_ =	shalt  }
0x82: {  	_ =	shalt  }
0x83: {  	_ =	shalt  }
0x84: {  	_ =	shalt  }
0x85: {  	_ =	shalt  }
0x86: {  	_ =	shalt  }
0x87: {  	_ =	shalt  }
.Lfunc_end0:
.L_simem_size_0:
called_computation_lowered:
.L_overlay_start_0:
0x88: {  	s2 =	sld [smem:$0x3FD9]  }
0x89: {  	s3 =	sld [smem:$0x3FFE];
	_ =	sdelay $0x1  }
0x8a: {  	s1 =	srdreg.scid  }
0x8b: {  	s0 =	sand.u32 $0x1, s1  }
0x8c: {  	s16 =	sshll.u32 s0, $0xA;
	s2 =	sadd.s32 s3, s2  }
0x8d: {  	s2 =	sadd.s32 s2, s16  }
0x8e: {  	[smem:$0x3FA0] =	sst s2  }
0x8f: {  	_ = 	snop  }
0x90: {  	(tm) =	ssettm $0x1  }
0x91: {  	s17 =	sld [smem:$0x3FFB];
	_ =	sdelay $0x3  }
0x92: {  	_ =	strace s17  }
0x93: {  	s2 =	sld [smem:$0x3FFC];
	_ =	sdelay $0x3  }
0x94: {  	_ =	strace s2  }
0x95: {  	s2 =	sld [smem:$0x3FFD];
	_ =	sdelay $0x3  }
0x96: {  	_ =	strace s2  }
0x97: {  	_ =	strace $0x8FFFFFFF  }
0x98: {  	s18 =	sld [smem:$0x3FDB];
	_ =	sdelay $0x1  }
0x99: {  	s19 =	simm.s32 $_scs_section_size  }
0x9a: {  	s4 =	simm.s32 $_size__tile_overlayer_lowered;
	s5 =	simm.s32 $_tile_overlayer_lowered  }
0x9b: {  	s22 =	simm.s32 $0x1BFF;
	s21 =	sshll.u32 s5, $0x1;
	s2 =	sadd.s32 s19, s18  }
0x9c: {  	s6 =	simm.s32 $0x0;
	s20 =	sshll.u32 s4, $0x1;
	s4 =	sadd.s32 s21, s2  }
0x9d: {  	[timem:s6], [sflag:s22] =	dma.local [hbm:s4], s20  }
0x9e: {  	_ =	swait.ge [sflag:s22], s20  }
0x9f: {  	s3 =	ssub.s32 $0x0, s20;
	[sflag:s22] =	ssyncset.done $0x0  }
0xa0: {  	[sflag:s22] =	ssyncadd.s32 s3;
	_ =	sdelay $0x1  }
0xa1: {  	s23 =	simm.s32 $0x1B8B  }
0xa2: {  	_ =	swait.ge [sflag:s23], $0x1  }
0xa3: {  	[sflag:s23] =	ssyncset.done $0x0  }
0xa4: {  	s25 =	simm.s32 $0x1B8E;
	s24 =	sld [smem:$0x3FFE];
	[sflag:s23] =	ssyncadd.s32 $0xFFFFFFFF  }
0xa5: {  	s26 =	simm.s32 $execute0_lowered;
	[smem:$0x3FD2] =	sst s25  }
0xa6: {  	s4 =	sshll.u32 s26, $0x1;
	_ =	strace $0x80000046;
	[dreg:$0x1] =	wrdreg $0xFFFFFFFF  }
0xa7: {  	s28 =	simm.s32 $_size_execute0_lowered;
	s2 =	sadd.s32 s2, s4;
	[dreg:$0x0] =	wrdreg $0x0  }
0xa8: {  	s4 =	sshll.u32 s28, $0x1;
	[dreg:$0x2] =	wrdreg s2  }
0xa9: {  	[dreg:$0x3] =	wrdreg s4  }
0xaa: {  	[dreg:$0x4] =	wrdreg $0xC0  }
0xab: {  	_ =	task [dreg:s6], $0x5FFFF  }
0xac: {  	[dreg:$0x1] =	wrdreg $0xFFFFFFFF  }
0xad: {  	[dreg:$0x0] =	wrdreg $0x60  }
0xae: {  	[dreg:$0x2] =	wrdreg s24  }
0xaf: {  	[dreg:$0x3] =	wrdreg $0xB8000  }
0xb0: {  	[dreg:$0x4] =	wrdreg $0x9  }
0xb1: {  	_ =	task.clear_ibuf [dreg:s6], $0x5FFFF;
	_ =	strace $0x90000046  }
0xb2: {  	s29 =	simm.s32 $0x9;
	_ =	strace $0x80000048  }
0xb3: {  	_ =	swait.ge [sflag:s29], $0x1  }
0xb4: {  	[sflag:s29] =	ssyncadd.s32 $0xFFFFFFFF  }
0xb5: {  	_ =	strace $0x90000048  }
0xb6: {  	_ =	sfence  }
0xb7: {  	s30 =	sld [smem:$0x0];
	_ =	sdelay $0x2  }
0xb8: {  	s31 =	sshll.u32 s1, $0xD;
	s1 =	sshrl.u32 s1, $0x2  }
0xb9: {  	s3 =	sand.u32 $0x4000, s31;
	s1 =	sadd.s32 s1, s30  }
0xba: {  	s0 =	sor.u32 s3, s0;
	s1 =	sshll.u32 s1, $0x11  }
0xbb: {  	s0 =	sor.u32 s1, s0  }
0xbc: {  	s0 =	sadd.s32 $0x8F2B, s0  }
0xbd: {  	[sflag:s0] =	ssyncadd.remote.s32 $0x1  }
0xbe: {  	_ =	sfence.sel $0xFFFF  }
0xbf: {  	[dreg:$0x0] =	wrdreg $0xFFFFFFFF;
	(pc) =	sbr.abs _section_cstart, $3  }
0xc0: {  	[dreg:$0x1] =	wrdreg $0xFFFFFFFF  }
0xc1: {  	_ =	task.clear_ibuf [dreg:s6], $0x2FFFF;
	_ =	strace $0x9FFFFFFF  }
0xc2: {  	(tm) =	ssettm $0x7FFFFFFF  }
0xc3: {  	_ =	shalt  }
tec
execute0_lowered:
.L_overlay_start_1:
0x0: {  	(tag) =	ssettag $0x1  }
0x1: {  	s1 =	srdreg.scid  }
0x2: {  	s0 =	rddreg [dreg:$0x0];
	s19 =	stileid.u32  }
0x3: {  	s2 =	rddreg [dreg:$0x1];
	s3 =	simm.s32 $0x0;
	s23 =	simm.s32 $0x100  }
0x4: {  	s25 =	simm.s32 $0x180;
	s26 =	simm.s32 $0x200;
	s29 =	simm.s32 $0x1000  }
0x5: {  	s30 =	simm.s32 $0x5;
	s31 =	simm.s32 $0x800;
	s28 =	simm.s32 $0x700  }
0x6: {  	s6 =	sand.u32 $0x1, s1;
	s4 =	smul.u32 $0x5000, s19;
	[smem:$0x7FF] =	sst s3  }
0x7: {  	s21 =	sshll.u32 s19, $0x7;
	s12 =	smul.u32 $0x14000, s19;
	s14 =	sadd.s32 $0x60000, s0  }
0x8: {  	s1 =	smul.u32 $0x50000, s6;
	_ =	strace $0x80000047;
	[dreg:$0x5] =	wrdreg s23  }
0x9: {  	s18 =	sshll.u32 s6, $0x4;
	s5 =	ssub.s32 $0x2, s6;
	[dreg:$0x6] =	wrdreg s25  }
0xa: {  	s15 =	smul.u32 $0x140000, s6;
	[dreg:$0x7] =	wrdreg s26;
	s23 =	simm.s32 $0x300  }
0xb: {  	s25 =	simm.s32 $0x980;
	s26 =	simm.s32 $0x380;
	s7 =	sshrl.u32 s5, $0x1  }
0xc: {  	s6 =	sadd.s32 $0x6000, s12;
	s8 =	sadd.s32 $0xA000, s12;
	[dreg:$0xb] =	wrdreg s23  }
0xd: {  	s9 =	sadd.s32 $0xC000, s12;
	s10 =	sadd.s32 $0xE000, s12;
	[dreg:$0xc] =	wrdreg s25  }
0xe: {  	s11 =	sadd.s32 $0x10000, s12;
	[dreg:$0xd] =	wrdreg s26;
	s23 =	simm.s32 $0xB00  }
0xf: {  	s25 =	simm.s32 $0x500;
	s1 =	sadd.s32 s4, s1;
	[dreg:$0x11] =	wrdreg s23  }
0x10: {  	s4 =	sor.u32 s19, s18;
	s17 =	sadd.s32 s12, s15;
	[dreg:$0x12] =	wrdreg s25  }
0x11: {  	s26 =	sadd.s32 s15, s10;
	s23 =	smul.u32 $0x50000, s19;
	s25 =	simm.s32 $0x600  }
0x12: {  	s19 =	sadd.s32 s8, s2;
	s1 =	sshrl.u32 s1, $0x3;
	s20 =	sshrl.u32 s4, $0x3  }
0x13: {  	s4 =	sand.u32 $0x380, s21;
	s17 =	sshrl.u32 s17, $0x3;
	[dreg:$0x16] =	wrdreg s25  }
0x14: {  	s21 =	simm.s32 $0x280;
	[smem:$0x7F6] =	sst s19;
	s19 =	simm.s32 $0xE80  }
0x15: {  	s16 =	sadd.s32 s1, s0;
	s1 =	smul.u32 $0x14000, s20;
	s17 =	sadd.s32 s14, s17  }
0x16: {  	s20 =	sadd.s32 s15, s6;
	[dreg:$0x9] =	wrdreg s21;
	s21 =	simm.s32 $0xA80  }
0x17: {  	[dreg:$0x17] =	wrdreg s17;
	s18 =	sadd.s32 $0x19C00, s16;
	s16 =	sadd.s32 $0x5C00, s16  }
0x18: {  	[dreg:$0xf] =	wrdreg s21;
	s21 =	simm.s32 $0xB80;
	s13 =	sor.u32 s4, s1  }
0x19: {  	s1 =	ssub.s32 s5, s7;
	s4 =	sor.u32 $0x2000, s12;
	s5 =	sadd.s32 $0x4000, s12  }
0x1a: {  	s7 =	sadd.s32 $0x8000, s12;
	s12 =	sadd.s32 $0x12000, s12;
	[dreg:$0x3] =	wrdreg s18  }
0x1b: {  	[dreg:$0x4] =	wrdreg s16;
	s18 =	simm.s32 $0x880;
	s16 =	sshrl.u32 s26, $0x3  }
0x1c: {  	[dreg:$0x13] =	wrdreg s21;
	s26 =	sshrl.u32 s23, $0x2;
	s21 =	sadd.s32 s10, s2  }
0x1d: {  	s10 =	simm.s32 $0x3;
	s22 =	sadd.s32 s15, s4;
	[dreg:$0x8] =	wrdreg s18  }
0x1e: {  	s24 =	sadd.s32 s15, s5;
	s18 =	simm.s32 $0xA00;
	[smem:$0x7F8] =	sst s21  }
0x1f: {  	s16 =	sadd.s32 s14, s16;
	s13 =	sshrl.u32 s13, $0x3;
	[dreg:$0xe] =	wrdreg s18  }
0x20: {  	s25 =	sadd.s32 s26, s2;
	s23 =	sadd.s32 s12, s2;
	[dreg:$0x1e] =	wrdreg s16  }
0x21: {  	s26 =	smax.u32 s1, $0x1;
	s1 =	simm.s32 $0x40;
	[smem:$0x7FA] =	sst s23  }
0x22: {  	s21 =	simm.s32 $0xF80;
	s17 =	sshrl.u32 s22, $0x3;
	[smem:$0x7FC] =	sst s26  }
0x23: {  	s22 =	simm.s32 $0x900;
	s18 =	sadd.s32 s15, s11;
	[smem:$0x7FD] =	sst s25  }
0x24: {  	s13 =	sadd.s32 s13, s0;
	s17 =	sadd.s32 s14, s17;
	[dreg:$0xa] =	wrdreg s22  }
0x25: {  	s26 =	simm.s32 $0xD00;
	s22 =	simm.s32 $0x480;
	[dreg:$0x18] =	wrdreg s17  }
0x26: {  	s17 =	sshrl.u32 s24, $0x3;
	[dreg:$0x10] =	wrdreg s22;
	s22 =	simm.s32 $0x580  }
0x27: {  	s24 =	sadd.s32 s15, s7;
	s17 =	sadd.s32 s14, s17;
	[dreg:$0x14] =	wrdreg s22  }
0x28: {  	s22 =	sadd.s32 s11, s2;
	s11 =	simm.s32 $0x4;
	[dreg:$0x19] =	wrdreg s17  }
0x29: {  	s17 =	sshrl.u32 s20, $0x3;
	s20 =	sadd.s32 s15, s8;
	[smem:$0x7F9] =	sst s22  }
0x2a: {  	s8 =	simm.s32 $0x7000;
	s22 =	simm.s32 $0x0;
	s17 =	sadd.s32 s14, s17  }
0x2b: {  	[dreg:$0x1a] =	wrdreg s17;
	s17 =	sshrl.u32 s24, $0x3;
	s24 =	sadd.s32 s15, s9  }
0x2c: {  	s15 =	sadd.s32 s15, s12;
	s12 =	simm.s32 $0x400;
	s17 =	sadd.s32 s14, s17  }
0x2d: {  	s15 =	sshrl.u32 s15, $0x3;
	[dreg:$0x1b] =	wrdreg s17;
	s17 =	sshrl.u32 s20, $0x3  }
0x2e: {  	s20 =	sshrl.u32 s18, $0x3;
	s18 =	sadd.s32 s7, s2;
	s7 =	simm.s32 $0x9000  }
0x2f: {  	s17 =	sadd.s32 s14, s17;
	s16 =	sadd.s32 s14, s20;
	[smem:$0x7F5] =	sst s18  }
0x30: {  	s20 =	sadd.s32 s9, s2;
	s9 =	simm.s32 $0x2;
	[dreg:$0x1c] =	wrdreg s17  }
0x31: {  	s18 =	simm.s32 $0xE00;
	s17 =	sshrl.u32 s24, $0x3;
	[dreg:$0x1f] =	wrdreg s16  }
0x32: {  	s24 =	simm.s32 $0xC00;
	s16 =	sadd.s32 s5, s2;
	[smem:$0x7F7] =	sst s20  }
0x33: {  	s5 =	simm.s32 $0x5000;
	s20 =	simm.s32 $0xF00;
	[dreg:$0x15] =	wrdreg s24  }
0x34: {  	s17 =	sadd.s32 s14, s17;
	s14 =	sadd.s32 s14, s15;
	[smem:$0x7F3] =	sst s16  }
0x35: {  	s15 =	sadd.s32 s4, s2;
	s24 =	sadd.s32 $0x56000, s13;
	[dreg:$0x1d] =	wrdreg s17  }
0x36: {  	s4 =	simm.s32 $0x3000;
	s13 =	simm.s32 $0xC80;
	[smem:$0x7F0] =	sst s14  }
0x37: {  	s16 =	simm.s32 $0xD80;
	s14 =	sadd.s32 $0x2DC00, s0;
	[smem:$0x7F2] =	sst s15  }
0x38: {  	s0 =	sadd.s32 $0x55C00, s0;
	s17 =	sadd.s32 s6, s2;
	[smem:$0x7FB] =	sst s24  }
0x39: {  	s6 =	simm.s32 $0x1;
	s15 =	simm.s32 $0x680;
	[smem:$0x7F1] =	sst s0  }
0x3a: {  	v0 =	vimm.f32 $0.0e+00;
	v1 =	vimm.f32 $1.000000000e+00;
	[smem:$0x7F4] =	sst s17;
	s0 =	simm.s32 $0x80;
	s17 =	simm.s32 $0x780  }
.LBB2_1:
0x3b: {  	s23 =	simm.s32 $0x40;
	s24 =	simm.s32 $0x0  }
.LBB2_2:
0x3c: {  	p0 =	sne.s32 s23, $0x9FC0;
	[tilespmem:s24+$0x9000] =	vst v0;
	s24 =	smov.u32 s23;
	s23 =	sadd.s32 $0x40, s23  }
.Ltmp0:
0x3d: {  	(pc) =	sbr.rel @p0 .LBB2_2-.Ltmp0, $2  }
0x3e: {  	_ =	sdelay $0x2  }
0x3f: {  	s24 =	sshra.s32 s24, $0x2  }
0x40: {  	[tilespmem:s24+$0x9000] =	vst v0;
	s24 =	sld [smem:$0x7F1];
	_ =	sdelay $0x1  }
0x41: {  	s23 =	simm.s32 $0x0  }
0x42: {  	[tilespmem:s29], [sflag:$0x5] =	stream.linear.gather [hbm4b:s24+s23], $0x2000, $0x38;
	[tilespmem:$0x1F800] =	vst v63  }
0x43: {  	_ =	swait.ge [sflag:s30], $0x2000  }
0x44: {  	[sflag:s30] =	ssyncset.done $0x0  }
0x45: {  	[sflag:s30] =	ssyncadd.s32 $0xFFFFE000  }
0x46: {  	[spmem:s25] =	stream.linear.scatter [tilespmem:s29], [sflag:$0x5], $0x2000, $0x38;
	[tilespmem:$0x1F800] =	vst v63  }
0x47: {  	_ =	swait.ge [sflag:s30], $0x2000  }
0x48: {  	s25 =	sld [smem:$0x7F2]  }
0x49: {  	[sflag:s30] =	ssyncset.done $0x0  }
0x4a: {  	[sflag:s30] =	ssyncadd.s32 $0xFFFFE000  }
0x4b: {  	[spmem:s25] =	stream.linear.scatter [tilespmem:s29], [sflag:$0x5], $0x2000, $0x38;
	[tilespmem:$0x1F800] =	vst v63  }
0x4c: {  	_ =	swait.ge [sflag:s30], $0x2000  }
0x4d: {  	s25 =	sld [smem:$0x7F3]  }
0x4e: {  	[sflag:s30] =	ssyncset.done $0x0  }
0x4f: {  	[sflag:s30] =	ssyncadd.s32 $0xFFFFE000  }
0x50: {  	[spmem:s25] =	stream.linear.scatter [tilespmem:s29], [sflag:$0x5], $0x2000, $0x38;
	[tilespmem:$0x1F800] =	vst v63  }
0x51: {  	_ =	swait.ge [sflag:s30], $0x2000  }
0x52: {  	s25 =	sld [smem:$0x7F4]  }
0x53: {  	[sflag:s30] =	ssyncset.done $0x0  }
0x54: {  	[sflag:s30] =	ssyncadd.s32 $0xFFFFE000  }
0x55: {  	[spmem:s25] =	stream.linear.scatter [tilespmem:s29], [sflag:$0x5], $0x2000, $0x38;
	[tilespmem:$0x1F800] =	vst v63  }
0x56: {  	_ =	swait.ge [sflag:s30], $0x2000  }
0x57: {  	s25 =	sld [smem:$0x7F5]  }
0x58: {  	[sflag:s30] =	ssyncset.done $0x0  }
0x59: {  	[sflag:s30] =	ssyncadd.s32 $0xFFFFE000  }
0x5a: {  	[spmem:s25] =	stream.linear.scatter [tilespmem:s29], [sflag:$0x5], $0x2000, $0x38;
	[tilespmem:$0x1F800] =	vst v63  }
0x5b: {  	_ =	swait.ge [sflag:s30], $0x2000  }
0x5c: {  	s25 =	sld [smem:$0x7F6]  }
0x5d: {  	[sflag:s30] =	ssyncset.done $0x0  }
0x5e: {  	[sflag:s30] =	ssyncadd.s32 $0xFFFFE000  }
0x5f: {  	[spmem:s25] =	stream.linear.scatter [tilespmem:s29], [sflag:$0x5], $0x2000, $0x38;
	[tilespmem:$0x1F800] =	vst v63  }
0x60: {  	_ =	swait.ge [sflag:s30], $0x2000  }
0x61: {  	s25 =	sld [smem:$0x7F7]  }
0x62: {  	[sflag:s30] =	ssyncset.done $0x0  }
0x63: {  	[sflag:s30] =	ssyncadd.s32 $0xFFFFE000  }
0x64: {  	[spmem:s25] =	stream.linear.scatter [tilespmem:s29], [sflag:$0x5], $0x2000, $0x38;
	[tilespmem:$0x1F800] =	vst v63  }
0x65: {  	_ =	swait.ge [sflag:s30], $0x2000  }
0x66: {  	s25 =	sld [smem:$0x7F8]  }
0x67: {  	[sflag:s30] =	ssyncset.done $0x0  }
0x68: {  	[sflag:s30] =	ssyncadd.s32 $0xFFFFE000  }
0x69: {  	[spmem:s25] =	stream.linear.scatter [tilespmem:s29], [sflag:$0x5], $0x2000, $0x38;
	[tilespmem:$0x1F800] =	vst v63  }
0x6a: {  	_ =	swait.ge [sflag:s30], $0x2000  }
0x6b: {  	s25 =	sld [smem:$0x7F9]  }
0x6c: {  	[sflag:s30] =	ssyncset.done $0x0  }
0x6d: {  	[sflag:s30] =	ssyncadd.s32 $0xFFFFE000  }
0x6e: {  	[spmem:s25] =	stream.linear.scatter [tilespmem:s29], [sflag:$0x5], $0x2000, $0x38;
	[tilespmem:$0x1F800] =	vst v63  }
0x6f: {  	_ =	swait.ge [sflag:s30], $0x2000  }
0x70: {  	s25 =	sld [smem:$0x7FA]  }
0x71: {  	[sflag:s30] =	ssyncset.done $0x0  }
0x72: {  	[sflag:s30] =	ssyncadd.s32 $0xFFFFE000  }
0x73: {  	[spmem:s25] =	stream.linear.scatter [tilespmem:s29], [sflag:$0x5], $0x2000, $0x38;
	[tilespmem:$0x1F800] =	vst v63  }
0x74: {  	_ =	swait.ge [sflag:s30], $0x2000  }
0x75: {  	[sflag:s30] =	ssyncset.done $0x0  }
0x76: {  	[sflag:s30] =	ssyncadd.s32 $0xFFFFE000  }
0x77: {  	[bflag:$0x0] =	sbarrier.arrive $0xFFFF  }
.LBB2_4:
0x78: {  	s24 =	rddreg [dreg:$0x4]  }
0x79: {  	s24 =	sadd.s32 s23, s24  }
0x7a: {  	[tilespmem:s3], [sflag:$0x5] =	stream.linear.gather [hbm4b:s24+s3], $0x800, $0x38;
	[tilespmem:$0x1F800] =	vst v63  }
0x7b: {  	_ =	swait.ge [sflag:s30], $0x800  }
0x7c: {  	s25 =	rddreg [dreg:$0x3];
	[sflag:s30] =	ssyncset.done $0x0  }
0x7d: {  	[sflag:s30] =	ssyncadd.s32 $0xFFFFF800;
	s24 =	sadd.s32 s23, s25  }
0x7e: {  	[tilespmem:s31], [sflag:$0x5] =	stream.linear.gather [hbm4b:s24+s3], $0x800, $0x38;
	[tilespmem:$0x1F800] =	vst v63  }
0x7f: {  	_ =	swait.ge [sflag:s30], $0x800  }
0x80: {  	[sflag:s30] =	ssyncset.done $0x0  }
0x81: {  	[sflag:s30] =	ssyncadd.s32 $0xFFFFF800  }
0x82: {  	[tilespmem:s29], [sflag:$0x1] =	stream.indirect.gather [hbm4b:s14+s1], $0x80, s3, s1, $0xb8;
	[tilespmem:$0x1F800] =	vst v63  }
0x83: {  	_ = 	snop  }
0x84: {  	[tilespmem:s4], [sflag:$0x2] =	stream.indirect.gather [hbm4b:s14+s1], $0x80, s0, s1, $0xb8;
	[tilespmem:$0x1F800] =	vst v63  }
0x85: {  	s25 =	rddreg [dreg:$0x5]  }
0x86: {  	[tilespmem:s5], [sflag:$0x3] =	stream.indirect.gather [hbm4b:s14+s1], $0x80, s25, s1, $0xb8;
	[tilespmem:$0x1F800] =	vst v63  }
0x87: {  	_ =	swait.ge [sflag:s6], $0x2000  }
0x88: {  	[sflag:s6] =	ssyncset.done $0x0  }
0x89: {  	[sflag:s6] =	ssyncadd.s32 $0xFFFFE000  }
0x8a: {  	v2 =	vld [tilespmem:$0x800];
	_ =	sdelay $0x7  }
0x8b: {  	[tilespmem:v2+s7+$0x0] =	vst.idx.add.f32.msk $0xffff, v1  }
0x8c: {  	v2 =	vld [tilespmem:$0x810];
	_ =	sdelay $0x7  }
0x8d: {  	[tilespmem:v2+s7+$0x0] =	vst.idx.add.f32.msk $0xffff, v1  }
0x8e: {  	v2 =	vld [tilespmem:$0x820];
	_ =	sdelay $0x7  }
0x8f: {  	[tilespmem:v2+s7+$0x0] =	vst.idx.add.f32.msk $0xffff, v1  }
0x90: {  	v2 =	vld [tilespmem:$0x830];
	_ =	sdelay $0x7  }
0x91: {  	s25 =	rddreg [dreg:$0x6];
	[tilespmem:v2+s7+$0x0] =	vst.idx.add.f32.msk $0xffff, v1  }
0x92: {  	[tilespmem:s8], [sflag:$0x4] =	stream.indirect.gather [hbm4b:s14+s1], $0x80, s25, s1, $0xb8;
	[tilespmem:$0x1F800] =	vst v63  }
0x93: {  	_ = 	snop  }
0x94: {  	[spmem:s2] =	stream.indirect.scatter.add.f32 [tilespmem:s29], [sflag:$0x5], $0x80, s31, s1, $0xb8;
	[tilespmem:$0x1F800] =	vst v63  }
0x95: {  	_ =	swait.ge [sflag:s30], $0x2000  }
0x96: {  	[sflag:s30] =	ssyncset.done $0x0  }
0x97: {  	[sflag:s30] =	ssyncadd.s32 $0xFFFFE000  }
0x98: {  	_ =	swait.ge [sflag:s9], $0x2000  }
0x99: {  	[sflag:s9] =	ssyncset.done $0x0  }
0x9a: {  	[sflag:s9] =	ssyncadd.s32 $0xFFFFE000  }
0x9b: {  	v2 =	vld [tilespmem:$0x880];
	_ =	sdelay $0x7  }
0x9c: {  	[tilespmem:v2+s7+$0x0] =	vst.idx.add.f32.msk $0xffff, v1  }
0x9d: {  	v2 =	vld [tilespmem:$0x890];
	_ =	sdelay $0x7  }
0x9e: {  	[tilespmem:v2+s7+$0x0] =	vst.idx.add.f32.msk $0xffff, v1  }
0x9f: {  	v2 =	vld [tilespmem:$0x8A0];
	_ =	sdelay $0x7  }
0xa0: {  	[tilespmem:v2+s7+$0x0] =	vst.idx.add.f32.msk $0xffff, v1  }
0xa1: {  	v2 =	vld [tilespmem:$0x8B0];
	_ =	sdelay $0x7  }
0xa2: {  	s24 =	rddreg [dreg:$0x7];
	[tilespmem:v2+s7+$0x0] =	vst.idx.add.f32.msk $0xffff, v1  }
0xa3: {  	[tilespmem:s29], [sflag:$0x1] =	stream.indirect.gather [hbm4b:s14+s1], $0x80, s24, s1, $0xb8;
	[tilespmem:$0x1F800] =	vst v63  }
0xa4: {  	s25 =	rddreg [dreg:$0x8]  }
0xa5: {  	[spmem:s2] =	stream.indirect.scatter.add.f32 [tilespmem:s4], [sflag:$0x5], $0x80, s25, s1, $0xb8;
	[tilespmem:$0x1F800] =	vst v63  }
0xa6: {  	_ =	swait.ge [sflag:s30], $0x2000  }
0xa7: {  	[sflag:s30] =	ssyncset.done $0x0  }
0xa8: {  	[sflag:s30] =	ssyncadd.s32 $0xFFFFE000  }
0xa9: {  	_ =	swait.ge [sflag:s10], $0x2000  }
0xaa: {  	[sflag:s10] =	ssyncset.done $0x0  }
0xab: {  	[sflag:s10] =	ssyncadd.s32 $0xFFFFE000  }
0xac: {  	v2 =	vld [tilespmem:$0x900];
	_ =	sdelay $0x7  }
0xad: {  	[tilespmem:v2+s7+$0x0] =	vst.idx.add.f32.msk $0xffff, v1  }
0xae: {  	v2 =	vld [tilespmem:$0x910];
	_ =	sdelay $0x7  }
0xaf: {  	[tilespmem:v2+s7+$0x0] =	vst.idx.add.f32.msk $0xffff, v1  }
0xb0: {  	v2 =	vld [tilespmem:$0x920];
	_ =	sdelay $0x7  }
0xb1: {  	[tilespmem:v2+s7+$0x0] =	vst.idx.add.f32.msk $0xffff, v1  }
0xb2: {  	v2 =	vld [tilespmem:$0x930];
	_ =	sdelay $0x7  }
0xb3: {  	s24 =	rddreg [dreg:$0x9];
	[tilespmem:v2+s7+$0x0] =	vst.idx.add.f32.msk $0xffff, v1  }
0xb4: {  	[tilespmem:s4], [sflag:$0x2] =	stream.indirect.gather [hbm4b:s14+s1], $0x80, s24, s1, $0xb8;
	[tilespmem:$0x1F800] =	vst v63  }
0xb5: {  	s25 =	rddreg [dreg:$0xa]  }
0xb6: {  	[spmem:s2] =	stream.indirect.scatter.add.f32 [tilespmem:s5], [sflag:$0x5], $0x80, s25, s1, $0xb8;
	[tilespmem:$0x1F800] =	vst v63  }
0xb7: {  	_ =	swait.ge [sflag:s30], $0x2000  }
0xb8: {  	[sflag:s30] =	ssyncset.done $0x0  }
0xb9: {  	[sflag:s30] =	ssyncadd.s32 $0xFFFFE000  }
0xba: {  	_ =	swait.ge [sflag:s11], $0x2000  }
0xbb: {  	[sflag:s11] =	ssyncset.done $0x0  }
0xbc: {  	[sflag:s11] =	ssyncadd.s32 $0xFFFFE000  }
0xbd: {  	v2 =	vld [tilespmem:$0x980];
	_ =	sdelay $0x7  }
0xbe: {  	[tilespmem:v2+s7+$0x0] =	vst.idx.add.f32.msk $0xffff, v1  }
0xbf: {  	v2 =	vld [tilespmem:$0x990];
	_ =	sdelay $0x7  }
0xc0: {  	[tilespmem:v2+s7+$0x0] =	vst.idx.add.f32.msk $0xffff, v1  }
0xc1: {  	v2 =	vld [tilespmem:$0x9A0];
	_ =	sdelay $0x7  }
0xc2: {  	[tilespmem:v2+s7+$0x0] =	vst.idx.add.f32.msk $0xffff, v1  }
0xc3: {  	v2 =	vld [tilespmem:$0x9B0];
	_ =	sdelay $0x7  }
0xc4: {  	s24 =	rddreg [dreg:$0xb];
	[tilespmem:v2+s7+$0x0] =	vst.idx.add.f32.msk $0xffff, v1  }
0xc5: {  	[tilespmem:s5], [sflag:$0x3] =	stream.indirect.gather [hbm4b:s14+s1], $0x80, s24, s1, $0xb8;
	[tilespmem:$0x1F800] =	vst v63  }
0xc6: {  	s25 =	rddreg [dreg:$0xc]  }
0xc7: {  	[spmem:s2] =	stream.indirect.scatter.add.f32 [tilespmem:s8], [sflag:$0x5], $0x80, s25, s1, $0xb8;
	[tilespmem:$0x1F800] =	vst v63  }
0xc8: {  	_ =	swait.ge [sflag:s30], $0x2000  }
0xc9: {  	[sflag:s30] =	ssyncset.done $0x0  }
0xca: {  	[sflag:s30] =	ssyncadd.s32 $0xFFFFE000  }
0xcb: {  	_ =	swait.ge [sflag:s6], $0x2000  }
0xcc: {  	[sflag:s6] =	ssyncset.done $0x0  }
0xcd: {  	[sflag:s6] =	ssyncadd.s32 $0xFFFFE000  }
0xce: {  	v2 =	vld [tilespmem:$0xA00];
	_ =	sdelay $0x7  }
0xcf: {  	[tilespmem:v2+s7+$0x0] =	vst.idx.add.f32.msk $0xffff, v1  }
0xd0: {  	v2 =	vld [tilespmem:$0xA10];
	_ =	sdelay $0x7  }
0xd1: {  	[tilespmem:v2+s7+$0x0] =	vst.idx.add.f32.msk $0xffff, v1  }
0xd2: {  	v2 =	vld [tilespmem:$0xA20];
	_ =	sdelay $0x7  }
0xd3: {  	[tilespmem:v2+s7+$0x0] =	vst.idx.add.f32.msk $0xffff, v1  }
0xd4: {  	v2 =	vld [tilespmem:$0xA30];
	_ =	sdelay $0x7  }
0xd5: {  	s24 =	rddreg [dreg:$0xd];
	[tilespmem:v2+s7+$0x0] =	vst.idx.add.f32.msk $0xffff, v1  }
0xd6: {  	[tilespmem:s8], [sflag:$0x4] =	stream.indirect.gather [hbm4b:s14+s1], $0x80, s24, s1, $0xb8;
	[tilespmem:$0x1F800] =	vst v63  }
0xd7: {  	s25 =	rddreg [dreg:$0xe]  }
0xd8: {  	[spmem:s2] =	stream.indirect.scatter.add.f32 [tilespmem:s29], [sflag:$0x5], $0x80, s25, s1, $0xb8;
	[tilespmem:$0x1F800] =	vst v63  }
0xd9: {  	_ =	swait.ge [sflag:s30], $0x2000  }
0xda: {  	[sflag:s30] =	ssyncset.done $0x0  }
0xdb: {  	[sflag:s30] =	ssyncadd.s32 $0xFFFFE000  }
0xdc: {  	_ =	swait.ge [sflag:s9], $0x2000  }
0xdd: {  	[sflag:s9] =	ssyncset.done $0x0  }
0xde: {  	[sflag:s9] =	ssyncadd.s32 $0xFFFFE000  }
0xdf: {  	v2 =	vld [tilespmem:$0xA80];
	_ =	sdelay $0x7  }
0xe0: {  	[tilespmem:v2+s7+$0x0] =	vst.idx.add.f32.msk $0xffff, v1  }
0xe1: {  	v2 =	vld [tilespmem:$0xA90];
	_ =	sdelay $0x7  }
0xe2: {  	[tilespmem:v2+s7+$0x0] =	vst.idx.add.f32.msk $0xffff, v1  }
0xe3: {  	v2 =	vld [tilespmem:$0xAA0];
	_ =	sdelay $0x7  }
0xe4: {  	[tilespmem:v2+s7+$0x0] =	vst.idx.add.f32.msk $0xffff, v1  }
0xe5: {  	v2 =	vld [tilespmem:$0xAB0];
	_ =	sdelay $0x7  }
0xe6: {  	[tilespmem:v2+s7+$0x0] =	vst.idx.add.f32.msk $0xffff, v1  }
0xe7: {  	[tilespmem:s29], [sflag:$0x1] =	stream.indirect.gather [hbm4b:s14+s1], $0x80, s12, s1, $0xb8;
	[tilespmem:$0x1F800] =	vst v63  }
0xe8: {  	s25 =	rddreg [dreg:$0xf]  }
0xe9: {  	[spmem:s2] =	stream.indirect.scatter.add.f32 [tilespmem:s4], [sflag:$0x5], $0x80, s25, s1, $0xb8;
	[tilespmem:$0x1F800] =	vst v63  }
0xea: {  	_ =	swait.ge [sflag:s30], $0x2000  }
0xeb: {  	[sflag:s30] =	ssyncset.done $0x0  }
0xec: {  	[sflag:s30] =	ssyncadd.s32 $0xFFFFE000  }
0xed: {  	_ =	swait.ge [sflag:s10], $0x2000  }
0xee: {  	[sflag:s10] =	ssyncset.done $0x0  }
0xef: {  	[sflag:s10] =	ssyncadd.s32 $0xFFFFE000  }
0xf0: {  	v2 =	vld [tilespmem:$0xB00];
	_ =	sdelay $0x7  }
0xf1: {  	[tilespmem:v2+s7+$0x0] =	vst.idx.add.f32.msk $0xffff, v1  }
0xf2: {  	v2 =	vld [tilespmem:$0xB10];
	_ =	sdelay $0x7  }
0xf3: {  	[tilespmem:v2+s7+$0x0] =	vst.idx.add.f32.msk $0xffff, v1  }
0xf4: {  	v2 =	vld [tilespmem:$0xB20];
	_ =	sdelay $0x7  }
0xf5: {  	[tilespmem:v2+s7+$0x0] =	vst.idx.add.f32.msk $0xffff, v1  }
0xf6: {  	v2 =	vld [tilespmem:$0xB30];
	_ =	sdelay $0x7  }
0xf7: {  	s24 =	rddreg [dreg:$0x10];
	[tilespmem:v2+s7+$0x0] =	vst.idx.add.f32.msk $0xffff, v1  }
0xf8: {  	[tilespmem:s4], [sflag:$0x2] =	stream.indirect.gather [hbm4b:s14+s1], $0x80, s24, s1, $0xb8;
	[tilespmem:$0x1F800] =	vst v63  }
0xf9: {  	s25 =	rddreg [dreg:$0x11]  }
0xfa: {  	[spmem:s2] =	stream.indirect.scatter.add.f32 [tilespmem:s5], [sflag:$0x5], $0x80, s25, s1, $0xb8;
	[tilespmem:$0x1F800] =	vst v63  }
0xfb: {  	_ =	swait.ge [sflag:s30], $0x2000  }
0xfc: {  	[sflag:s30] =	ssyncset.done $0x0  }
0xfd: {  	[sflag:s30] =	ssyncadd.s32 $0xFFFFE000  }
0xfe: {  	_ =	swait.ge [sflag:s11], $0x2000  }
0xff: {  	[sflag:s11] =	ssyncset.done $0x0  }
0x100: {  	[sflag:s11] =	ssyncadd.s32 $0xFFFFE000  }
0x101: {  	v2 =	vld [tilespmem:$0xB80];
	_ =	sdelay $0x7  }
0x102: {  	[tilespmem:v2+s7+$0x0] =	vst.idx.add.f32.msk $0xffff, v1  }
0x103: {  	v2 =	vld [tilespmem:$0xB90];
	_ =	sdelay $0x7  }
0x104: {  	[tilespmem:v2+s7+$0x0] =	vst.idx.add.f32.msk $0xffff, v1  }
0x105: {  	v2 =	vld [tilespmem:$0xBA0];
	_ =	sdelay $0x7  }
0x106: {  	[tilespmem:v2+s7+$0x0] =	vst.idx.add.f32.msk $0xffff, v1  }
0x107: {  	v2 =	vld [tilespmem:$0xBB0];
	_ =	sdelay $0x7  }
0x108: {  	s24 =	rddreg [dreg:$0x12];
	[tilespmem:v2+s7+$0x0] =	vst.idx.add.f32.msk $0xffff, v1  }
0x109: {  	[tilespmem:s5], [sflag:$0x3] =	stream.indirect.gather [hbm4b:s14+s1], $0x80, s24, s1, $0xb8;
	[tilespmem:$0x1F800] =	vst v63  }
0x10a: {  	s25 =	rddreg [dreg:$0x13]  }
0x10b: {  	[spmem:s2] =	stream.indirect.scatter.add.f32 [tilespmem:s8], [sflag:$0x5], $0x80, s25, s1, $0xb8;
	[tilespmem:$0x1F800] =	vst v63  }
0x10c: {  	_ =	swait.ge [sflag:s30], $0x2000  }
0x10d: {  	[sflag:s30] =	ssyncset.done $0x0  }
0x10e: {  	[sflag:s30] =	ssyncadd.s32 $0xFFFFE000  }
0x10f: {  	_ =	swait.ge [sflag:s6], $0x2000  }
0x110: {  	[sflag:s6] =	ssyncset.done $0x0  }
0x111: {  	[sflag:s6] =	ssyncadd.s32 $0xFFFFE000  }
0x112: {  	v2 =	vld [tilespmem:$0xC00];
	_ =	sdelay $0x7  }
0x113: {  	[tilespmem:v2+s7+$0x0] =	vst.idx.add.f32.msk $0xffff, v1  }
0x114: {  	v2 =	vld [tilespmem:$0xC10];
	_ =	sdelay $0x7  }
0x115: {  	[tilespmem:v2+s7+$0x0] =	vst.idx.add.f32.msk $0xffff, v1  }
0x116: {  	v2 =	vld [tilespmem:$0xC20];
	_ =	sdelay $0x7  }
0x117: {  	[tilespmem:v2+s7+$0x0] =	vst.idx.add.f32.msk $0xffff, v1  }
0x118: {  	v2 =	vld [tilespmem:$0xC30];
	_ =	sdelay $0x7  }
0x119: {  	s24 =	rddreg [dreg:$0x14];
	[tilespmem:v2+s7+$0x0] =	vst.idx.add.f32.msk $0xffff, v1  }
0x11a: {  	[tilespmem:s8], [sflag:$0x4] =	stream.indirect.gather [hbm4b:s14+s1], $0x80, s24, s1, $0xb8;
	[tilespmem:$0x1F800] =	vst v63  }
0x11b: {  	s25 =	rddreg [dreg:$0x15]  }
0x11c: {  	[spmem:s2] =	stream.indirect.scatter.add.f32 [tilespmem:s29], [sflag:$0x5], $0x80, s25, s1, $0xb8;
	[tilespmem:$0x1F800] =	vst v63  }
0x11d: {  	_ =	swait.ge [sflag:s30], $0x2000  }
0x11e: {  	[sflag:s30] =	ssyncset.done $0x0  }
0x11f: {  	[sflag:s30] =	ssyncadd.s32 $0xFFFFE000  }
0x120: {  	_ =	swait.ge [sflag:s9], $0x2000  }
0x121: {  	[sflag:s9] =	ssyncset.done $0x0  }
0x122: {  	[sflag:s9] =	ssyncadd.s32 $0xFFFFE000  }
0x123: {  	v2 =	vld [tilespmem:$0xC80];
	_ =	sdelay $0x7  }
0x124: {  	[tilespmem:v2+s7+$0x0] =	vst.idx.add.f32.msk $0xffff, v1  }
0x125: {  	v2 =	vld [tilespmem:$0xC90];
	_ =	sdelay $0x7  }
0x126: {  	[tilespmem:v2+s7+$0x0] =	vst.idx.add.f32.msk $0xffff, v1  }
0x127: {  	v2 =	vld [tilespmem:$0xCA0];
	_ =	sdelay $0x7  }
0x128: {  	[tilespmem:v2+s7+$0x0] =	vst.idx.add.f32.msk $0xffff, v1  }
0x129: {  	v2 =	vld [tilespmem:$0xCB0];
	_ =	sdelay $0x7  }
0x12a: {  	s25 =	rddreg [dreg:$0x16];
	[tilespmem:v2+s7+$0x0] =	vst.idx.add.f32.msk $0xffff, v1  }
0x12b: {  	[tilespmem:s29], [sflag:$0x1] =	stream.indirect.gather [hbm4b:s14+s1], $0x80, s25, s1, $0xb8;
	[tilespmem:$0x1F800] =	vst v63  }
0x12c: {  	_ = 	snop  }
0x12d: {  	[spmem:s2] =	stream.indirect.scatter.add.f32 [tilespmem:s4], [sflag:$0x5], $0x80, s13, s1, $0xb8;
	[tilespmem:$0x1F800] =	vst v63  }
0x12e: {  	_ =	swait.ge [sflag:s30], $0x2000  }
0x12f: {  	[sflag:s30] =	ssyncset.done $0x0  }
0x130: {  	[sflag:s30] =	ssyncadd.s32 $0xFFFFE000  }
0x131: {  	_ =	swait.ge [sflag:s10], $0x2000  }
0x132: {  	[sflag:s10] =	ssyncset.done $0x0  }
0x133: {  	[sflag:s10] =	ssyncadd.s32 $0xFFFFE000  }
0x134: {  	v2 =	vld [tilespmem:$0xD00];
	_ =	sdelay $0x7  }
0x135: {  	[tilespmem:v2+s7+$0x0] =	vst.idx.add.f32.msk $0xffff, v1  }
0x136: {  	v2 =	vld [tilespmem:$0xD10];
	_ =	sdelay $0x7  }
0x137: {  	[tilespmem:v2+s7+$0x0] =	vst.idx.add.f32.msk $0xffff, v1  }
0x138: {  	v2 =	vld [tilespmem:$0xD20];
	_ =	sdelay $0x7  }
0x139: {  	[tilespmem:v2+s7+$0x0] =	vst.idx.add.f32.msk $0xffff, v1  }
0x13a: {  	v2 =	vld [tilespmem:$0xD30];
	_ =	sdelay $0x7  }
0x13b: {  	[tilespmem:v2+s7+$0x0] =	vst.idx.add.f32.msk $0xffff, v1  }
0x13c: {  	[tilespmem:s4], [sflag:$0x2] =	stream.indirect.gather [hbm4b:s14+s1], $0x80, s15, s1, $0xb8;
	[tilespmem:$0x1F800] =	vst v63  }
0x13d: {  	_ = 	snop  }
0x13e: {  	[spmem:s2] =	stream.indirect.scatter.add.f32 [tilespmem:s5], [sflag:$0x5], $0x80, s26, s1, $0xb8;
	[tilespmem:$0x1F800] =	vst v63  }
0x13f: {  	_ =	swait.ge [sflag:s30], $0x2000  }
0x140: {  	[sflag:s30] =	ssyncset.done $0x0  }
0x141: {  	[sflag:s30] =	ssyncadd.s32 $0xFFFFE000  }
0x142: {  	_ =	swait.ge [sflag:s11], $0x2000  }
0x143: {  	[sflag:s11] =	ssyncset.done $0x0  }
0x144: {  	[sflag:s11] =	ssyncadd.s32 $0xFFFFE000  }
0x145: {  	v2 =	vld [tilespmem:$0xD80];
	_ =	sdelay $0x7  }
0x146: {  	[tilespmem:v2+s7+$0x0] =	vst.idx.add.f32.msk $0xffff, v1  }
0x147: {  	v2 =	vld [tilespmem:$0xD90];
	_ =	sdelay $0x7  }
0x148: {  	[tilespmem:v2+s7+$0x0] =	vst.idx.add.f32.msk $0xffff, v1  }
0x149: {  	v2 =	vld [tilespmem:$0xDA0];
	_ =	sdelay $0x7  }
0x14a: {  	[tilespmem:v2+s7+$0x0] =	vst.idx.add.f32.msk $0xffff, v1  }
0x14b: {  	v2 =	vld [tilespmem:$0xDB0];
	_ =	sdelay $0x7  }
0x14c: {  	[tilespmem:v2+s7+$0x0] =	vst.idx.add.f32.msk $0xffff, v1  }
0x14d: {  	[tilespmem:s5], [sflag:$0x3] =	stream.indirect.gather [hbm4b:s14+s1], $0x80, s28, s1, $0xb8;
	[tilespmem:$0x1F800] =	vst v63  }
0x14e: {  	_ = 	snop  }
0x14f: {  	[spmem:s2] =	stream.indirect.scatter.add.f32 [tilespmem:s8], [sflag:$0x5], $0x80, s16, s1, $0xb8;
	[tilespmem:$0x1F800] =	vst v63  }
0x150: {  	_ =	swait.ge [sflag:s30], $0x2000  }
0x151: {  	[sflag:s30] =	ssyncset.done $0x0  }
0x152: {  	[sflag:s30] =	ssyncadd.s32 $0xFFFFE000  }
0x153: {  	_ =	swait.ge [sflag:s6], $0x2000  }
0x154: {  	[sflag:s6] =	ssyncset.done $0x0  }
0x155: {  	[sflag:s6] =	ssyncadd.s32 $0xFFFFE000  }
0x156: {  	v2 =	vld [tilespmem:$0xE00];
	_ =	sdelay $0x7  }
0x157: {  	[tilespmem:v2+s7+$0x0] =	vst.idx.add.f32.msk $0xffff, v1  }
0x158: {  	v2 =	vld [tilespmem:$0xE10];
	_ =	sdelay $0x7  }
0x159: {  	[tilespmem:v2+s7+$0x0] =	vst.idx.add.f32.msk $0xffff, v1  }
0x15a: {  	v2 =	vld [tilespmem:$0xE20];
	_ =	sdelay $0x7  }
0x15b: {  	[tilespmem:v2+s7+$0x0] =	vst.idx.add.f32.msk $0xffff, v1  }
0x15c: {  	v2 =	vld [tilespmem:$0xE30];
	_ =	sdelay $0x7  }
0x15d: {  	[tilespmem:v2+s7+$0x0] =	vst.idx.add.f32.msk $0xffff, v1  }
0x15e: {  	[tilespmem:s8], [sflag:$0x4] =	stream.indirect.gather [hbm4b:s14+s1], $0x80, s17, s1, $0xb8;
	[tilespmem:$0x1F800] =	vst v63  }
0x15f: {  	_ = 	snop  }
0x160: {  	[spmem:s2] =	stream.indirect.scatter.add.f32 [tilespmem:s29], [sflag:$0x5], $0x80, s18, s1, $0xb8;
	[tilespmem:$0x1F800] =	vst v63  }
0x161: {  	_ =	swait.ge [sflag:s30], $0x2000  }
0x162: {  	[sflag:s30] =	ssyncset.done $0x0  }
0x163: {  	[sflag:s30] =	ssyncadd.s32 $0xFFFFE000  }
0x164: {  	_ =	swait.ge [sflag:s9], $0x2000  }
0x165: {  	[sflag:s9] =	ssyncset.done $0x0  }
0x166: {  	[sflag:s9] =	ssyncadd.s32 $0xFFFFE000  }
0x167: {  	v2 =	vld [tilespmem:$0xE80];
	_ =	sdelay $0x7  }
0x168: {  	[tilespmem:v2+s7+$0x0] =	vst.idx.add.f32.msk $0xffff, v1  }
0x169: {  	v2 =	vld [tilespmem:$0xE90];
	_ =	sdelay $0x7  }
0x16a: {  	[tilespmem:v2+s7+$0x0] =	vst.idx.add.f32.msk $0xffff, v1  }
0x16b: {  	v2 =	vld [tilespmem:$0xEA0];
	_ =	sdelay $0x7  }
0x16c: {  	[tilespmem:v2+s7+$0x0] =	vst.idx.add.f32.msk $0xffff, v1  }
0x16d: {  	v2 =	vld [tilespmem:$0xEB0];
	_ =	sdelay $0x7  }
0x16e: {  	[tilespmem:v2+s7+$0x0] =	vst.idx.add.f32.msk $0xffff, v1  }
0x16f: {  	[spmem:s2] =	stream.indirect.scatter.add.f32 [tilespmem:s4], [sflag:$0x5], $0x80, s19, s1, $0xb8;
	[tilespmem:$0x1F800] =	vst v63  }
0x170: {  	_ =	swait.ge [sflag:s30], $0x2000  }
0x171: {  	[sflag:s30] =	ssyncset.done $0x0  }
0x172: {  	[sflag:s30] =	ssyncadd.s32 $0xFFFFE000  }
0x173: {  	_ =	swait.ge [sflag:s10], $0x2000  }
0x174: {  	[sflag:s10] =	ssyncset.done $0x0  }
0x175: {  	[sflag:s10] =	ssyncadd.s32 $0xFFFFE000  }
0x176: {  	v2 =	vld [tilespmem:$0xF00];
	_ =	sdelay $0x7  }
0x177: {  	[tilespmem:v2+s7+$0x0] =	vst.idx.add.f32.msk $0xffff, v1  }
0x178: {  	v2 =	vld [tilespmem:$0xF10];
	_ =	sdelay $0x7  }
0x179: {  	[tilespmem:v2+s7+$0x0] =	vst.idx.add.f32.msk $0xffff, v1  }
0x17a: {  	v2 =	vld [tilespmem:$0xF20];
	_ =	sdelay $0x7  }
0x17b: {  	[tilespmem:v2+s7+$0x0] =	vst.idx.add.f32.msk $0xffff, v1  }
0x17c: {  	v2 =	vld [tilespmem:$0xF30];
	_ =	sdelay $0x7  }
0x17d: {  	[tilespmem:v2+s7+$0x0] =	vst.idx.add.f32.msk $0xffff, v1  }
0x17e: {  	[spmem:s2] =	stream.indirect.scatter.add.f32 [tilespmem:s5], [sflag:$0x5], $0x80, s20, s1, $0xb8;
	[tilespmem:$0x1F800] =	vst v63  }
0x17f: {  	_ =	swait.ge [sflag:s30], $0x2000  }
0x180: {  	[sflag:s30] =	ssyncset.done $0x0  }
0x181: {  	[sflag:s30] =	ssyncadd.s32 $0xFFFFE000  }
0x182: {  	_ =	swait.ge [sflag:s11], $0x2000  }
0x183: {  	[sflag:s11] =	ssyncset.done $0x0  }
0x184: {  	[sflag:s11] =	ssyncadd.s32 $0xFFFFE000  }
0x185: {  	v2 =	vld [tilespmem:$0xF80];
	_ =	sdelay $0x7  }
0x186: {  	[tilespmem:v2+s7+$0x0] =	vst.idx.add.f32.msk $0xffff, v1  }
0x187: {  	v2 =	vld [tilespmem:$0xF90];
	_ =	sdelay $0x7  }
0x188: {  	[tilespmem:v2+s7+$0x0] =	vst.idx.add.f32.msk $0xffff, v1  }
0x189: {  	v2 =	vld [tilespmem:$0xFA0];
	_ =	sdelay $0x7  }
0x18a: {  	[tilespmem:v2+s7+$0x0] =	vst.idx.add.f32.msk $0xffff, v1  }
0x18b: {  	v2 =	vld [tilespmem:$0xFB0];
	_ =	sdelay $0x6  }
0x18c: {  	p0 =	sne.s32 s23, $0x900  }
.Ltmp1:
0x18d: {  	[tilespmem:v2+s7+$0x0] =	vst.idx.add.f32.msk $0xffff, v1;
	(pc) =	sbr.rel @p0 .LBB2_4-.Ltmp1, $4  }
0x18e: {  	[spmem:s2] =	stream.indirect.scatter.add.f32 [tilespmem:s8], [sflag:$0x5], $0x80, s21, s1, $0xb8;
	[tilespmem:$0x1F800] =	vst v63  }
0x18f: {  	_ =	swait.ge [sflag:s30], $0x2000  }
0x190: {  	[sflag:s30] =	ssyncset.done $0x0  }
0x191: {  	s23 =	sadd.s32 $0x100, s23;
	[sflag:s30] =	ssyncadd.s32 $0xFFFFE000  }
0x192: {  	[bflag:$0x0] =	sbarrier.arrive $0xFFFF  }
0x193: {  	s25 =	sld [smem:$0x7FD];
	_ =	sdelay $0x2  }
0x194: {  	[tilespmem:s29], [sflag:$0x5] =	stream.linear.gather [spmem:s25], $0x2000, $0x38;
	[tilespmem:$0x1F800] =	vst v63  }
0x195: {  	_ =	swait.ge [sflag:s30], $0x2000  }
0x196: {  	[sflag:s30] =	ssyncset.done $0x0  }
0x197: {  	s23 =	rddreg [dreg:$0x17];
	[sflag:s30] =	ssyncadd.s32 $0xFFFFE000  }
0x198: {  	[hbm4b:s23+s3] =	stream.linear.scatter [tilespmem:s29], [sflag:$0x5], $0x2000, $0x38;
	[tilespmem:$0x1F800] =	vst v63  }
0x199: {  	_ =	swait.ge [sflag:s30], $0x2000  }
0x19a: {  	s24 =	sld [smem:$0x7F2]  }
0x19b: {  	[sflag:s30] =	ssyncset.done $0x0  }
0x19c: {  	[sflag:s30] =	ssyncadd.s32 $0xFFFFE000  }
0x19d: {  	[tilespmem:s29], [sflag:$0x5] =	stream.linear.gather [spmem:s24], $0x2000, $0x38;
	[tilespmem:$0x1F800] =	vst v63  }
0x19e: {  	_ =	swait.ge [sflag:s30], $0x2000  }
0x19f: {  	[sflag:s30] =	ssyncset.done $0x0  }
0x1a0: {  	s24 =	rddreg [dreg:$0x18];
	[sflag:s30] =	ssyncadd.s32 $0xFFFFE000  }
0x1a1: {  	[hbm4b:s24+s3] =	stream.linear.scatter [tilespmem:s29], [sflag:$0x5], $0x2000, $0x38;
	[tilespmem:$0x1F800] =	vst v63  }
0x1a2: {  	_ =	swait.ge [sflag:s30], $0x2000  }
0x1a3: {  	s24 =	sld [smem:$0x7F3]  }
0x1a4: {  	[sflag:s30] =	ssyncset.done $0x0  }
0x1a5: {  	[sflag:s30] =	ssyncadd.s32 $0xFFFFE000  }
0x1a6: {  	[tilespmem:s29], [sflag:$0x5] =	stream.linear.gather [spmem:s24], $0x2000, $0x38;
	[tilespmem:$0x1F800] =	vst v63  }
0x1a7: {  	_ =	swait.ge [sflag:s30], $0x2000  }
0x1a8: {  	[sflag:s30] =	ssyncset.done $0x0  }
0x1a9: {  	s24 =	rddreg [dreg:$0x19];
	[sflag:s30] =	ssyncadd.s32 $0xFFFFE000  }
0x1aa: {  	[hbm4b:s24+s3] =	stream.linear.scatter [tilespmem:s29], [sflag:$0x5], $0x2000, $0x38;
	[tilespmem:$0x1F800] =	vst v63  }
0x1ab: {  	_ =	swait.ge [sflag:s30], $0x2000  }
0x1ac: {  	s24 =	sld [smem:$0x7F4]  }
0x1ad: {  	[sflag:s30] =	ssyncset.done $0x0  }
0x1ae: {  	[sflag:s30] =	ssyncadd.s32 $0xFFFFE000  }
0x1af: {  	[tilespmem:s29], [sflag:$0x5] =	stream.linear.gather [spmem:s24], $0x2000, $0x38;
	[tilespmem:$0x1F800] =	vst v63  }
0x1b0: {  	_ =	swait.ge [sflag:s30], $0x2000  }
0x1b1: {  	[sflag:s30] =	ssyncset.done $0x0  }
0x1b2: {  	s24 =	rddreg [dreg:$0x1a];
	[sflag:s30] =	ssyncadd.s32 $0xFFFFE000  }
0x1b3: {  	[hbm4b:s24+s3] =	stream.linear.scatter [tilespmem:s29], [sflag:$0x5], $0x2000, $0x38;
	[tilespmem:$0x1F800] =	vst v63  }
0x1b4: {  	_ =	swait.ge [sflag:s30], $0x2000  }
0x1b5: {  	s24 =	sld [smem:$0x7F5]  }
0x1b6: {  	[sflag:s30] =	ssyncset.done $0x0  }
0x1b7: {  	[sflag:s30] =	ssyncadd.s32 $0xFFFFE000  }
0x1b8: {  	[tilespmem:s29], [sflag:$0x5] =	stream.linear.gather [spmem:s24], $0x2000, $0x38;
	[tilespmem:$0x1F800] =	vst v63  }
0x1b9: {  	_ =	swait.ge [sflag:s30], $0x2000  }
0x1ba: {  	[sflag:s30] =	ssyncset.done $0x0  }
0x1bb: {  	s24 =	rddreg [dreg:$0x1b];
	[sflag:s30] =	ssyncadd.s32 $0xFFFFE000  }
0x1bc: {  	[hbm4b:s24+s3] =	stream.linear.scatter [tilespmem:s29], [sflag:$0x5], $0x2000, $0x38;
	[tilespmem:$0x1F800] =	vst v63  }
0x1bd: {  	_ =	swait.ge [sflag:s30], $0x2000  }
0x1be: {  	s24 =	sld [smem:$0x7F6]  }
0x1bf: {  	[sflag:s30] =	ssyncset.done $0x0  }
0x1c0: {  	[sflag:s30] =	ssyncadd.s32 $0xFFFFE000  }
0x1c1: {  	[tilespmem:s29], [sflag:$0x5] =	stream.linear.gather [spmem:s24], $0x2000, $0x38;
	[tilespmem:$0x1F800] =	vst v63  }
0x1c2: {  	_ =	swait.ge [sflag:s30], $0x2000  }
0x1c3: {  	[sflag:s30] =	ssyncset.done $0x0  }
0x1c4: {  	s24 =	rddreg [dreg:$0x1c];
	[sflag:s30] =	ssyncadd.s32 $0xFFFFE000  }
0x1c5: {  	[hbm4b:s24+s3] =	stream.linear.scatter [tilespmem:s29], [sflag:$0x5], $0x2000, $0x38;
	[tilespmem:$0x1F800] =	vst v63  }
0x1c6: {  	_ =	swait.ge [sflag:s30], $0x2000  }
0x1c7: {  	s24 =	sld [smem:$0x7F7]  }
0x1c8: {  	[sflag:s30] =	ssyncset.done $0x0  }
0x1c9: {  	[sflag:s30] =	ssyncadd.s32 $0xFFFFE000  }
0x1ca: {  	[tilespmem:s29], [sflag:$0x5] =	stream.linear.gather [spmem:s24], $0x2000, $0x38;
	[tilespmem:$0x1F800] =	vst v63  }
0x1cb: {  	_ =	swait.ge [sflag:s30], $0x2000  }
0x1cc: {  	[sflag:s30] =	ssyncset.done $0x0  }
0x1cd: {  	s24 =	rddreg [dreg:$0x1d];
	[sflag:s30] =	ssyncadd.s32 $0xFFFFE000  }
0x1ce: {  	[hbm4b:s24+s3] =	stream.linear.scatter [tilespmem:s29], [sflag:$0x5], $0x2000, $0x38;
	[tilespmem:$0x1F800] =	vst v63  }
0x1cf: {  	_ =	swait.ge [sflag:s30], $0x2000  }
0x1d0: {  	s24 =	sld [smem:$0x7F8]  }
0x1d1: {  	[sflag:s30] =	ssyncset.done $0x0  }
0x1d2: {  	[sflag:s30] =	ssyncadd.s32 $0xFFFFE000  }
0x1d3: {  	[tilespmem:s29], [sflag:$0x5] =	stream.linear.gather [spmem:s24], $0x2000, $0x38;
	[tilespmem:$0x1F800] =	vst v63  }
0x1d4: {  	_ =	swait.ge [sflag:s30], $0x2000  }
0x1d5: {  	[sflag:s30] =	ssyncset.done $0x0  }
0x1d6: {  	s24 =	rddreg [dreg:$0x1e];
	[sflag:s30] =	ssyncadd.s32 $0xFFFFE000  }
0x1d7: {  	[hbm4b:s24+s3] =	stream.linear.scatter [tilespmem:s29], [sflag:$0x5], $0x2000, $0x38;
	[tilespmem:$0x1F800] =	vst v63  }
0x1d8: {  	_ =	swait.ge [sflag:s30], $0x2000  }
0x1d9: {  	s24 =	sld [smem:$0x7F9]  }
0x1da: {  	[sflag:s30] =	ssyncset.done $0x0  }
0x1db: {  	[sflag:s30] =	ssyncadd.s32 $0xFFFFE000  }
0x1dc: {  	[tilespmem:s29], [sflag:$0x5] =	stream.linear.gather [spmem:s24], $0x2000, $0x38;
	[tilespmem:$0x1F800] =	vst v63  }
0x1dd: {  	_ =	swait.ge [sflag:s30], $0x2000  }
0x1de: {  	[sflag:s30] =	ssyncset.done $0x0  }
0x1df: {  	s24 =	rddreg [dreg:$0x1f];
	[sflag:s30] =	ssyncadd.s32 $0xFFFFE000  }
0x1e0: {  	[hbm4b:s24+s3] =	stream.linear.scatter [tilespmem:s29], [sflag:$0x5], $0x2000, $0x38;
	[tilespmem:$0x1F800] =	vst v63  }
0x1e1: {  	_ =	swait.ge [sflag:s30], $0x2000  }
0x1e2: {  	s24 =	sld [smem:$0x7FA]  }
0x1e3: {  	[sflag:s30] =	ssyncset.done $0x0  }
0x1e4: {  	[sflag:s30] =	ssyncadd.s32 $0xFFFFE000  }
0x1e5: {  	[tilespmem:s29], [sflag:$0x5] =	stream.linear.gather [spmem:s24], $0x2000, $0x38;
	[tilespmem:$0x1F800] =	vst v63  }
0x1e6: {  	_ =	swait.ge [sflag:s30], $0x2000  }
0x1e7: {  	s24 =	sld [smem:$0x7F0]  }
0x1e8: {  	[sflag:s30] =	ssyncset.done $0x0  }
0x1e9: {  	[sflag:s30] =	ssyncadd.s32 $0xFFFFE000  }
0x1ea: {  	[hbm4b:s24+s3] =	stream.linear.scatter [tilespmem:s29], [sflag:$0x5], $0x2000, $0x38;
	[tilespmem:$0x1F800] =	vst v63  }
0x1eb: {  	_ =	swait.ge [sflag:s30], $0x2000  }
0x1ec: {  	s24 =	sld [smem:$0x7FB]  }
0x1ed: {  	[sflag:s30] =	ssyncset.done $0x0  }
0x1ee: {  	[sflag:s30] =	ssyncadd.s32 $0xFFFFE000  }
0x1ef: {  	[hbm4b:s24+s0] =	stream.strided.scatter [tilespmem:s7], [sflag:$0x5], $0x2800, s12, s0, $0x38;
	[tilespmem:$0x1F800] =	vst v63  }
0x1f0: {  	_ =	swait.ge [sflag:s30], $0x2800  }
0x1f1: {  	s24 =	sld [smem:$0x7FC];
	_ =	sdelay $0x1  }
0x1f2: {  	s22 =	sadd.s32 $0x1, s22  }
0x1f3: {  	p0 =	sne.s32 s22, s24  }
.Ltmp2:
0x1f4: {  	_ = 	snop;
	(pc) =	sbr.rel @p0 .LBB2_1-.Ltmp2, $3  }
0x1f5: {  	_ =	sdelay $0x1  }
0x1f6: {  	[sflag:s30] =	ssyncset.done $0x0  }
0x1f7: {  	[sflag:s30] =	ssyncadd.s32 $0xFFFFD800  }
0x1f8: {  	_ =	sfence.sel $0x180000  }
0x1f9: {  	[bflag:$0x0] =	sbarrier.arrive $0xFFFF  }
0x1fa: {  	_ =	strace $0x90000047  }
0x1fb: {  	s0 =	stileid.u32;
	[bflag:$0x2] =	sbarrier.arrive $0xFFFF  }
0x1fc: {  	p0 =	sne.s32 s0, $0x0;
	s0 =	rddreg [dreg:$0x2]  }
0x1fd: {  	s0 =	sadd.s32 @!p0 $0x100000, s0  }
0x1fe: {  	[sflag:s0] =	ssyncadd.tile.s32 @!p0 $0x1;
	_ =	shalt  }
.Lfunc_end2:
_tile_overlayer_lowered:
.L_overlay_start_2:
0x1ff: {  	(tag) =	ssettag $0x2  }
0x200: {  	s0 =	rddreg [dreg:$0x0];
	s2 =	stileid.u32  }
0x201: {  	s1 =	rddreg [dreg:$0x1];
	p0 =	sne.s32 s2, $0x0  }
0x202: {  	s3 =	rddreg [dreg:$0x2];
	[bflag:$0x3] =	sbarrier.arrive $0xFFFF;
	s2 =	simm.s32 @!p0 $0x1C05  }
0x203: {  	[timem:s3], [sflag:s2] =	dma.local @!p0 [hbm:s0], s1  }
0x204: {  	s0 =	simm.s32 @!p0 $0x5  }
0x205: {  	_ =	swait.ge @!p0 [sflag:s0], s1  }
0x206: {  	s1 =	ssub.s32 @!p0 $0x0, s1;
	[sflag:s0] =	ssyncset.done @!p0 $0x0  }
0x207: {  	[sflag:s0] =	ssyncadd.s32 @!p0 s1  }
0x208: {  	[bflag:$0x3] =	sbarrier.arrive $0xFFFF  }
0x209: {  	_ =	shalt  }

</sc_bundles>
